<compile_context>
chip_gen: v7x
topology: tpu7x:2x2x1
jax: 0.10.2.dev20260603
libtpu: 0.0.44.dev20260713+nightly
codegen_flags: <defaults>
</compile_context>

<pallas_src>
import functools

import jax
import jax.numpy as jnp
from jax import lax
from jax.experimental import pallas as pl
from jax.experimental.pallas import tpu as pltpu
from jax.experimental.pallas import tpu_sc as plsc

EPS = 1e-15
CLIP = 0.98

N = 10000
E = 160000
D = 256
LW = 128
K = 128
G = E // K
K2 = 128
G2 = E // K2
RB = 1000
EB = 2000
NC, NS = 2, 16
SPAN = 624
TAIL = N - NS * SPAN


def _rownorm(x):
    return jnp.sqrt(jnp.sum(x * x, axis=1, keepdims=True))


def _atanh(x):
    return 0.5 * jnp.log((1.0 + x) / (1.0 - x))


def _stage1_body(h_ref, w_ref, a_ref, l_ref):
    h = h_ref[...]
    f = h + EPS
    n = _rownorm(f)
    f = f * (CLIP / jnp.maximum(CLIP, n))
    nn = _rownorm(f)
    p = jnp.tanh(nn) * f / nn
    p = p + EPS
    pn0 = _rownorm(p)
    p = p * (CLIP / jnp.maximum(CLIP, pn0))
    mp = jnp.dot(p, w_ref[...], preferred_element_type=jnp.float32)
    pn = _rownorm(p)
    at = _atanh(jnp.clip(pn, -0.9, 0.9))
    t1 = mp * at / pn
    tn = _rownorm(t1)
    t1 = t1 * (CLIP / jnp.maximum(CLIP, tn))
    tn2 = _rownorm(t1)
    hh = jnp.tanh(tn2) * t1 / tn2
    g = hh + EPS
    gn = _rownorm(g)
    g = g * (CLIP / jnp.maximum(CLIP, gn))
    gn2 = _rownorm(g)
    log_h = _atanh(jnp.clip(gn2, -0.9, 0.9)) * g / gn2

    lo = lax.bitcast_convert_type(hh[:, :LW].astype(jnp.bfloat16), jnp.uint16)
    hi = lax.bitcast_convert_type(hh[:, LW:].astype(jnp.bfloat16), jnp.uint16)
    packed = (hi.astype(jnp.uint32) << 16) | lo.astype(jnp.uint32)
    a_ref[...] = lax.bitcast_convert_type(packed, jnp.float32)
    l_ref[...] = jnp.stack([log_h[:, :LW], log_h[:, LW:]], axis=0)


def _stage1(h, W):
    return pl.pallas_call(
        _stage1_body,
        grid=(N // RB,),
        in_specs=[
            pl.BlockSpec((RB, D), lambda i: (i, 0)),
            pl.BlockSpec((D, D), lambda i: (0, 0)),
        ],
        out_specs=[
            pl.BlockSpec((RB, LW), lambda i: (i, 0)),
            pl.BlockSpec((2, RB, LW), lambda i: (0, i, 0)),
        ],
        out_shape=[
            jax.ShapeDtypeStruct((N, LW), jnp.float32),
            jax.ShapeDtypeStruct((2, N, LW), jnp.float32),
        ],
    )(h, W)


def _e1_gather(a_tab, row, col):
    mesh = plsc.VectorSubcoreMesh(core_axis_name="c", subcore_axis_name="s")

    @functools.partial(
        pl.kernel,
        mesh=mesh,
        out_type=[
            jax.ShapeDtypeStruct((E, LW), jnp.float32),
            jax.ShapeDtypeStruct((E, LW), jnp.float32),
        ],
        scratch_types=[
            pltpu.VMEM((K,), jnp.int32),
            pltpu.VMEM((K,), jnp.int32),
            pltpu.VMEM((K,), jnp.int32),
            pltpu.VMEM((K,), jnp.int32),
            pltpu.VMEM((K, LW), jnp.float32),
            pltpu.VMEM((K, LW), jnp.float32),
            pltpu.VMEM((K, LW), jnp.float32),
            pltpu.VMEM((K, LW), jnp.float32),
            pltpu.SemaphoreType.DMA,
            pltpu.SemaphoreType.DMA,
            pltpu.SemaphoreType.DMA,
            pltpu.SemaphoreType.DMA,
            pltpu.SemaphoreType.DMA,
            pltpu.SemaphoreType.DMA,
        ],
    )
    def body(a_hbm, row_hbm, col_hbm, xh_hbm, yh_hbm,
             ir0, ir1, ic0, ic1, xb0, xb1, yb0, yb1,
             si0, si1, sg0, sg1, sw0, sw1):
        cc = lax.axis_index("c")
        sid = lax.axis_index("s")
        wid = sid * NC + cc
        nw = NC * NS
        nit = (G + nw - 1) // nw
        npair = (nit + 1) // 2
        IR, IC = (ir0, ir1), (ic0, ic1)
        XB, YB = (xb0, xb1), (yb0, yb1)
        SI, SG, SW = (si0, si1), (sg0, sg1), (sw0, sw1)

        def fetch(j, b):
            g = wid + j * nw

            @pl.when(g < G)
            def _do():
                base = g * K
                pltpu.async_copy(row_hbm.at[pl.ds(base, K)], IR[b], SI[b])
                pltpu.async_copy(col_hbm.at[pl.ds(base, K)], IC[b], SI[b])

        def wait_idx(j, b):
            g = wid + j * nw

            @pl.when(g < G)
            def _do():
                base = g * K
                pltpu.make_async_copy(row_hbm.at[pl.ds(base, K)], IR[b], SI[b]).wait()
                pltpu.make_async_copy(col_hbm.at[pl.ds(base, K)], IC[b], SI[b]).wait()

        def gather(j, b):
            g = wid + j * nw

            @pl.when(g < G)
            def _do():
                pltpu.async_copy(a_hbm.at[IR[b]], XB[b], SG[b])
                pltpu.async_copy(a_hbm.at[IC[b]], YB[b], SG[b])

        def wait_gather(j, b):
            g = wid + j * nw

            @pl.when(g < G)
            def _do():
                pltpu.make_async_copy(a_hbm.at[IR[b]], XB[b], SG[b]).wait()
                pltpu.make_async_copy(a_hbm.at[IC[b]], YB[b], SG[b]).wait()

        def write(j, b):
            g = wid + j * nw

            @pl.when(g < G)
            def _do():
                base = g * K
                pltpu.async_copy(XB[b], xh_hbm.at[pl.ds(base, K)], SW[b])
                pltpu.async_copy(YB[b], yh_hbm.at[pl.ds(base, K)], SW[b])

        def wait_write(j, b):
            g = wid + j * nw

            @pl.when(g < G)
            def _do():
                base = g * K
                pltpu.make_async_copy(XB[b], xh_hbm.at[pl.ds(base, K)], SW[b]).wait()
                pltpu.make_async_copy(YB[b], yh_hbm.at[pl.ds(base, K)], SW[b]).wait()

        fetch(0, 0)
        fetch(1, 1)

        def pair(jj, carry):
            j0 = 2 * jj
            j1 = j0 + 1
            wait_idx(j0, 0)
            gather(j0, 0)
            wait_idx(j1, 1)
            gather(j1, 1)
            wait_gather(j0, 0)
            write(j0, 0)
            wait_gather(j1, 1)
            write(j1, 1)
            wait_write(j0, 0)
            fetch(j0 + 2, 0)
            wait_write(j1, 1)
            fetch(j1 + 2, 1)
            return carry

        lax.fori_loop(0, npair, pair, 0)

    return body(a_tab, row, col)


def _unpack(p):
    r = lax.bitcast_convert_type(p, jnp.uint32)
    lo = lax.bitcast_convert_type(r << 16, jnp.float32)
    hi = lax.bitcast_convert_type(r & jnp.uint32(0xFFFF0000), jnp.float32)
    return lo, hi


def _wtc_body(x_ref, y_ref, w_ref):
    xlo, xhi = _unpack(x_ref[...])
    ylo, yhi = _unpack(y_ref[...])
    d = jnp.sum(xlo * ylo + xhi * yhi, axis=1, keepdims=True)
    a = jnp.sum(xlo * xlo + xhi * xhi, axis=1, keepdims=True)
    b = jnp.sum(ylo * ylo + yhi * yhi, axis=1, keepdims=True)
    c1 = 1.0 - 2.0 * d + b
    c2 = 1.0 - a
    den = 1.0 - 2.0 * d + a * b
    msq = (c1 * c1 * a - 2.0 * c1 * c2 * d + c2 * c2 * b) / (den * den)
    z = jnp.sqrt(jnp.maximum(msq, 1e-20))
    z = jnp.clip(z, 1e-8, CLIP)
    w = (1.0 - z) / (1.0 + z)
    w_ref[...] = jnp.broadcast_to(w, (w.shape[0], 16))


def _wtc(xhat, yhat):
    return pl.pallas_call(
        _wtc_body,
        grid=(E // EB,),
        in_specs=[
            pl.BlockSpec((EB, LW), lambda i: (i, 0)),
            pl.BlockSpec((EB, LW), lambda i: (i, 0)),
        ],
        out_specs=pl.BlockSpec((EB, 16), lambda i: (i, 0)),
        out_shape=jax.ShapeDtypeStruct((E, 16), jnp.float32),
    )(xhat, yhat)


def _e2_aggregate(l_flat, row, col, w):
    mesh = plsc.VectorSubcoreMesh(core_axis_name="c", subcore_axis_name="s")
    gpc = G2 // NC

    @functools.partial(
        pl.kernel,
        mesh=mesh,
        out_type=[
            jax.ShapeDtypeStruct((2 * N, LW), jnp.float32),
            jax.ShapeDtypeStruct((2 * N, LW), jnp.float32),
        ],
        scratch_types=[
            pltpu.VMEM((K2,), jnp.int32),
            pltpu.VMEM((K2,), jnp.int32),
            pltpu.VMEM((K2,), jnp.int32),
            pltpu.VMEM((K2,), jnp.int32),
            pltpu.VMEM((K2 * 16,), jnp.float32),
            pltpu.VMEM((K2 * 16,), jnp.float32),
            pltpu.VMEM((K2, LW), jnp.float32),
            pltpu.VMEM((K2, LW), jnp.float32),
            pltpu.VMEM((8, LW), jnp.float32),
            pltpu.VMEM_SHARED((N, LW), jnp.float32),
            pltpu.SemaphoreType.DMA,
            pltpu.SemaphoreType.DMA,
            pltpu.SemaphoreType.DMA,
            pltpu.SemaphoreType.DMA,
            pltpu.SemaphoreType.DMA,
            pltpu.SemaphoreType.DMA,
        ],
    )
    def body(l_hbm, row_hbm, col_hbm, w_hbm, out_hbm, s_hbm,
             ir0, ir1, ic0, ic1, wv0, wv1, vb0, vb1, zb, u_sh,
             si0, si1, sg0, sg1, ss0, ss1):
        cc = lax.axis_index("c")
        sid = lax.axis_index("s")
        IR, IC = (ir0, ir1), (ic0, ic1)
        WV, VB = (wv0, wv1), (vb0, vb1)
        SI, SG, SS = (si0, si1), (sg0, sg1), (ss0, ss1)

        def zrow(r, _c):
            zb[r, :] = jnp.zeros((LW,), jnp.float32)
            return _c

        lax.fori_loop(0, 8, zrow, 0)

        def zero_acc():
            def zcopy(k, _c):
                pltpu.sync_copy(zb, u_sh.at[pl.ds(sid * SPAN + k * 8, 8)])
                return _c

            lax.fori_loop(0, SPAN // 8, zcopy, 0)

            @pl.when(sid == 0)
            def _ztail():
                pltpu.sync_copy(zb, u_sh.at[pl.ds(NS * SPAN, 8)])
                pltpu.sync_copy(zb, u_sh.at[pl.ds(NS * SPAN + 8, 8)])

        def copy_out(dst):
            pltpu.sync_copy(u_sh.at[pl.ds(sid * SPAN, SPAN)],
                            dst.at[pl.ds(cc * N + sid * SPAN, SPAN)])

            @pl.when(sid == 0)
            def _otail():
                pltpu.sync_copy(u_sh.at[pl.ds(NS * SPAN, TAIL)],
                                dst.at[pl.ds(cc * N + NS * SPAN, TAIL)])

        zero_acc()
        plsc.subcore_barrier()

        def ga(j):
            return sid + j * NS

        def fetch_a(j, b):
            g = ga(j)

            @pl.when(g < G2)
            def _do():
                base = g * K2
                pltpu.async_copy(row_hbm.at[pl.ds(base, K2)], IR[b], SI[b])
                pltpu.async_copy(col_hbm.at[pl.ds(base, K2)], IC[b], SI[b])
                pltpu.async_copy(w_hbm.at[pl.ds(base * 16, K2 * 16)], WV[b], SI[b])

        def prep_a(j, b):
            g = ga(j)

            @pl.when(g < G2)
            def _do():
                base = g * K2
                pltpu.make_async_copy(row_hbm.at[pl.ds(base, K2)], IR[b], SI[b]).wait()
                pltpu.make_async_copy(col_hbm.at[pl.ds(base, K2)], IC[b], SI[b]).wait()
                pltpu.make_async_copy(w_hbm.at[pl.ds(base * 16, K2 * 16)], WV[b], SI[b]).wait()
                off = cc * N
                for q in range(K2 // 16):
                    sl = pl.ds(q * 16, 16)
                    IC[b][sl] = IC[b][sl] + off
                pltpu.async_copy(l_hbm.at[IC[b]], VB[b], SG[b])

        def scale_scatter(j, b):
            g = ga(j)

            @pl.when(g < G2)
            def _do():
                pltpu.make_async_copy(l_hbm.at[IC[b]], VB[b], SG[b]).wait()

                @plsc.parallel_loop(0, K2, 1, unroll=2)
                def scale_one(e):
                    ws = WV[b][pl.ds(e * 16, 16)]
                    for jf in range(LW // 16):
                        sl = pl.ds(16 * jf, 16)
                        VB[b][e, sl] = VB[b][e, sl] * ws
                pltpu.async_copy(VB[b], u_sh.at[IR[b]], SS[b], add=True)

        def drain_a(j, b):
            g = ga(j)

            @pl.when(g < G2)
            def _do():
                pltpu.make_async_copy(VB[b], u_sh.at[IR[b]], SS[b]).wait()

        fetch_a(0, 0)
        fetch_a(1, 1)

        def pair_a(jj, carry):
            j0 = 2 * jj
            j1 = j0 + 1
            prep_a(j0, 0)
            prep_a(j1, 1)
            scale_scatter(j0, 0)
            scale_scatter(j1, 1)
            drain_a(j0, 0)
            fetch_a(j0 + 2, 0)
            drain_a(j1, 1)
            fetch_a(j1 + 2, 1)
            return carry

        npair_a = ((G2 + NS - 1) // NS + 1) // 2
        lax.fori_loop(0, npair_a, pair_a, 0)
        plsc.subcore_barrier()
        copy_out(out_hbm)
        plsc.subcore_barrier()

        zero_acc()
        plsc.subcore_barrier()

        def gb(j):
            return cc * gpc + sid + j * NS

        def in_b(j):
            return gb(j) < (cc + 1) * gpc

        def fetch_b(j, b):
            @pl.when(in_b(j))
            def _do():
                base = gb(j) * K2
                pltpu.async_copy(row_hbm.at[pl.ds(base, K2)], IR[b], SI[b])
                pltpu.async_copy(w_hbm.at[pl.ds(base * 16, K2 * 16)], WV[b], SI[b])

        def splat_scatter(j, b):
            @pl.when(in_b(j))
            def _do():
                base = gb(j) * K2
                pltpu.make_async_copy(row_hbm.at[pl.ds(base, K2)], IR[b], SI[b]).wait()
                pltpu.make_async_copy(w_hbm.at[pl.ds(base * 16, K2 * 16)], WV[b], SI[b]).wait()

                @plsc.parallel_loop(0, K2, 1, unroll=2)
                def splat_one(e):
                    ws = WV[b][pl.ds(e * 16, 16)]
                    for jf in range(LW // 16):
                        VB[b][e, pl.ds(16 * jf, 16)] = ws
                pltpu.async_copy(VB[b], u_sh.at[IR[b]], SS[b], add=True)

        def drain_b(j, b):
            @pl.when(in_b(j))
            def _do():
                pltpu.make_async_copy(VB[b], u_sh.at[IR[b]], SS[b]).wait()

        fetch_b(0, 0)
        fetch_b(1, 1)

        def pair_b(jj, carry):
            j0 = 2 * jj
            j1 = j0 + 1
            splat_scatter(j0, 0)
            splat_scatter(j1, 1)
            drain_b(j0, 0)
            fetch_b(j0 + 2, 0)
            drain_b(j1, 1)
            fetch_b(j1 + 2, 1)
            return carry

        npair_b = ((gpc + NS - 1) // NS + 1) // 2
        lax.fori_loop(0, npair_b, pair_b, 0)
        plsc.subcore_barrier()
        copy_out(s_hbm)

    return body(l_flat, row, col, w)


def _stage3_body(u_ref, s_ref, o_ref):
    u = u_ref[...]
    s = s_ref[0, :, 0:1] + s_ref[1, :, 0:1]
    att = jnp.concatenate([u[0], u[1]], axis=1)
    att = att / (s + 1e-16)
    x = jnp.where(att > 0, att, jnp.exp(jnp.minimum(att, 0.0)) - 1.0)
    x = x + EPS
    xn = _rownorm(x)
    x = x * (CLIP / jnp.maximum(CLIP, xn))
    xn2 = _rownorm(x)
    o_ref[...] = jnp.tanh(xn2) * x / xn2


def _stage3(u, s):
    return pl.pallas_call(
        _stage3_body,
        grid=(N // RB,),
        in_specs=[
            pl.BlockSpec((2, RB, LW), lambda i: (0, i, 0)),
            pl.BlockSpec((2, RB, LW), lambda i: (0, i, 0)),
        ],
        out_specs=pl.BlockSpec((RB, D), lambda i: (i, 0)),
        out_shape=jax.ShapeDtypeStruct((N, D), jnp.float32),
    )(u, s)


def kernel(h, edge_index, W, c):
    a_tab, l_tab = _stage1(h, W)
    l_flat = l_tab.reshape(2 * N, LW)
    row = edge_index[0]
    col = edge_index[1]
    xhat, yhat = _e1_gather(a_tab, row, col)
    w = _wtc(xhat, yhat)
    u, s = _e2_aggregate(l_flat, row, col, w.reshape(E * 16))
    return _stage3(u.reshape(2, N, LW), s.reshape(2, N, LW))

# --- scband reference (transcript-rebuilt; emitter-appended) ---
"""Pipeline reference for scband-hyperbolic-graph-attention-layer-21938692948001 (READ-ONLY COPY).

The authoritative reference and input builder live on the scoring server;
editing this copy changes nothing except your own understanding.
"""

import jax, jax.numpy as jnp
import numpy as np

EPS = 1e-15
CLIP = 0.98

def _f2p(f):
    # f2p_exp_projection with hardcoded c = 1.0 (sqrt_c = c = 1.0 as in source)
    f = f + EPS
    n = jnp.linalg.norm(f, axis=1, keepdims=True)
    clip = CLIP / 1.0
    f = f * clip / jnp.maximum(clip, n)
    n2 = jnp.linalg.norm(f, axis=1, keepdims=True)
    return jnp.tanh(n2) * f / n2

def _p2h(p, W, c):
    sqrt_c = jnp.sqrt(c)
    p = p + EPS
    n = jnp.linalg.norm(p, axis=1, keepdims=True)
    p = p * CLIP / jnp.maximum(CLIP, n)
    Mp = p @ W
    pn = jnp.linalg.norm(p, axis=1, keepdims=True)
    at = jnp.arctanh(jnp.clip(sqrt_c * pn, -0.9, 0.9))
    t1 = Mp * at / pn / sqrt_c
    tn = jnp.linalg.norm(t1, axis=1, keepdims=True)
    clip2 = CLIP / sqrt_c
    t1 = t1 * clip2 / jnp.maximum(clip2, tn)
    tn2 = jnp.linalg.norm(t1, axis=1, keepdims=True)
    return jnp.tanh(sqrt_c * tn2) / sqrt_c / tn2 * t1

def _mobius_add(u, v, c):
    nu = jnp.linalg.norm(u, axis=1) ** 2
    nv = jnp.linalg.norm(v, axis=1) ** 2
    duv = jnp.sum(u * v, axis=1)
    c1 = 1.0 + 2.0 * c * duv + c * nv
    c2 = 1.0 - c * nu
    den = 1.0 + 2.0 * c * duv + (c ** 2) * nu * nv
    return (c1[:, None] * u + c2[:, None] * v) / den[:, None]

def _edge_dist(x, y, c):
    sqrt_c = jnp.sqrt(c)
    ma = _mobius_add(-x, y, c)
    rn = jnp.linalg.norm(ma, axis=1)
    res = jnp.arctanh(jnp.clip(sqrt_c * rn, 1e-8, CLIP))
    return -2.0 / sqrt_c * res

def _log_proj(h, c):
    sqrt_c = jnp.sqrt(c)
    h = h + EPS
    n = jnp.linalg.norm(h, axis=1, keepdims=True)
    h = h * CLIP / jnp.maximum(CLIP, n)
    n2 = jnp.linalg.norm(h, axis=1, keepdims=True)
    return jnp.arctanh(jnp.clip(sqrt_c * n2, -0.9, 0.9)) * h / n2

def _exp_proj(h, c):
    sqrt_c = jnp.sqrt(c)
    h = h + EPS
    n = jnp.linalg.norm(h, axis=1, keepdims=True)
    clip = CLIP / sqrt_c
    h = h * clip / jnp.maximum(clip, n)
    n2 = jnp.linalg.norm(h, axis=1, keepdims=True)
    return jnp.tanh(sqrt_c * n2) * h / sqrt_c / n2

def _forward(h, W, c, edge_index):
    N = h.shape[0]
    p = _f2p(h)
    hh = _p2h(p, W, c)
    row = edge_index[0]
    col = edge_index[1]
    e = _edge_dist(hh[row], hh[col], c)
    # segment softmax over destination nodes (torch_geometric softmax(e, index=row))
    e_max = jax.ops.segment_max(e, row, num_segments=N)
    e_max = jnp.where(jnp.isfinite(e_max), e_max, 0.0)
    ex = jnp.exp(e - e_max[row])
    denom = jax.ops.segment_sum(ex, row, num_segments=N)
    att = ex / (denom[row] + 1e-16)
    # dropout omitted (eval mode)
    log_h = _log_proj(hh, c)
    sqrt_c = jnp.sqrt(c)
    weighted = sqrt_c * att[:, None] * log_h[col]
    att_log_h = jnp.zeros_like(log_h).at[row].add(weighted)
    return _exp_proj(jax.nn.elu(att_log_h), c)

def setup_inputs(seed: int = 0) -> dict:
    key = jax.random.key(seed)
    k1, k2, k3 = jax.random.split(key, 3)
    N, E = 10000, 160000
    d_in, d_out = 256, 256
    h = jax.random.normal(k1, (N, d_in), dtype=jnp.float32)
    edge_index = jax.random.randint(k2, (2, E), 0, N, dtype=jnp.int32)
    limit = 1.414 * np.sqrt(6.0 / (d_in + d_out))
    W = jax.random.uniform(k3, (d_in, d_out), dtype=jnp.float32, minval=-limit, maxval=limit)
    c = jnp.array([1.0], dtype=jnp.float32)
    return {"h": h, "edge_index": edge_index, "W": W, "c": c}

def reference(h, edge_index, W, c):
    return _forward(h, W, c, edge_index)

if __name__ == "__main__":
    import jax
    _d = setup_inputs()
    print(jax.jit(kernel)(*tuple(_d.values())))

</pallas_src>

<mosaic_0001>
#map = affine_map<(d0, d1) -> (0, 0)>
#map1 = affine_map<(d0, d1) -> (0)>
module attributes {stable_mosaic.version = 14 : i64} {
  func.func @body(%arg0: i32, %arg1: i32, %arg2: memref<20000x128xf32, #tpu.memory_space<hbm>>, %arg3: memref<160000xi32, #tpu.memory_space<hbm>>, %arg4: memref<160000xi32, #tpu.memory_space<hbm>>, %arg5: memref<2560000xf32, #tpu.memory_space<hbm>>, %arg6: memref<20000x128xf32, #tpu.memory_space<hbm>>, %arg7: memref<20000x128xf32, #tpu.memory_space<hbm>>, %arg8: memref<128xi32, #tpu.memory_space<vmem>>, %arg9: memref<128xi32, #tpu.memory_space<vmem>>, %arg10: memref<128xi32, #tpu.memory_space<vmem>>, %arg11: memref<128xi32, #tpu.memory_space<vmem>>, %arg12: memref<2048xf32, #tpu.memory_space<vmem>>, %arg13: memref<2048xf32, #tpu.memory_space<vmem>>, %arg14: memref<128x128xf32, #tpu.memory_space<vmem>>, %arg15: memref<128x128xf32, #tpu.memory_space<vmem>>, %arg16: memref<8x128xf32, #tpu.memory_space<vmem>>, %arg17: memref<10000x128xf32, #tpu.memory_space<vmem_shared>>, %arg18: memref<!tpu.dma_semaphore, #tpu.memory_space<semaphore_mem>>, %arg19: memref<!tpu.dma_semaphore, #tpu.memory_space<semaphore_mem>>, %arg20: memref<!tpu.dma_semaphore, #tpu.memory_space<semaphore_mem>>, %arg21: memref<!tpu.dma_semaphore, #tpu.memory_space<semaphore_mem>>, %arg22: memref<!tpu.dma_semaphore, #tpu.memory_space<semaphore_mem>>, %arg23: memref<!tpu.dma_semaphore, #tpu.memory_space<semaphore_mem>>) attributes {dimension_semantics = [#tpu.dimension_semantics<core_parallel>, #tpu.dimension_semantics<subcore_parallel>], iteration_bounds = array<i64: 2, 16>, scalar_prefetch = 0 : i64, scratch_operands = 16 : i64, tpu.core_type = #tpu.core_type<sc_vector_subcore>, window_params = [{transform_indices = #map}, {transform_indices = #map1}, {transform_indices = #map1}, {transform_indices = #map1}, {transform_indices = #map}, {transform_indices = #map}]} {
    %scan3A = arith.constant 0 : i32
    %scan3A_0 = arith.constant 0 : i32
    %scan3A_1 = arith.constant 8 : i32
    %scan3A_2 = arith.addi %scan3A_0, %scan3A_1 : i32
    %scan3A_3 = arith.constant 1 : i32
    scf.for %scan3A_101 = %scan3A_0 to %scan3A_2 step %scan3A_3  : i32 {
      %broadcast_in_dim3A = arith.constant 0.000000e+00 : f32
      %broadcast_in_dim3A_102 = vector.broadcast %broadcast_in_dim3A : f32 to vector<128xf32>
      %swap3A = arith.index_cast %scan3A_101 : i32 to index
      %swap3A_103 = arith.constant 0 : index
      %swap3A_104 = tpu.vector_load %arg16[%swap3A, %swap3A_103] {strides = array<i32>} : memref<8x128xf32, #tpu.memory_space<vmem>>, vector<1x128xf32>,
      %swap3A_105 = vector.shape_cast %swap3A_104 : vector<1x128xf32> to vector<128xf32>
      %swap3A_106 = vector.shape_cast %broadcast_in_dim3A_102 : vector<128xf32> to vector<1x128xf32>
      tpu.vector_store %arg16[%swap3A, %swap3A_103], %swap3A_106 {strides = array<i32>} : memref<8x128xf32, #tpu.memory_space<vmem>>, vector<1x128xf32>,
    }
    %scan3A_4 = arith.constant 8 : i32
    %scan3A_5 = arith.constant 0 : i32
    %scan3A_6 = arith.constant 0 : i32
    %scan3A_7 = arith.constant 78 : i32
    %scan3A_8 = arith.addi %scan3A_6, %scan3A_7 : i32
    %scan3A_9 = arith.constant 1 : i32
    scf.for %scan3A_101 = %scan3A_6 to %scan3A_8 step %scan3A_9  : i32 {
      %mul3A_102 = arith.constant 624 : i32
      %mul3A_103 = arith.muli %arg1, %mul3A_102 : i32
      %mul3A_104 = arith.constant 8 : i32
      %mul3A_105 = arith.muli %scan3A_101, %mul3A_104 : i32
      %add3A_106 = arith.addi %mul3A_103, %mul3A_105 : i32
      "tpu.region"() ({
        %run_scoped3A = tpu.sem_alloc : memref<!tpu.dma_semaphore, #tpu.memory_space<semaphore_mem>>
        %dma_start3A = arith.constant 0 : i32
        %dma_start3A_107 = tpu.memref_slice %arg17[%add3A_106, %dma_start3A] : memref<10000x128xf32, #tpu.memory_space<vmem_shared>> -> memref<8x128xf32, #tpu.memory_space<vmem_shared>>
        %dma_start3A_108 = arith.constant 0 : i32
        %dma_start3A_109 = tpu.memref_slice %arg17[%add3A_106, %dma_start3A_108] : memref<10000x128xf32, #tpu.memory_space<vmem_shared>> -> memref<8x128xf32, #tpu.memory_space<vmem_shared>>
        tpu.enqueue_dma source(%arg16 : memref<8x128xf32, #tpu.memory_space<vmem>>) target(%dma_start3A_109 : memref<8x128xf32, #tpu.memory_space<vmem_shared>>) target_semaphore(%run_scoped3A : memref<!tpu.dma_semaphore, #tpu.memory_space<semaphore_mem>>)
        %dma_wait3A = arith.constant 0 : i32
        %dma_wait3A_110 = tpu.memref_slice %arg17[%add3A_106, %dma_wait3A] : memref<10000x128xf32, #tpu.memory_space<vmem_shared>> -> memref<8x128xf32, #tpu.memory_space<vmem_shared>>
        %dma_wait3A_111 = arith.constant 0 : i32
        %dma_wait3A_112 = tpu.memref_slice %arg17[%add3A_106, %dma_wait3A_111] : memref<10000x128xf32, #tpu.memory_space<vmem_shared>> -> memref<8x128xf32, #tpu.memory_space<vmem_shared>>
        tpu.wait_dma2 semaphore(%run_scoped3A : memref<!tpu.dma_semaphore, #tpu.memory_space<semaphore_mem>>) src(%arg16 : memref<8x128xf32, #tpu.memory_space<vmem>>) dst(%dma_wait3A_112 : memref<8x128xf32, #tpu.memory_space<vmem_shared>>)
        tpu.yield
      }) : () -> ()
    }
    %scan3A_10 = arith.constant 78 : i32
    %eq3A = arith.constant 0 : i32
    %eq3A_11 = arith.cmpi eq, %arg1, %eq3A : i32
    %convert_element_type3A = arith.extui %eq3A_11 : i1 to i32
    %cond3A = arith.constant 0 : i32
    %cond3A_12 = arith.cmpi ne, %convert_element_type3A, %cond3A : i32
    scf.if %cond3A_12 {
      "tpu.region"() ({
        %run_scoped3A = tpu.sem_alloc : memref<!tpu.dma_semaphore, #tpu.memory_space<semaphore_mem>>
        %dma_start3A = arith.constant 9984 : i32
        %dma_start3A_101 = arith.constant 0 : i32
        %dma_start3A_102 = tpu.memref_slice %arg17[%dma_start3A, %dma_start3A_101] : memref<10000x128xf32, #tpu.memory_space<vmem_shared>> -> memref<8x128xf32, #tpu.memory_space<vmem_shared>>
        %dma_start3A_103 = arith.constant 9984 : i32
        %dma_start3A_104 = arith.constant 0 : i32
        %dma_start3A_105 = tpu.memref_slice %arg17[%dma_start3A_103, %dma_start3A_104] : memref<10000x128xf32, #tpu.memory_space<vmem_shared>> -> memref<8x128xf32, #tpu.memory_space<vmem_shared>>
        tpu.enqueue_dma source(%arg16 : memref<8x128xf32, #tpu.memory_space<vmem>>) target(%dma_start3A_105 : memref<8x128xf32, #tpu.memory_space<vmem_shared>>) target_semaphore(%run_scoped3A : memref<!tpu.dma_semaphore, #tpu.memory_space<semaphore_mem>>)
        %dma_wait3A = arith.constant 9984 : i32
        %dma_wait3A_106 = arith.constant 0 : i32
        %dma_wait3A_107 = tpu.memref_slice %arg17[%dma_wait3A, %dma_wait3A_106] : memref<10000x128xf32, #tpu.memory_space<vmem_shared>> -> memref<8x128xf32, #tpu.memory_space<vmem_shared>>
        %dma_wait3A_108 = arith.constant 9984 : i32
        %dma_wait3A_109 = arith.constant 0 : i32
        %dma_wait3A_110 = tpu.memref_slice %arg17[%dma_wait3A_108, %dma_wait3A_109] : memref<10000x128xf32, #tpu.memory_space<vmem_shared>> -> memref<8x128xf32, #tpu.memory_space<vmem_shared>>
        tpu.wait_dma2 semaphore(%run_scoped3A : memref<!tpu.dma_semaphore, #tpu.memory_space<semaphore_mem>>) src(%arg16 : memref<8x128xf32, #tpu.memory_space<vmem>>) dst(%dma_wait3A_110 : memref<8x128xf32, #tpu.memory_space<vmem_shared>>)
        tpu.yield
      }) : () -> ()
      "tpu.region"() ({
        %run_scoped3A = tpu.sem_alloc : memref<!tpu.dma_semaphore, #tpu.memory_space<semaphore_mem>>
        %dma_start3A = arith.constant 9992 : i32
        %dma_start3A_101 = arith.constant 0 : i32
        %dma_start3A_102 = tpu.memref_slice %arg17[%dma_start3A, %dma_start3A_101] : memref<10000x128xf32, #tpu.memory_space<vmem_shared>> -> memref<8x128xf32, #tpu.memory_space<vmem_shared>>
        %dma_start3A_103 = arith.constant 9992 : i32
        %dma_start3A_104 = arith.constant 0 : i32
        %dma_start3A_105 = tpu.memref_slice %arg17[%dma_start3A_103, %dma_start3A_104] : memref<10000x128xf32, #tpu.memory_space<vmem_shared>> -> memref<8x128xf32, #tpu.memory_space<vmem_shared>>
        tpu.enqueue_dma source(%arg16 : memref<8x128xf32, #tpu.memory_space<vmem>>) target(%dma_start3A_105 : memref<8x128xf32, #tpu.memory_space<vmem_shared>>) target_semaphore(%run_scoped3A : memref<!tpu.dma_semaphore, #tpu.memory_space<semaphore_mem>>)
        %dma_wait3A = arith.constant 9992 : i32
        %dma_wait3A_106 = arith.constant 0 : i32
        %dma_wait3A_107 = tpu.memref_slice %arg17[%dma_wait3A, %dma_wait3A_106] : memref<10000x128xf32, #tpu.memory_space<vmem_shared>> -> memref<8x128xf32, #tpu.memory_space<vmem_shared>>
        %dma_wait3A_108 = arith.constant 9992 : i32
        %dma_wait3A_109 = arith.constant 0 : i32
        %dma_wait3A_110 = tpu.memref_slice %arg17[%dma_wait3A_108, %dma_wait3A_109] : memref<10000x128xf32, #tpu.memory_space<vmem_shared>> -> memref<8x128xf32, #tpu.memory_space<vmem_shared>>
        tpu.wait_dma2 semaphore(%run_scoped3A : memref<!tpu.dma_semaphore, #tpu.memory_space<semaphore_mem>>) src(%arg16 : memref<8x128xf32, #tpu.memory_space<vmem>>) dst(%dma_wait3A_110 : memref<8x128xf32, #tpu.memory_space<vmem_shared>>)
        tpu.yield
      }) : () -> ()
    } else {
    }
    %barrier3A = arith.constant 0 : index
    tpu.barrier barrier_id(%barrier3A)
    %add3A = arith.constant 0 : i32
    %add3A_13 = arith.addi %arg1, %add3A : i32
    %lt3A = arith.constant 1250 : i32
    %lt3A_14 = arith.cmpi slt, %add3A_13, %lt3A : i32
    %convert_element_type3A_15 = arith.extui %lt3A_14 : i1 to i32
    %cond3A_16 = arith.constant 0 : i32
    %cond3A_17 = arith.cmpi ne, %convert_element_type3A_15, %cond3A_16 : i32
    scf.if %cond3A_17 {
      %mul3A_101 = arith.constant 128 : i32
      %mul3A_102 = arith.muli %add3A_13, %mul3A_101 : i32
      %dma_start3A = tpu.memref_slice %arg3[%mul3A_102] : memref<160000xi32, #tpu.memory_space<hbm>> -> memref<128xi32, #tpu.memory_space<hbm>>
      %dma_start3A_103 = tpu.memref_slice %arg3[%mul3A_102] : memref<160000xi32, #tpu.memory_space<hbm>> -> memref<128xi32, #tpu.memory_space<hbm>>
      tpu.enqueue_dma source(%dma_start3A_103 : memref<128xi32, #tpu.memory_space<hbm>>) target(%arg8 : memref<128xi32, #tpu.memory_space<vmem>>) target_semaphore(%arg18 : memref<!tpu.dma_semaphore, #tpu.memory_space<semaphore_mem>>)
      %dma_start3A_104 = tpu.memref_slice %arg4[%mul3A_102] : memref<160000xi32, #tpu.memory_space<hbm>> -> memref<128xi32, #tpu.memory_space<hbm>>
      %dma_start3A_105 = tpu.memref_slice %arg4[%mul3A_102] : memref<160000xi32, #tpu.memory_space<hbm>> -> memref<128xi32, #tpu.memory_space<hbm>>
      tpu.enqueue_dma source(%dma_start3A_105 : memref<128xi32, #tpu.memory_space<hbm>>) target(%arg10 : memref<128xi32, #tpu.memory_space<vmem>>) target_semaphore(%arg18 : memref<!tpu.dma_semaphore, #tpu.memory_space<semaphore_mem>>)
      %mul3A_106 = arith.constant 16 : i32
      %mul3A_107 = arith.muli %mul3A_102, %mul3A_106 : i32
      %dma_start3A_108 = tpu.memref_slice %arg5[%mul3A_107] : memref<2560000xf32, #tpu.memory_space<hbm>> -> memref<2048xf32, #tpu.memory_space<hbm>>
      %dma_start3A_109 = tpu.memref_slice %arg5[%mul3A_107] : memref<2560000xf32, #tpu.memory_space<hbm>> -> memref<2048xf32, #tpu.memory_space<hbm>>
      tpu.enqueue_dma source(%dma_start3A_109 : memref<2048xf32, #tpu.memory_space<hbm>>) target(%arg12 : memref<2048xf32, #tpu.memory_space<vmem>>) target_semaphore(%arg18 : memref<!tpu.dma_semaphore, #tpu.memory_space<semaphore_mem>>)
    } else {
    }
    %add3A_18 = arith.constant 16 : i32
    %add3A_19 = arith.addi %arg1, %add3A_18 : i32
    %lt3A_20 = arith.constant 1250 : i32
    %lt3A_21 = arith.cmpi slt, %add3A_19, %lt3A_20 : i32
    %convert_element_type3A_22 = arith.extui %lt3A_21 : i1 to i32
    %cond3A_23 = arith.constant 0 : i32
    %cond3A_24 = arith.cmpi ne, %convert_element_type3A_22, %cond3A_23 : i32
    scf.if %cond3A_24 {
      %mul3A_101 = arith.constant 128 : i32
      %mul3A_102 = arith.muli %add3A_19, %mul3A_101 : i32
      %dma_start3A = tpu.memref_slice %arg3[%mul3A_102] : memref<160000xi32, #tpu.memory_space<hbm>> -> memref<128xi32, #tpu.memory_space<hbm>>
      %dma_start3A_103 = tpu.memref_slice %arg3[%mul3A_102] : memref<160000xi32, #tpu.memory_space<hbm>> -> memref<128xi32, #tpu.memory_space<hbm>>
      tpu.enqueue_dma source(%dma_start3A_103 : memref<128xi32, #tpu.memory_space<hbm>>) target(%arg9 : memref<128xi32, #tpu.memory_space<vmem>>) target_semaphore(%arg19 : memref<!tpu.dma_semaphore, #tpu.memory_space<semaphore_mem>>)
      %dma_start3A_104 = tpu.memref_slice %arg4[%mul3A_102] : memref<160000xi32, #tpu.memory_space<hbm>> -> memref<128xi32, #tpu.memory_space<hbm>>
      %dma_start3A_105 = tpu.memref_slice %arg4[%mul3A_102] : memref<160000xi32, #tpu.memory_space<hbm>> -> memref<128xi32, #tpu.memory_space<hbm>>
      tpu.enqueue_dma source(%dma_start3A_105 : memref<128xi32, #tpu.memory_space<hbm>>) target(%arg11 : memref<128xi32, #tpu.memory_space<vmem>>) target_semaphore(%arg19 : memref<!tpu.dma_semaphore, #tpu.memory_space<semaphore_mem>>)
      %mul3A_106 = arith.constant 16 : i32
      %mul3A_107 = arith.muli %mul3A_102, %mul3A_106 : i32
      %dma_start3A_108 = tpu.memref_slice %arg5[%mul3A_107] : memref<2560000xf32, #tpu.memory_space<hbm>> -> memref<2048xf32, #tpu.memory_space<hbm>>
      %dma_start3A_109 = tpu.memref_slice %arg5[%mul3A_107] : memref<2560000xf32, #tpu.memory_space<hbm>> -> memref<2048xf32, #tpu.memory_space<hbm>>
      tpu.enqueue_dma source(%dma_start3A_109 : memref<2048xf32, #tpu.memory_space<hbm>>) target(%arg13 : memref<2048xf32, #tpu.memory_space<vmem>>) target_semaphore(%arg19 : memref<!tpu.dma_semaphore, #tpu.memory_space<semaphore_mem>>)
    } else {
    }
    %scan3A_25 = arith.constant 0 : i32
    %scan3A_26 = arith.constant 0 : i32
    %scan3A_27 = arith.constant 40 : i32
    %scan3A_28 = arith.addi %scan3A_26, %scan3A_27 : i32
    %scan3A_29 = arith.constant 1 : i32
    scf.for %scan3A_101 = %scan3A_26 to %scan3A_28 step %scan3A_29  : i32 {
      %mul3A_102 = arith.constant 2 : i32
      %mul3A_103 = arith.muli %mul3A_102, %scan3A_101 : i32
      %add3A_104 = arith.constant 1 : i32
      %add3A_105 = arith.addi %mul3A_103, %add3A_104 : i32
      %mul3A_106 = arith.constant 16 : i32
      %mul3A_107 = arith.muli %mul3A_103, %mul3A_106 : i32
      %add3A_108 = arith.addi %arg1, %mul3A_107 : i32
      %lt3A_109 = arith.constant 1250 : i32
      %lt3A_110 = arith.cmpi slt, %add3A_108, %lt3A_109 : i32
      %convert_element_type3A_111 = arith.extui %lt3A_110 : i1 to i32
      %cond3A_112 = arith.constant 0 : i32
      %cond3A_113 = arith.cmpi ne, %convert_element_type3A_111, %cond3A_112 : i32
      scf.if %cond3A_113 {
        %mul3A_174 = arith.constant 128 : i32
        %mul3A_175 = arith.muli %add3A_108, %mul3A_174 : i32
        %dma_wait3A = tpu.memref_slice %arg3[%mul3A_175] : memref<160000xi32, #tpu.memory_space<hbm>> -> memref<128xi32, #tpu.memory_space<hbm>>
        %dma_wait3A_176 = tpu.memref_slice %arg3[%mul3A_175] : memref<160000xi32, #tpu.memory_space<hbm>> -> memref<128xi32, #tpu.memory_space<hbm>>
        tpu.wait_dma2 semaphore(%arg18 : memref<!tpu.dma_semaphore, #tpu.memory_space<semaphore_mem>>) src(%dma_wait3A_176 : memref<128xi32, #tpu.memory_space<hbm>>) dst(%arg8 : memref<128xi32, #tpu.memory_space<vmem>>)
        %dma_wait3A_177 = tpu.memref_slice %arg4[%mul3A_175] : memref<160000xi32, #tpu.memory_space<hbm>> -> memref<128xi32, #tpu.memory_space<hbm>>
        %dma_wait3A_178 = tpu.memref_slice %arg4[%mul3A_175] : memref<160000xi32, #tpu.memory_space<hbm>> -> memref<128xi32, #tpu.memory_space<hbm>>
        tpu.wait_dma2 semaphore(%arg18 : memref<!tpu.dma_semaphore, #tpu.memory_space<semaphore_mem>>) src(%dma_wait3A_178 : memref<128xi32, #tpu.memory_space<hbm>>) dst(%arg10 : memref<128xi32, #tpu.memory_space<vmem>>)
        %mul3A_179 = arith.constant 16 : i32
        %mul3A_180 = arith.muli %mul3A_175, %mul3A_179 : i32
        %dma_wait3A_181 = tpu.memref_slice %arg5[%mul3A_180] : memref<2560000xf32, #tpu.memory_space<hbm>> -> memref<2048xf32, #tpu.memory_space<hbm>>
        %dma_wait3A_182 = tpu.memref_slice %arg5[%mul3A_180] : memref<2560000xf32, #tpu.memory_space<hbm>> -> memref<2048xf32, #tpu.memory_space<hbm>>
        tpu.wait_dma2 semaphore(%arg18 : memref<!tpu.dma_semaphore, #tpu.memory_space<semaphore_mem>>) src(%dma_wait3A_182 : memref<2048xf32, #tpu.memory_space<hbm>>) dst(%arg12 : memref<2048xf32, #tpu.memory_space<vmem>>)
        %mul3A_183 = arith.constant 10000 : i32
        %mul3A_184 = arith.muli %arg0, %mul3A_183 : i32
        %get3A = arith.constant 0 : index
        %get3A_185 = tpu.vector_load %arg10[%get3A] {strides = array<i32>} : memref<128xi32, #tpu.memory_space<vmem>>, vector<16xi32>,
        %get3A_186 = vector.shape_cast %get3A_185 : vector<16xi32> to vector<16xi32>
        %add3A_187 = vector.broadcast %mul3A_184 : i32 to vector<16xi32>
        %add3A_188 = arith.addi %get3A_186, %add3A_187 : vector<16xi32>
        %swap3A = arith.constant 0 : index
        %swap3A_189 = tpu.vector_load %arg10[%swap3A] {strides = array<i32>} : memref<128xi32, #tpu.memory_space<vmem>>, vector<16xi32>,
        %swap3A_190 = vector.shape_cast %swap3A_189 : vector<16xi32> to vector<16xi32>
        %swap3A_191 = vector.shape_cast %add3A_188 : vector<16xi32> to vector<16xi32>
        tpu.vector_store %arg10[%swap3A], %swap3A_191 {strides = array<i32>} : memref<128xi32, #tpu.memory_space<vmem>>, vector<16xi32>,
        %get3A_192 = arith.constant 16 : index
        %get3A_193 = tpu.vector_load %arg10[%get3A_192] {strides = array<i32>} : memref<128xi32, #tpu.memory_space<vmem>>, vector<16xi32>,
        %get3A_194 = vector.shape_cast %get3A_193 : vector<16xi32> to vector<16xi32>
        %add3A_195 = vector.broadcast %mul3A_184 : i32 to vector<16xi32>
        %add3A_196 = arith.addi %get3A_194, %add3A_195 : vector<16xi32>
        %swap3A_197 = arith.constant 16 : index
        %swap3A_198 = tpu.vector_load %arg10[%swap3A_197] {strides = array<i32>} : memref<128xi32, #tpu.memory_space<vmem>>, vector<16xi32>,
        %swap3A_199 = vector.shape_cast %swap3A_198 : vector<16xi32> to vector<16xi32>
        %swap3A_200 = vector.shape_cast %add3A_196 : vector<16xi32> to vector<16xi32>
        tpu.vector_store %arg10[%swap3A_197], %swap3A_200 {strides = array<i32>} : memref<128xi32, #tpu.memory_space<vmem>>, vector<16xi32>,
        %get3A_201 = arith.constant 32 : index
        %get3A_202 = tpu.vector_load %arg10[%get3A_201] {strides = array<i32>} : memref<128xi32, #tpu.memory_space<vmem>>, vector<16xi32>,
        %get3A_203 = vector.shape_cast %get3A_202 : vector<16xi32> to vector<16xi32>
        %add3A_204 = vector.broadcast %mul3A_184 : i32 to vector<16xi32>
        %add3A_205 = arith.addi %get3A_203, %add3A_204 : vector<16xi32>
        %swap3A_206 = arith.constant 32 : index
        %swap3A_207 = tpu.vector_load %arg10[%swap3A_206] {strides = array<i32>} : memref<128xi32, #tpu.memory_space<vmem>>, vector<16xi32>,
        %swap3A_208 = vector.shape_cast %swap3A_207 : vector<16xi32> to vector<16xi32>
        %swap3A_209 = vector.shape_cast %add3A_205 : vector<16xi32> to vector<16xi32>
        tpu.vector_store %arg10[%swap3A_206], %swap3A_209 {strides = array<i32>} : memref<128xi32, #tpu.memory_space<vmem>>, vector<16xi32>,
        %get3A_210 = arith.constant 48 : index
        %get3A_211 = tpu.vector_load %arg10[%get3A_210] {strides = array<i32>} : memref<128xi32, #tpu.memory_space<vmem>>, vector<16xi32>,
        %get3A_212 = vector.shape_cast %get3A_211 : vector<16xi32> to vector<16xi32>
        %add3A_213 = vector.broadcast %mul3A_184 : i32 to vector<16xi32>
        %add3A_214 = arith.addi %get3A_212, %add3A_213 : vector<16xi32>
        %swap3A_215 = arith.constant 48 : index
        %swap3A_216 = tpu.vector_load %arg10[%swap3A_215] {strides = array<i32>} : memref<128xi32, #tpu.memory_space<vmem>>, vector<16xi32>,
        %swap3A_217 = vector.shape_cast %swap3A_216 : vector<16xi32> to vector<16xi32>
        %swap3A_218 = vector.shape_cast %add3A_214 : vector<16xi32> to vector<16xi32>
        tpu.vector_store %arg10[%swap3A_215], %swap3A_218 {strides = array<i32>} : memref<128xi32, #tpu.memory_space<vmem>>, vector<16xi32>,
        %get3A_219 = arith.constant 64 : index
        %get3A_220 = tpu.vector_load %arg10[%get3A_219] {strides = array<i32>} : memref<128xi32, #tpu.memory_space<vmem>>, vector<16xi32>,
        %get3A_221 = vector.shape_cast %get3A_220 : vector<16xi32> to vector<16xi32>
        %add3A_222 = vector.broadcast %mul3A_184 : i32 to vector<16xi32>
        %add3A_223 = arith.addi %get3A_221, %add3A_222 : vector<16xi32>
        %swap3A_224 = arith.constant 64 : index
        %swap3A_225 = tpu.vector_load %arg10[%swap3A_224] {strides = array<i32>} : memref<128xi32, #tpu.memory_space<vmem>>, vector<16xi32>,
        %swap3A_226 = vector.shape_cast %swap3A_225 : vector<16xi32> to vector<16xi32>
        %swap3A_227 = vector.shape_cast %add3A_223 : vector<16xi32> to vector<16xi32>
        tpu.vector_store %arg10[%swap3A_224], %swap3A_227 {strides = array<i32>} : memref<128xi32, #tpu.memory_space<vmem>>, vector<16xi32>,
        %get3A_228 = arith.constant 80 : index
        %get3A_229 = tpu.vector_load %arg10[%get3A_228] {strides = array<i32>} : memref<128xi32, #tpu.memory_space<vmem>>, vector<16xi32>,
        %get3A_230 = vector.shape_cast %get3A_229 : vector<16xi32> to vector<16xi32>
        %add3A_231 = vector.broadcast %mul3A_184 : i32 to vector<16xi32>
        %add3A_232 = arith.addi %get3A_230, %add3A_231 : vector<16xi32>
        %swap3A_233 = arith.constant 80 : index
        %swap3A_234 = tpu.vector_load %arg10[%swap3A_233] {strides = array<i32>} : memref<128xi32, #tpu.memory_space<vmem>>, vector<16xi32>,
        %swap3A_235 = vector.shape_cast %swap3A_234 : vector<16xi32> to vector<16xi32>
        %swap3A_236 = vector.shape_cast %add3A_232 : vector<16xi32> to vector<16xi32>
        tpu.vector_store %arg10[%swap3A_233], %swap3A_236 {strides = array<i32>} : memref<128xi32, #tpu.memory_space<vmem>>, vector<16xi32>,
        %get3A_237 = arith.constant 96 : index
        %get3A_238 = tpu.vector_load %arg10[%get3A_237] {strides = array<i32>} : memref<128xi32, #tpu.memory_space<vmem>>, vector<16xi32>,
        %get3A_239 = vector.shape_cast %get3A_238 : vector<16xi32> to vector<16xi32>
        %add3A_240 = vector.broadcast %mul3A_184 : i32 to vector<16xi32>
        %add3A_241 = arith.addi %get3A_239, %add3A_240 : vector<16xi32>
        %swap3A_242 = arith.constant 96 : index
        %swap3A_243 = tpu.vector_load %arg10[%swap3A_242] {strides = array<i32>} : memref<128xi32, #tpu.memory_space<vmem>>, vector<16xi32>,
        %swap3A_244 = vector.shape_cast %swap3A_243 : vector<16xi32> to vector<16xi32>
        %swap3A_245 = vector.shape_cast %add3A_241 : vector<16xi32> to vector<16xi32>
        tpu.vector_store %arg10[%swap3A_242], %swap3A_245 {strides = array<i32>} : memref<128xi32, #tpu.memory_space<vmem>>, vector<16xi32>,
        %get3A_246 = arith.constant 112 : index
        %get3A_247 = tpu.vector_load %arg10[%get3A_246] {strides = array<i32>} : memref<128xi32, #tpu.memory_space<vmem>>, vector<16xi32>,
        %get3A_248 = vector.shape_cast %get3A_247 : vector<16xi32> to vector<16xi32>
        %add3A_249 = vector.broadcast %mul3A_184 : i32 to vector<16xi32>
        %add3A_250 = arith.addi %get3A_248, %add3A_249 : vector<16xi32>
        %swap3A_251 = arith.constant 112 : index
        %swap3A_252 = tpu.vector_load %arg10[%swap3A_251] {strides = array<i32>} : memref<128xi32, #tpu.memory_space<vmem>>, vector<16xi32>,
        %swap3A_253 = vector.shape_cast %swap3A_252 : vector<16xi32> to vector<16xi32>
        %swap3A_254 = vector.shape_cast %add3A_250 : vector<16xi32> to vector<16xi32>
        tpu.vector_store %arg10[%swap3A_251], %swap3A_254 {strides = array<i32>} : memref<128xi32, #tpu.memory_space<vmem>>, vector<16xi32>,
        %dma_start3A = arith.constant 0 : i32
        %dma_start3A_255 = arith.constant 0 : i32
        %dma_start3A_256 = tpu.memref_slice %arg2[%dma_start3A, %dma_start3A_255] : memref<20000x128xf32, #tpu.memory_space<hbm>> -> memref<20000x128xf32, #tpu.memory_space<hbm>>
        tpu.enqueue_indirect_dma source(%dma_start3A_256 : memref<20000x128xf32, #tpu.memory_space<hbm>>) target(%arg14 : memref<128x128xf32, #tpu.memory_space<vmem>>) offsets(%arg10 : memref<128xi32, #tpu.memory_space<vmem>>) semaphore(%arg20 : memref<!tpu.dma_semaphore, #tpu.memory_space<semaphore_mem>>)
      } else {
      }
      %mul3A_114 = arith.constant 16 : i32
      %mul3A_115 = arith.muli %add3A_105, %mul3A_114 : i32
      %add3A_116 = arith.addi %arg1, %mul3A_115 : i32
      %lt3A_117 = arith.constant 1250 : i32
      %lt3A_118 = arith.cmpi slt, %add3A_116, %lt3A_117 : i32
      %convert_element_type3A_119 = arith.extui %lt3A_118 : i1 to i32
      %cond3A_120 = arith.constant 0 : i32
      %cond3A_121 = arith.cmpi ne, %convert_element_type3A_119, %cond3A_120 : i32
      scf.if %cond3A_121 {
        %mul3A_174 = arith.constant 128 : i32
        %mul3A_175 = arith.muli %add3A_116, %mul3A_174 : i32
        %dma_wait3A = tpu.memref_slice %arg3[%mul3A_175] : memref<160000xi32, #tpu.memory_space<hbm>> -> memref<128xi32, #tpu.memory_space<hbm>>
        %dma_wait3A_176 = tpu.memref_slice %arg3[%mul3A_175] : memref<160000xi32, #tpu.memory_space<hbm>> -> memref<128xi32, #tpu.memory_space<hbm>>
        tpu.wait_dma2 semaphore(%arg19 : memref<!tpu.dma_semaphore, #tpu.memory_space<semaphore_mem>>) src(%dma_wait3A_176 : memref<128xi32, #tpu.memory_space<hbm>>) dst(%arg9 : memref<128xi32, #tpu.memory_space<vmem>>)
        %dma_wait3A_177 = tpu.memref_slice %arg4[%mul3A_175] : memref<160000xi32, #tpu.memory_space<hbm>> -> memref<128xi32, #tpu.memory_space<hbm>>
        %dma_wait3A_178 = tpu.memref_slice %arg4[%mul3A_175] : memref<160000xi32, #tpu.memory_space<hbm>> -> memref<128xi32, #tpu.memory_space<hbm>>
        tpu.wait_dma2 semaphore(%arg19 : memref<!tpu.dma_semaphore, #tpu.memory_space<semaphore_mem>>) src(%dma_wait3A_178 : memref<128xi32, #tpu.memory_space<hbm>>) dst(%arg11 : memref<128xi32, #tpu.memory_space<vmem>>)
        %mul3A_179 = arith.constant 16 : i32
        %mul3A_180 = arith.muli %mul3A_175, %mul3A_179 : i32
        %dma_wait3A_181 = tpu.memref_slice %arg5[%mul3A_180] : memref<2560000xf32, #tpu.memory_space<hbm>> -> memref<2048xf32, #tpu.memory_space<hbm>>
        %dma_wait3A_182 = tpu.memref_slice %arg5[%mul3A_180] : memref<2560000xf32, #tpu.memory_space<hbm>> -> memref<2048xf32, #tpu.memory_space<hbm>>
        tpu.wait_dma2 semaphore(%arg19 : memref<!tpu.dma_semaphore, #tpu.memory_space<semaphore_mem>>) src(%dma_wait3A_182 : memref<2048xf32, #tpu.memory_space<hbm>>) dst(%arg13 : memref<2048xf32, #tpu.memory_space<vmem>>)
        %mul3A_183 = arith.constant 10000 : i32
        %mul3A_184 = arith.muli %arg0, %mul3A_183 : i32
        %get3A = arith.constant 0 : index
        %get3A_185 = tpu.vector_load %arg11[%get3A] {strides = array<i32>} : memref<128xi32, #tpu.memory_space<vmem>>, vector<16xi32>,
        %get3A_186 = vector.shape_cast %get3A_185 : vector<16xi32> to vector<16xi32>
        %add3A_187 = vector.broadcast %mul3A_184 : i32 to vector<16xi32>
        %add3A_188 = arith.addi %get3A_186, %add3A_187 : vector<16xi32>
        %swap3A = arith.constant 0 : index
        %swap3A_189 = tpu.vector_load %arg11[%swap3A] {strides = array<i32>} : memref<128xi32, #tpu.memory_space<vmem>>, vector<16xi32>,
        %swap3A_190 = vector.shape_cast %swap3A_189 : vector<16xi32> to vector<16xi32>
        %swap3A_191 = vector.shape_cast %add3A_188 : vector<16xi32> to vector<16xi32>
        tpu.vector_store %arg11[%swap3A], %swap3A_191 {strides = array<i32>} : memref<128xi32, #tpu.memory_space<vmem>>, vector<16xi32>,
        %get3A_192 = arith.constant 16 : index
        %get3A_193 = tpu.vector_load %arg11[%get3A_192] {strides = array<i32>} : memref<128xi32, #tpu.memory_space<vmem>>, vector<16xi32>,
        %get3A_194 = vector.shape_cast %get3A_193 : vector<16xi32> to vector<16xi32>
        %add3A_195 = vector.broadcast %mul3A_184 : i32 to vector<16xi32>
        %add3A_196 = arith.addi %get3A_194, %add3A_195 : vector<16xi32>
        %swap3A_197 = arith.constant 16 : index
        %swap3A_198 = tpu.vector_load %arg11[%swap3A_197] {strides = array<i32>} : memref<128xi32, #tpu.memory_space<vmem>>, vector<16xi32>,
        %swap3A_199 = vector.shape_cast %swap3A_198 : vector<16xi32> to vector<16xi32>
        %swap3A_200 = vector.shape_cast %add3A_196 : vector<16xi32> to vector<16xi32>
        tpu.vector_store %arg11[%swap3A_197], %swap3A_200 {strides = array<i32>} : memref<128xi32, #tpu.memory_space<vmem>>, vector<16xi32>,
        %get3A_201 = arith.constant 32 : index
        %get3A_202 = tpu.vector_load %arg11[%get3A_201] {strides = array<i32>} : memref<128xi32, #tpu.memory_space<vmem>>, vector<16xi32>,
        %get3A_203 = vector.shape_cast %get3A_202 : vector<16xi32> to vector<16xi32>
        %add3A_204 = vector.broadcast %mul3A_184 : i32 to vector<16xi32>
        %add3A_205 = arith.addi %get3A_203, %add3A_204 : vector<16xi32>
        %swap3A_206 = arith.constant 32 : index
        %swap3A_207 = tpu.vector_load %arg11[%swap3A_206] {strides = array<i32>} : memref<128xi32, #tpu.memory_space<vmem>>, vector<16xi32>,
        %swap3A_208 = vector.shape_cast %swap3A_207 : vector<16xi32> to vector<16xi32>
        %swap3A_209 = vector.shape_cast %add3A_205 : vector<16xi32> to vector<16xi32>
        tpu.vector_store %arg11[%swap3A_206], %swap3A_209 {strides = array<i32>} : memref<128xi32, #tpu.memory_space<vmem>>, vector<16xi32>,
        %get3A_210 = arith.constant 48 : index
        %get3A_211 = tpu.vector_load %arg11[%get3A_210] {strides = array<i32>} : memref<128xi32, #tpu.memory_space<vmem>>, vector<16xi32>,
        %get3A_212 = vector.shape_cast %get3A_211 : vector<16xi32> to vector<16xi32>
        %add3A_213 = vector.broadcast %mul3A_184 : i32 to vector<16xi32>
        %add3A_214 = arith.addi %get3A_212, %add3A_213 : vector<16xi32>
        %swap3A_215 = arith.constant 48 : index
        %swap3A_216 = tpu.vector_load %arg11[%swap3A_215] {strides = array<i32>} : memref<128xi32, #tpu.memory_space<vmem>>, vector<16xi32>,
        %swap3A_217 = vector.shape_cast %swap3A_216 : vector<16xi32> to vector<16xi32>
        %swap3A_218 = vector.shape_cast %add3A_214 : vector<16xi32> to vector<16xi32>
        tpu.vector_store %arg11[%swap3A_215], %swap3A_218 {strides = array<i32>} : memref<128xi32, #tpu.memory_space<vmem>>, vector<16xi32>,
        %get3A_219 = arith.constant 64 : index
        %get3A_220 = tpu.vector_load %arg11[%get3A_219] {strides = array<i32>} : memref<128xi32, #tpu.memory_space<vmem>>, vector<16xi32>,
        %get3A_221 = vector.shape_cast %get3A_220 : vector<16xi32> to vector<16xi32>
        %add3A_222 = vector.broadcast %mul3A_184 : i32 to vector<16xi32>
        %add3A_223 = arith.addi %get3A_221, %add3A_222 : vector<16xi32>
        %swap3A_224 = arith.constant 64 : index
        %swap3A_225 = tpu.vector_load %arg11[%swap3A_224] {strides = array<i32>} : memref<128xi32, #tpu.memory_space<vmem>>, vector<16xi32>,
        %swap3A_226 = vector.shape_cast %swap3A_225 : vector<16xi32> to vector<16xi32>
        %swap3A_227 = vector.shape_cast %add3A_223 : vector<16xi32> to vector<16xi32>
        tpu.vector_store %arg11[%swap3A_224], %swap3A_227 {strides = array<i32>} : memref<128xi32, #tpu.memory_space<vmem>>, vector<16xi32>,
        %get3A_228 = arith.constant 80 : index
        %get3A_229 = tpu.vector_load %arg11[%get3A_228] {strides = array<i32>} : memref<128xi32, #tpu.memory_space<vmem>>, vector<16xi32>,
        %get3A_230 = vector.shape_cast %get3A_229 : vector<16xi32> to vector<16xi32>
        %add3A_231 = vector.broadcast %mul3A_184 : i32 to vector<16xi32>
        %add3A_232 = arith.addi %get3A_230, %add3A_231 : vector<16xi32>
        %swap3A_233 = arith.constant 80 : index
        %swap3A_234 = tpu.vector_load %arg11[%swap3A_233] {strides = array<i32>} : memref<128xi32, #tpu.memory_space<vmem>>, vector<16xi32>,
        %swap3A_235 = vector.shape_cast %swap3A_234 : vector<16xi32> to vector<16xi32>
        %swap3A_236 = vector.shape_cast %add3A_232 : vector<16xi32> to vector<16xi32>
        tpu.vector_store %arg11[%swap3A_233], %swap3A_236 {strides = array<i32>} : memref<128xi32, #tpu.memory_space<vmem>>, vector<16xi32>,
        %get3A_237 = arith.constant 96 : index
        %get3A_238 = tpu.vector_load %arg11[%get3A_237] {strides = array<i32>} : memref<128xi32, #tpu.memory_space<vmem>>, vector<16xi32>,
        %get3A_239 = vector.shape_cast %get3A_238 : vector<16xi32> to vector<16xi32>
        %add3A_240 = vector.broadcast %mul3A_184 : i32 to vector<16xi32>
        %add3A_241 = arith.addi %get3A_239, %add3A_240 : vector<16xi32>
        %swap3A_242 = arith.constant 96 : index
        %swap3A_243 = tpu.vector_load %arg11[%swap3A_242] {strides = array<i32>} : memref<128xi32, #tpu.memory_space<vmem>>, vector<16xi32>,
        %swap3A_244 = vector.shape_cast %swap3A_243 : vector<16xi32> to vector<16xi32>
        %swap3A_245 = vector.shape_cast %add3A_241 : vector<16xi32> to vector<16xi32>
        tpu.vector_store %arg11[%swap3A_242], %swap3A_245 {strides = array<i32>} : memref<128xi32, #tpu.memory_space<vmem>>, vector<16xi32>,
        %get3A_246 = arith.constant 112 : index
        %get3A_247 = tpu.vector_load %arg11[%get3A_246] {strides = array<i32>} : memref<128xi32, #tpu.memory_space<vmem>>, vector<16xi32>,
        %get3A_248 = vector.shape_cast %get3A_247 : vector<16xi32> to vector<16xi32>
        %add3A_249 = vector.broadcast %mul3A_184 : i32 to vector<16xi32>
        %add3A_250 = arith.addi %get3A_248, %add3A_249 : vector<16xi32>
        %swap3A_251 = arith.constant 112 : index
        %swap3A_252 = tpu.vector_load %arg11[%swap3A_251] {strides = array<i32>} : memref<128xi32, #tpu.memory_space<vmem>>, vector<16xi32>,
        %swap3A_253 = vector.shape_cast %swap3A_252 : vector<16xi32> to vector<16xi32>
        %swap3A_254 = vector.shape_cast %add3A_250 : vector<16xi32> to vector<16xi32>
        tpu.vector_store %arg11[%swap3A_251], %swap3A_254 {strides = array<i32>} : memref<128xi32, #tpu.memory_space<vmem>>, vector<16xi32>,
        %dma_start3A = arith.constant 0 : i32
        %dma_start3A_255 = arith.constant 0 : i32
        %dma_start3A_256 = tpu.memref_slice %arg2[%dma_start3A, %dma_start3A_255] : memref<20000x128xf32, #tpu.memory_space<hbm>> -> memref<20000x128xf32, #tpu.memory_space<hbm>>
        tpu.enqueue_indirect_dma source(%dma_start3A_256 : memref<20000x128xf32, #tpu.memory_space<hbm>>) target(%arg15 : memref<128x128xf32, #tpu.memory_space<vmem>>) offsets(%arg11 : memref<128xi32, #tpu.memory_space<vmem>>) semaphore(%arg21 : memref<!tpu.dma_semaphore, #tpu.memory_space<semaphore_mem>>)
      } else {
      }
      %mul3A_122 = arith.constant 16 : i32
      %mul3A_123 = arith.muli %mul3A_103, %mul3A_122 : i32
      %add3A_124 = arith.addi %arg1, %mul3A_123 : i32
      %lt3A_125 = arith.constant 1250 : i32
      %lt3A_126 = arith.cmpi slt, %add3A_124, %lt3A_125 : i32
      %convert_element_type3A_127 = arith.extui %lt3A_126 : i1 to i32
      %cond3A_128 = arith.constant 0 : i32
      %cond3A_129 = arith.cmpi ne, %convert_element_type3A_127, %cond3A_128 : i32
      scf.if %cond3A_129 {
        %dma_wait3A = arith.constant 0 : i32
        %dma_wait3A_174 = arith.constant 0 : i32
        %dma_wait3A_175 = tpu.memref_slice %arg2[%dma_wait3A, %dma_wait3A_174] : memref<20000x128xf32, #tpu.memory_space<hbm>> -> memref<20000x128xf32, #tpu.memory_space<hbm>>
        tpu.wait_indirect_dma semaphore(%arg20 : memref<!tpu.dma_semaphore, #tpu.memory_space<semaphore_mem>>) src(%dma_wait3A_175 : memref<20000x128xf32, #tpu.memory_space<hbm>>) dst(%arg14 : memref<128x128xf32, #tpu.memory_space<vmem>>)
        %parallel_loop3A = arith.constant 0 : i32
        %parallel_loop3A_176 = arith.constant 128 : i32
        %parallel_loop3A_177 = arith.constant 1 : i32
        scf.for %parallel_loop3A_180 = %parallel_loop3A to %parallel_loop3A_176 step %parallel_loop3A_177  : i32 {
          %parallel_loop3A_181 = arith.constant 16 : i32
          %parallel_loop3A_182 = arith.muli %parallel_loop3A_180, %parallel_loop3A_181 : i32
          %parallel_loop3A_183 = arith.index_cast %parallel_loop3A_182 : i32 to index
          %parallel_loop3A_184 = tpu.vector_load %arg12[%parallel_loop3A_183] {strides = array<i32>} : memref<2048xf32, #tpu.memory_space<vmem>>, vector<16xf32>,
          %parallel_loop3A_185 = vector.shape_cast %parallel_loop3A_184 : vector<16xf32> to vector<16xf32>
          %parallel_loop3A_186 = arith.index_cast %parallel_loop3A_180 : i32 to index
          %parallel_loop3A_187 = arith.constant 0 : index
          %parallel_loop3A_188 = tpu.vector_load %arg14[%parallel_loop3A_186, %parallel_loop3A_187] {strides = array<i32>} : memref<128x128xf32, #tpu.memory_space<vmem>>, vector<1x16xf32>,
          %parallel_loop3A_189 = vector.shape_cast %parallel_loop3A_188 : vector<1x16xf32> to vector<16xf32>
          %parallel_loop3A_190 = arith.mulf %parallel_loop3A_189, %parallel_loop3A_185 : vector<16xf32>
          %parallel_loop3A_191 = arith.index_cast %parallel_loop3A_180 : i32 to index
          %parallel_loop3A_192 = arith.constant 0 : index
          %parallel_loop3A_193 = tpu.vector_load %arg14[%parallel_loop3A_191, %parallel_loop3A_192] {strides = array<i32>} : memref<128x128xf32, #tpu.memory_space<vmem>>, vector<1x16xf32>,
          %parallel_loop3A_194 = vector.shape_cast %parallel_loop3A_193 : vector<1x16xf32> to vector<16xf32>
          %parallel_loop3A_195 = vector.shape_cast %parallel_loop3A_190 : vector<16xf32> to vector<1x16xf32>
          tpu.vector_store %arg14[%parallel_loop3A_191, %parallel_loop3A_192], %parallel_loop3A_195 {strides = array<i32>} : memref<128x128xf32, #tpu.memory_space<vmem>>, vector<1x16xf32>,
          %parallel_loop3A_196 = arith.index_cast %parallel_loop3A_180 : i32 to index
          %parallel_loop3A_197 = arith.constant 16 : index
          %parallel_loop3A_198 = tpu.vector_load %arg14[%parallel_loop3A_196, %parallel_loop3A_197] {strides = array<i32>} : memref<128x128xf32, #tpu.memory_space<vmem>>, vector<1x16xf32>,
          %parallel_loop3A_199 = vector.shape_cast %parallel_loop3A_198 : vector<1x16xf32> to vector<16xf32>
          %parallel_loop3A_200 = arith.mulf %parallel_loop3A_199, %parallel_loop3A_185 : vector<16xf32>
          %parallel_loop3A_201 = arith.index_cast %parallel_loop3A_180 : i32 to index
          %parallel_loop3A_202 = arith.constant 16 : index
          %parallel_loop3A_203 = tpu.vector_load %arg14[%parallel_loop3A_201, %parallel_loop3A_202] {strides = array<i32>} : memref<128x128xf32, #tpu.memory_space<vmem>>, vector<1x16xf32>,
          %parallel_loop3A_204 = vector.shape_cast %parallel_loop3A_203 : vector<1x16xf32> to vector<16xf32>
          %parallel_loop3A_205 = vector.shape_cast %parallel_loop3A_200 : vector<16xf32> to vector<1x16xf32>
          tpu.vector_store %arg14[%parallel_loop3A_201, %parallel_loop3A_202], %parallel_loop3A_205 {strides = array<i32>} : memref<128x128xf32, #tpu.memory_space<vmem>>, vector<1x16xf32>,
          %parallel_loop3A_206 = arith.index_cast %parallel_loop3A_180 : i32 to index
          %parallel_loop3A_207 = arith.constant 32 : index
          %parallel_loop3A_208 = tpu.vector_load %arg14[%parallel_loop3A_206, %parallel_loop3A_207] {strides = array<i32>} : memref<128x128xf32, #tpu.memory_space<vmem>>, vector<1x16xf32>,
          %parallel_loop3A_209 = vector.shape_cast %parallel_loop3A_208 : vector<1x16xf32> to vector<16xf32>
          %parallel_loop3A_210 = arith.mulf %parallel_loop3A_209, %parallel_loop3A_185 : vector<16xf32>
          %parallel_loop3A_211 = arith.index_cast %parallel_loop3A_180 : i32 to index
          %parallel_loop3A_212 = arith.constant 32 : index
          %parallel_loop3A_213 = tpu.vector_load %arg14[%parallel_loop3A_211, %parallel_loop3A_212] {strides = array<i32>} : memref<128x128xf32, #tpu.memory_space<vmem>>, vector<1x16xf32>,
          %parallel_loop3A_214 = vector.shape_cast %parallel_loop3A_213 : vector<1x16xf32> to vector<16xf32>
          %parallel_loop3A_215 = vector.shape_cast %parallel_loop3A_210 : vector<16xf32> to vector<1x16xf32>
          tpu.vector_store %arg14[%parallel_loop3A_211, %parallel_loop3A_212], %parallel_loop3A_215 {strides = array<i32>} : memref<128x128xf32, #tpu.memory_space<vmem>>, vector<1x16xf32>,
          %parallel_loop3A_216 = arith.index_cast %parallel_loop3A_180 : i32 to index
          %parallel_loop3A_217 = arith.constant 48 : index
          %parallel_loop3A_218 = tpu.vector_load %arg14[%parallel_loop3A_216, %parallel_loop3A_217] {strides = array<i32>} : memref<128x128xf32, #tpu.memory_space<vmem>>, vector<1x16xf32>,
          %parallel_loop3A_219 = vector.shape_cast %parallel_loop3A_218 : vector<1x16xf32> to vector<16xf32>
          %parallel_loop3A_220 = arith.mulf %parallel_loop3A_219, %parallel_loop3A_185 : vector<16xf32>
          %parallel_loop3A_221 = arith.index_cast %parallel_loop3A_180 : i32 to index
          %parallel_loop3A_222 = arith.constant 48 : index
          %parallel_loop3A_223 = tpu.vector_load %arg14[%parallel_loop3A_221, %parallel_loop3A_222] {strides = array<i32>} : memref<128x128xf32, #tpu.memory_space<vmem>>, vector<1x16xf32>,
          %parallel_loop3A_224 = vector.shape_cast %parallel_loop3A_223 : vector<1x16xf32> to vector<16xf32>
          %parallel_loop3A_225 = vector.shape_cast %parallel_loop3A_220 : vector<16xf32> to vector<1x16xf32>
          tpu.vector_store %arg14[%parallel_loop3A_221, %parallel_loop3A_222], %parallel_loop3A_225 {strides = array<i32>} : memref<128x128xf32, #tpu.memory_space<vmem>>, vector<1x16xf32>,
          %parallel_loop3A_226 = arith.index_cast %parallel_loop3A_180 : i32 to index
          %parallel_loop3A_227 = arith.constant 64 : index
          %parallel_loop3A_228 = tpu.vector_load %arg14[%parallel_loop3A_226, %parallel_loop3A_227] {strides = array<i32>} : memref<128x128xf32, #tpu.memory_space<vmem>>, vector<1x16xf32>,
          %parallel_loop3A_229 = vector.shape_cast %parallel_loop3A_228 : vector<1x16xf32> to vector<16xf32>
          %parallel_loop3A_230 = arith.mulf %parallel_loop3A_229, %parallel_loop3A_185 : vector<16xf32>
          %parallel_loop3A_231 = arith.index_cast %parallel_loop3A_180 : i32 to index
          %parallel_loop3A_232 = arith.constant 64 : index
          %parallel_loop3A_233 = tpu.vector_load %arg14[%parallel_loop3A_231, %parallel_loop3A_232] {strides = array<i32>} : memref<128x128xf32, #tpu.memory_space<vmem>>, vector<1x16xf32>,
          %parallel_loop3A_234 = vector.shape_cast %parallel_loop3A_233 : vector<1x16xf32> to vector<16xf32>
          %parallel_loop3A_235 = vector.shape_cast %parallel_loop3A_230 : vector<16xf32> to vector<1x16xf32>
          tpu.vector_store %arg14[%parallel_loop3A_231, %parallel_loop3A_232], %parallel_loop3A_235 {strides = array<i32>} : memref<128x128xf32, #tpu.memory_space<vmem>>, vector<1x16xf32>,
          %parallel_loop3A_236 = arith.index_cast %parallel_loop3A_180 : i32 to index
          %parallel_loop3A_237 = arith.constant 80 : index
          %parallel_loop3A_238 = tpu.vector_load %arg14[%parallel_loop3A_236, %parallel_loop3A_237] {strides = array<i32>} : memref<128x128xf32, #tpu.memory_space<vmem>>, vector<1x16xf32>,
          %parallel_loop3A_239 = vector.shape_cast %parallel_loop3A_238 : vector<1x16xf32> to vector<16xf32>
          %parallel_loop3A_240 = arith.mulf %parallel_loop3A_239, %parallel_loop3A_185 : vector<16xf32>
          %parallel_loop3A_241 = arith.index_cast %parallel_loop3A_180 : i32 to index
          %parallel_loop3A_242 = arith.constant 80 : index
          %parallel_loop3A_243 = tpu.vector_load %arg14[%parallel_loop3A_241, %parallel_loop3A_242] {strides = array<i32>} : memref<128x128xf32, #tpu.memory_space<vmem>>, vector<1x16xf32>,
          %parallel_loop3A_244 = vector.shape_cast %parallel_loop3A_243 : vector<1x16xf32> to vector<16xf32>
          %parallel_loop3A_245 = vector.shape_cast %parallel_loop3A_240 : vector<16xf32> to vector<1x16xf32>
          tpu.vector_store %arg14[%parallel_loop3A_241, %parallel_loop3A_242], %parallel_loop3A_245 {strides = array<i32>} : memref<128x128xf32, #tpu.memory_space<vmem>>, vector<1x16xf32>,
          %parallel_loop3A_246 = arith.index_cast %parallel_loop3A_180 : i32 to index
          %parallel_loop3A_247 = arith.constant 96 : index
          %parallel_loop3A_248 = tpu.vector_load %arg14[%parallel_loop3A_246, %parallel_loop3A_247] {strides = array<i32>} : memref<128x128xf32, #tpu.memory_space<vmem>>, vector<1x16xf32>,
          %parallel_loop3A_249 = vector.shape_cast %parallel_loop3A_248 : vector<1x16xf32> to vector<16xf32>
          %parallel_loop3A_250 = arith.mulf %parallel_loop3A_249, %parallel_loop3A_185 : vector<16xf32>
          %parallel_loop3A_251 = arith.index_cast %parallel_loop3A_180 : i32 to index
          %parallel_loop3A_252 = arith.constant 96 : index
          %parallel_loop3A_253 = tpu.vector_load %arg14[%parallel_loop3A_251, %parallel_loop3A_252] {strides = array<i32>} : memref<128x128xf32, #tpu.memory_space<vmem>>, vector<1x16xf32>,
          %parallel_loop3A_254 = vector.shape_cast %parallel_loop3A_253 : vector<1x16xf32> to vector<16xf32>
          %parallel_loop3A_255 = vector.shape_cast %parallel_loop3A_250 : vector<16xf32> to vector<1x16xf32>
          tpu.vector_store %arg14[%parallel_loop3A_251, %parallel_loop3A_252], %parallel_loop3A_255 {strides = array<i32>} : memref<128x128xf32, #tpu.memory_space<vmem>>, vector<1x16xf32>,
          %parallel_loop3A_256 = arith.index_cast %parallel_loop3A_180 : i32 to index
          %parallel_loop3A_257 = arith.constant 112 : index
          %parallel_loop3A_258 = tpu.vector_load %arg14[%parallel_loop3A_256, %parallel_loop3A_257] {strides = array<i32>} : memref<128x128xf32, #tpu.memory_space<vmem>>, vector<1x16xf32>,
          %parallel_loop3A_259 = vector.shape_cast %parallel_loop3A_258 : vector<1x16xf32> to vector<16xf32>
          %parallel_loop3A_260 = arith.mulf %parallel_loop3A_259, %parallel_loop3A_185 : vector<16xf32>
          %parallel_loop3A_261 = arith.index_cast %parallel_loop3A_180 : i32 to index
          %parallel_loop3A_262 = arith.constant 112 : index
          %parallel_loop3A_263 = tpu.vector_load %arg14[%parallel_loop3A_261, %parallel_loop3A_262] {strides = array<i32>} : memref<128x128xf32, #tpu.memory_space<vmem>>, vector<1x16xf32>,
          %parallel_loop3A_264 = vector.shape_cast %parallel_loop3A_263 : vector<1x16xf32> to vector<16xf32>
          %parallel_loop3A_265 = vector.shape_cast %parallel_loop3A_260 : vector<16xf32> to vector<1x16xf32>
          tpu.vector_store %arg14[%parallel_loop3A_261, %parallel_loop3A_262], %parallel_loop3A_265 {strides = array<i32>} : memref<128x128xf32, #tpu.memory_space<vmem>>, vector<1x16xf32>,
        } {sc.loop_unroll_factor = 2 : i64, sc.parallel_access}
        %dma_start3A = arith.constant 0 : i32
        %dma_start3A_178 = arith.constant 0 : i32
        %dma_start3A_179 = tpu.memref_slice %arg17[%dma_start3A, %dma_start3A_178] : memref<10000x128xf32, #tpu.memory_space<vmem_shared>> -> memref<10000x128xf32, #tpu.memory_space<vmem_shared>>
        tpu.enqueue_indirect_dma source(%arg14 : memref<128x128xf32, #tpu.memory_space<vmem>>) target(%dma_start3A_179 : memref<10000x128xf32, #tpu.memory_space<vmem_shared>>) offsets(%arg8 : memref<128xi32, #tpu.memory_space<vmem>>) semaphore(%arg22 : memref<!tpu.dma_semaphore, #tpu.memory_space<semaphore_mem>>) {add = true}
      } else {
      }
      %mul3A_130 = arith.constant 16 : i32
      %mul3A_131 = arith.muli %add3A_105, %mul3A_130 : i32
      %add3A_132 = arith.addi %arg1, %mul3A_131 : i32
      %lt3A_133 = arith.constant 1250 : i32
      %lt3A_134 = arith.cmpi slt, %add3A_132, %lt3A_133 : i32
      %convert_element_type3A_135 = arith.extui %lt3A_134 : i1 to i32
      %cond3A_136 = arith.constant 0 : i32
      %cond3A_137 = arith.cmpi ne, %convert_element_type3A_135, %cond3A_136 : i32
      scf.if %cond3A_137 {
        %dma_wait3A = arith.constant 0 : i32
        %dma_wait3A_174 = arith.constant 0 : i32
        %dma_wait3A_175 = tpu.memref_slice %arg2[%dma_wait3A, %dma_wait3A_174] : memref<20000x128xf32, #tpu.memory_space<hbm>> -> memref<20000x128xf32, #tpu.memory_space<hbm>>
        tpu.wait_indirect_dma semaphore(%arg21 : memref<!tpu.dma_semaphore, #tpu.memory_space<semaphore_mem>>) src(%dma_wait3A_175 : memref<20000x128xf32, #tpu.memory_space<hbm>>) dst(%arg15 : memref<128x128xf32, #tpu.memory_space<vmem>>)
        %parallel_loop3A = arith.constant 0 : i32
        %parallel_loop3A_176 = arith.constant 128 : i32
        %parallel_loop3A_177 = arith.constant 1 : i32
        scf.for %parallel_loop3A_180 = %parallel_loop3A to %parallel_loop3A_176 step %parallel_loop3A_177  : i32 {
          %parallel_loop3A_181 = arith.constant 16 : i32
          %parallel_loop3A_182 = arith.muli %parallel_loop3A_180, %parallel_loop3A_181 : i32
          %parallel_loop3A_183 = arith.index_cast %parallel_loop3A_182 : i32 to index
          %parallel_loop3A_184 = tpu.vector_load %arg13[%parallel_loop3A_183] {strides = array<i32>} : memref<2048xf32, #tpu.memory_space<vmem>>, vector<16xf32>,
          %parallel_loop3A_185 = vector.shape_cast %parallel_loop3A_184 : vector<16xf32> to vector<16xf32>
          %parallel_loop3A_186 = arith.index_cast %parallel_loop3A_180 : i32 to index
          %parallel_loop3A_187 = arith.constant 0 : index
          %parallel_loop3A_188 = tpu.vector_load %arg15[%parallel_loop3A_186, %parallel_loop3A_187] {strides = array<i32>} : memref<128x128xf32, #tpu.memory_space<vmem>>, vector<1x16xf32>,
          %parallel_loop3A_189 = vector.shape_cast %parallel_loop3A_188 : vector<1x16xf32> to vector<16xf32>
          %parallel_loop3A_190 = arith.mulf %parallel_loop3A_189, %parallel_loop3A_185 : vector<16xf32>
          %parallel_loop3A_191 = arith.index_cast %parallel_loop3A_180 : i32 to index
          %parallel_loop3A_192 = arith.constant 0 : index
          %parallel_loop3A_193 = tpu.vector_load %arg15[%parallel_loop3A_191, %parallel_loop3A_192] {strides = array<i32>} : memref<128x128xf32, #tpu.memory_space<vmem>>, vector<1x16xf32>,
          %parallel_loop3A_194 = vector.shape_cast %parallel_loop3A_193 : vector<1x16xf32> to vector<16xf32>
          %parallel_loop3A_195 = vector.shape_cast %parallel_loop3A_190 : vector<16xf32> to vector<1x16xf32>
          tpu.vector_store %arg15[%parallel_loop3A_191, %parallel_loop3A_192], %parallel_loop3A_195 {strides = array<i32>} : memref<128x128xf32, #tpu.memory_space<vmem>>, vector<1x16xf32>,
          %parallel_loop3A_196 = arith.index_cast %parallel_loop3A_180 : i32 to index
          %parallel_loop3A_197 = arith.constant 16 : index
          %parallel_loop3A_198 = tpu.vector_load %arg15[%parallel_loop3A_196, %parallel_loop3A_197] {strides = array<i32>} : memref<128x128xf32, #tpu.memory_space<vmem>>, vector<1x16xf32>,
          %parallel_loop3A_199 = vector.shape_cast %parallel_loop3A_198 : vector<1x16xf32> to vector<16xf32>
          %parallel_loop3A_200 = arith.mulf %parallel_loop3A_199, %parallel_loop3A_185 : vector<16xf32>
          %parallel_loop3A_201 = arith.index_cast %parallel_loop3A_180 : i32 to index
          %parallel_loop3A_202 = arith.constant 16 : index
          %parallel_loop3A_203 = tpu.vector_load %arg15[%parallel_loop3A_201, %parallel_loop3A_202] {strides = array<i32>} : memref<128x128xf32, #tpu.memory_space<vmem>>, vector<1x16xf32>,
          %parallel_loop3A_204 = vector.shape_cast %parallel_loop3A_203 : vector<1x16xf32> to vector<16xf32>
          %parallel_loop3A_205 = vector.shape_cast %parallel_loop3A_200 : vector<16xf32> to vector<1x16xf32>
          tpu.vector_store %arg15[%parallel_loop3A_201, %parallel_loop3A_202], %parallel_loop3A_205 {strides = array<i32>} : memref<128x128xf32, #tpu.memory_space<vmem>>, vector<1x16xf32>,
          %parallel_loop3A_206 = arith.index_cast %parallel_loop3A_180 : i32 to index
          %parallel_loop3A_207 = arith.constant 32 : index
          %parallel_loop3A_208 = tpu.vector_load %arg15[%parallel_loop3A_206, %parallel_loop3A_207] {strides = array<i32>} : memref<128x128xf32, #tpu.memory_space<vmem>>, vector<1x16xf32>,
          %parallel_loop3A_209 = vector.shape_cast %parallel_loop3A_208 : vector<1x16xf32> to vector<16xf32>
          %parallel_loop3A_210 = arith.mulf %parallel_loop3A_209, %parallel_loop3A_185 : vector<16xf32>
          %parallel_loop3A_211 = arith.index_cast %parallel_loop3A_180 : i32 to index
          %parallel_loop3A_212 = arith.constant 32 : index
          %parallel_loop3A_213 = tpu.vector_load %arg15[%parallel_loop3A_211, %parallel_loop3A_212] {strides = array<i32>} : memref<128x128xf32, #tpu.memory_space<vmem>>, vector<1x16xf32>,
          %parallel_loop3A_214 = vector.shape_cast %parallel_loop3A_213 : vector<1x16xf32> to vector<16xf32>
          %parallel_loop3A_215 = vector.shape_cast %parallel_loop3A_210 : vector<16xf32> to vector<1x16xf32>
          tpu.vector_store %arg15[%parallel_loop3A_211, %parallel_loop3A_212], %parallel_loop3A_215 {strides = array<i32>} : memref<128x128xf32, #tpu.memory_space<vmem>>, vector<1x16xf32>,
          %parallel_loop3A_216 = arith.index_cast %parallel_loop3A_180 : i32 to index
          %parallel_loop3A_217 = arith.constant 48 : index
          %parallel_loop3A_218 = tpu.vector_load %arg15[%parallel_loop3A_216, %parallel_loop3A_217] {strides = array<i32>} : memref<128x128xf32, #tpu.memory_space<vmem>>, vector<1x16xf32>,
          %parallel_loop3A_219 = vector.shape_cast %parallel_loop3A_218 : vector<1x16xf32> to vector<16xf32>
          %parallel_loop3A_220 = arith.mulf %parallel_loop3A_219, %parallel_loop3A_185 : vector<16xf32>
          %parallel_loop3A_221 = arith.index_cast %parallel_loop3A_180 : i32 to index
          %parallel_loop3A_222 = arith.constant 48 : index
          %parallel_loop3A_223 = tpu.vector_load %arg15[%parallel_loop3A_221, %parallel_loop3A_222] {strides = array<i32>} : memref<128x128xf32, #tpu.memory_space<vmem>>, vector<1x16xf32>,
          %parallel_loop3A_224 = vector.shape_cast %parallel_loop3A_223 : vector<1x16xf32> to vector<16xf32>
          %parallel_loop3A_225 = vector.shape_cast %parallel_loop3A_220 : vector<16xf32> to vector<1x16xf32>
          tpu.vector_store %arg15[%parallel_loop3A_221, %parallel_loop3A_222], %parallel_loop3A_225 {strides = array<i32>} : memref<128x128xf32, #tpu.memory_space<vmem>>, vector<1x16xf32>,
          %parallel_loop3A_226 = arith.index_cast %parallel_loop3A_180 : i32 to index
          %parallel_loop3A_227 = arith.constant 64 : index
          %parallel_loop3A_228 = tpu.vector_load %arg15[%parallel_loop3A_226, %parallel_loop3A_227] {strides = array<i32>} : memref<128x128xf32, #tpu.memory_space<vmem>>, vector<1x16xf32>,
          %parallel_loop3A_229 = vector.shape_cast %parallel_loop3A_228 : vector<1x16xf32> to vector<16xf32>
          %parallel_loop3A_230 = arith.mulf %parallel_loop3A_229, %parallel_loop3A_185 : vector<16xf32>
          %parallel_loop3A_231 = arith.index_cast %parallel_loop3A_180 : i32 to index
          %parallel_loop3A_232 = arith.constant 64 : index
          %parallel_loop3A_233 = tpu.vector_load %arg15[%parallel_loop3A_231, %parallel_loop3A_232] {strides = array<i32>} : memref<128x128xf32, #tpu.memory_space<vmem>>, vector<1x16xf32>,
          %parallel_loop3A_234 = vector.shape_cast %parallel_loop3A_233 : vector<1x16xf32> to vector<16xf32>
          %parallel_loop3A_235 = vector.shape_cast %parallel_loop3A_230 : vector<16xf32> to vector<1x16xf32>
          tpu.vector_store %arg15[%parallel_loop3A_231, %parallel_loop3A_232], %parallel_loop3A_235 {strides = array<i32>} : memref<128x128xf32, #tpu.memory_space<vmem>>, vector<1x16xf32>,
          %parallel_loop3A_236 = arith.index_cast %parallel_loop3A_180 : i32 to index
          %parallel_loop3A_237 = arith.constant 80 : index
          %parallel_loop3A_238 = tpu.vector_load %arg15[%parallel_loop3A_236, %parallel_loop3A_237] {strides = array<i32>} : memref<128x128xf32, #tpu.memory_space<vmem>>, vector<1x16xf32>,
          %parallel_loop3A_239 = vector.shape_cast %parallel_loop3A_238 : vector<1x16xf32> to vector<16xf32>
          %parallel_loop3A_240 = arith.mulf %parallel_loop3A_239, %parallel_loop3A_185 : vector<16xf32>
          %parallel_loop3A_241 = arith.index_cast %parallel_loop3A_180 : i32 to index
          %parallel_loop3A_242 = arith.constant 80 : index
          %parallel_loop3A_243 = tpu.vector_load %arg15[%parallel_loop3A_241, %parallel_loop3A_242] {strides = array<i32>} : memref<128x128xf32, #tpu.memory_space<vmem>>, vector<1x16xf32>,
          %parallel_loop3A_244 = vector.shape_cast %parallel_loop3A_243 : vector<1x16xf32> to vector<16xf32>
          %parallel_loop3A_245 = vector.shape_cast %parallel_loop3A_240 : vector<16xf32> to vector<1x16xf32>
          tpu.vector_store %arg15[%parallel_loop3A_241, %parallel_loop3A_242], %parallel_loop3A_245 {strides = array<i32>} : memref<128x128xf32, #tpu.memory_space<vmem>>, vector<1x16xf32>,
          %parallel_loop3A_246 = arith.index_cast %parallel_loop3A_180 : i32 to index
          %parallel_loop3A_247 = arith.constant 96 : index
          %parallel_loop3A_248 = tpu.vector_load %arg15[%parallel_loop3A_246, %parallel_loop3A_247] {strides = array<i32>} : memref<128x128xf32, #tpu.memory_space<vmem>>, vector<1x16xf32>,
          %parallel_loop3A_249 = vector.shape_cast %parallel_loop3A_248 : vector<1x16xf32> to vector<16xf32>
          %parallel_loop3A_250 = arith.mulf %parallel_loop3A_249, %parallel_loop3A_185 : vector<16xf32>
          %parallel_loop3A_251 = arith.index_cast %parallel_loop3A_180 : i32 to index
          %parallel_loop3A_252 = arith.constant 96 : index
          %parallel_loop3A_253 = tpu.vector_load %arg15[%parallel_loop3A_251, %parallel_loop3A_252] {strides = array<i32>} : memref<128x128xf32, #tpu.memory_space<vmem>>, vector<1x16xf32>,
          %parallel_loop3A_254 = vector.shape_cast %parallel_loop3A_253 : vector<1x16xf32> to vector<16xf32>
          %parallel_loop3A_255 = vector.shape_cast %parallel_loop3A_250 : vector<16xf32> to vector<1x16xf32>
          tpu.vector_store %arg15[%parallel_loop3A_251, %parallel_loop3A_252], %parallel_loop3A_255 {strides = array<i32>} : memref<128x128xf32, #tpu.memory_space<vmem>>, vector<1x16xf32>,
          %parallel_loop3A_256 = arith.index_cast %parallel_loop3A_180 : i32 to index
          %parallel_loop3A_257 = arith.constant 112 : index
          %parallel_loop3A_258 = tpu.vector_load %arg15[%parallel_loop3A_256, %parallel_loop3A_257] {strides = array<i32>} : memref<128x128xf32, #tpu.memory_space<vmem>>, vector<1x16xf32>,
          %parallel_loop3A_259 = vector.shape_cast %parallel_loop3A_258 : vector<1x16xf32> to vector<16xf32>
          %parallel_loop3A_260 = arith.mulf %parallel_loop3A_259, %parallel_loop3A_185 : vector<16xf32>
          %parallel_loop3A_261 = arith.index_cast %parallel_loop3A_180 : i32 to index
          %parallel_loop3A_262 = arith.constant 112 : index
          %parallel_loop3A_263 = tpu.vector_load %arg15[%parallel_loop3A_261, %parallel_loop3A_262] {strides = array<i32>} : memref<128x128xf32, #tpu.memory_space<vmem>>, vector<1x16xf32>,
          %parallel_loop3A_264 = vector.shape_cast %parallel_loop3A_263 : vector<1x16xf32> to vector<16xf32>
          %parallel_loop3A_265 = vector.shape_cast %parallel_loop3A_260 : vector<16xf32> to vector<1x16xf32>
          tpu.vector_store %arg15[%parallel_loop3A_261, %parallel_loop3A_262], %parallel_loop3A_265 {strides = array<i32>} : memref<128x128xf32, #tpu.memory_space<vmem>>, vector<1x16xf32>,
        } {sc.loop_unroll_factor = 2 : i64, sc.parallel_access}
        %dma_start3A = arith.constant 0 : i32
        %dma_start3A_178 = arith.constant 0 : i32
        %dma_start3A_179 = tpu.memref_slice %arg17[%dma_start3A, %dma_start3A_178] : memref<10000x128xf32, #tpu.memory_space<vmem_shared>> -> memref<10000x128xf32, #tpu.memory_space<vmem_shared>>
        tpu.enqueue_indirect_dma source(%arg15 : memref<128x128xf32, #tpu.memory_space<vmem>>) target(%dma_start3A_179 : memref<10000x128xf32, #tpu.memory_space<vmem_shared>>) offsets(%arg9 : memref<128xi32, #tpu.memory_space<vmem>>) semaphore(%arg23 : memref<!tpu.dma_semaphore, #tpu.memory_space<semaphore_mem>>) {add = true}
      } else {
      }
      %mul3A_138 = arith.constant 16 : i32
      %mul3A_139 = arith.muli %mul3A_103, %mul3A_138 : i32
      %add3A_140 = arith.addi %arg1, %mul3A_139 : i32
      %lt3A_141 = arith.constant 1250 : i32
      %lt3A_142 = arith.cmpi slt, %add3A_140, %lt3A_141 : i32
      %convert_element_type3A_143 = arith.extui %lt3A_142 : i1 to i32
      %cond3A_144 = arith.constant 0 : i32
      %cond3A_145 = arith.cmpi ne, %convert_element_type3A_143, %cond3A_144 : i32
      scf.if %cond3A_145 {
        %dma_wait3A = arith.constant 0 : i32
        %dma_wait3A_174 = arith.constant 0 : i32
        %dma_wait3A_175 = tpu.memref_slice %arg17[%dma_wait3A, %dma_wait3A_174] : memref<10000x128xf32, #tpu.memory_space<vmem_shared>> -> memref<10000x128xf32, #tpu.memory_space<vmem_shared>>
        tpu.wait_indirect_dma semaphore(%arg22 : memref<!tpu.dma_semaphore, #tpu.memory_space<semaphore_mem>>) src(%arg14 : memref<128x128xf32, #tpu.memory_space<vmem>>) dst(%dma_wait3A_175 : memref<10000x128xf32, #tpu.memory_space<vmem_shared>>)
      } else {
      }
      %add3A_146 = arith.constant 2 : i32
      %add3A_147 = arith.addi %mul3A_103, %add3A_146 : i32
      %mul3A_148 = arith.constant 16 : i32
      %mul3A_149 = arith.muli %add3A_147, %mul3A_148 : i32
      %add3A_150 = arith.addi %arg1, %mul3A_149 : i32
      %lt3A_151 = arith.constant 1250 : i32
      %lt3A_152 = arith.cmpi slt, %add3A_150, %lt3A_151 : i32
      %convert_element_type3A_153 = arith.extui %lt3A_152 : i1 to i32
      %cond3A_154 = arith.constant 0 : i32
      %cond3A_155 = arith.cmpi ne, %convert_element_type3A_153, %cond3A_154 : i32
      scf.if %cond3A_155 {
        %mul3A_174 = arith.constant 128 : i32
        %mul3A_175 = arith.muli %add3A_150, %mul3A_174 : i32
        %dma_start3A = tpu.memref_slice %arg3[%mul3A_175] : memref<160000xi32, #tpu.memory_space<hbm>> -> memref<128xi32, #tpu.memory_space<hbm>>
        %dma_start3A_176 = tpu.memref_slice %arg3[%mul3A_175] : memref<160000xi32, #tpu.memory_space<hbm>> -> memref<128xi32, #tpu.memory_space<hbm>>
        tpu.enqueue_dma source(%dma_start3A_176 : memref<128xi32, #tpu.memory_space<hbm>>) target(%arg8 : memref<128xi32, #tpu.memory_space<vmem>>) target_semaphore(%arg18 : memref<!tpu.dma_semaphore, #tpu.memory_space<semaphore_mem>>)
        %dma_start3A_177 = tpu.memref_slice %arg4[%mul3A_175] : memref<160000xi32, #tpu.memory_space<hbm>> -> memref<128xi32, #tpu.memory_space<hbm>>
        %dma_start3A_178 = tpu.memref_slice %arg4[%mul3A_175] : memref<160000xi32, #tpu.memory_space<hbm>> -> memref<128xi32, #tpu.memory_space<hbm>>
        tpu.enqueue_dma source(%dma_start3A_178 : memref<128xi32, #tpu.memory_space<hbm>>) target(%arg10 : memref<128xi32, #tpu.memory_space<vmem>>) target_semaphore(%arg18 : memref<!tpu.dma_semaphore, #tpu.memory_space<semaphore_mem>>)
        %mul3A_179 = arith.constant 16 : i32
        %mul3A_180 = arith.muli %mul3A_175, %mul3A_179 : i32
        %dma_start3A_181 = tpu.memref_slice %arg5[%mul3A_180] : memref<2560000xf32, #tpu.memory_space<hbm>> -> memref<2048xf32, #tpu.memory_space<hbm>>
        %dma_start3A_182 = tpu.memref_slice %arg5[%mul3A_180] : memref<2560000xf32, #tpu.memory_space<hbm>> -> memref<2048xf32, #tpu.memory_space<hbm>>
        tpu.enqueue_dma source(%dma_start3A_182 : memref<2048xf32, #tpu.memory_space<hbm>>) target(%arg12 : memref<2048xf32, #tpu.memory_space<vmem>>) target_semaphore(%arg18 : memref<!tpu.dma_semaphore, #tpu.memory_space<semaphore_mem>>)
      } else {
      }
      %mul3A_156 = arith.constant 16 : i32
      %mul3A_157 = arith.muli %add3A_105, %mul3A_156 : i32
      %add3A_158 = arith.addi %arg1, %mul3A_157 : i32
      %lt3A_159 = arith.constant 1250 : i32
      %lt3A_160 = arith.cmpi slt, %add3A_158, %lt3A_159 : i32
      %convert_element_type3A_161 = arith.extui %lt3A_160 : i1 to i32
      %cond3A_162 = arith.constant 0 : i32
      %cond3A_163 = arith.cmpi ne, %convert_element_type3A_161, %cond3A_162 : i32
      scf.if %cond3A_163 {
        %dma_wait3A = arith.constant 0 : i32
        %dma_wait3A_174 = arith.constant 0 : i32
        %dma_wait3A_175 = tpu.memref_slice %arg17[%dma_wait3A, %dma_wait3A_174] : memref<10000x128xf32, #tpu.memory_space<vmem_shared>> -> memref<10000x128xf32, #tpu.memory_space<vmem_shared>>
        tpu.wait_indirect_dma semaphore(%arg23 : memref<!tpu.dma_semaphore, #tpu.memory_space<semaphore_mem>>) src(%arg15 : memref<128x128xf32, #tpu.memory_space<vmem>>) dst(%dma_wait3A_175 : memref<10000x128xf32, #tpu.memory_space<vmem_shared>>)
      } else {
      }
      %add3A_164 = arith.constant 2 : i32
      %add3A_165 = arith.addi %add3A_105, %add3A_164 : i32
      %mul3A_166 = arith.constant 16 : i32
      %mul3A_167 = arith.muli %add3A_165, %mul3A_166 : i32
      %add3A_168 = arith.addi %arg1, %mul3A_167 : i32
      %lt3A_169 = arith.constant 1250 : i32
      %lt3A_170 = arith.cmpi slt, %add3A_168, %lt3A_169 : i32
      %convert_element_type3A_171 = arith.extui %lt3A_170 : i1 to i32
      %cond3A_172 = arith.constant 0 : i32
      %cond3A_173 = arith.cmpi ne, %convert_element_type3A_171, %cond3A_172 : i32
      scf.if %cond3A_173 {
        %mul3A_174 = arith.constant 128 : i32
        %mul3A_175 = arith.muli %add3A_168, %mul3A_174 : i32
        %dma_start3A = tpu.memref_slice %arg3[%mul3A_175] : memref<160000xi32, #tpu.memory_space<hbm>> -> memref<128xi32, #tpu.memory_space<hbm>>
        %dma_start3A_176 = tpu.memref_slice %arg3[%mul3A_175] : memref<160000xi32, #tpu.memory_space<hbm>> -> memref<128xi32, #tpu.memory_space<hbm>>
        tpu.enqueue_dma source(%dma_start3A_176 : memref<128xi32, #tpu.memory_space<hbm>>) target(%arg9 : memref<128xi32, #tpu.memory_space<vmem>>) target_semaphore(%arg19 : memref<!tpu.dma_semaphore, #tpu.memory_space<semaphore_mem>>)
        %dma_start3A_177 = tpu.memref_slice %arg4[%mul3A_175] : memref<160000xi32, #tpu.memory_space<hbm>> -> memref<128xi32, #tpu.memory_space<hbm>>
        %dma_start3A_178 = tpu.memref_slice %arg4[%mul3A_175] : memref<160000xi32, #tpu.memory_space<hbm>> -> memref<128xi32, #tpu.memory_space<hbm>>
        tpu.enqueue_dma source(%dma_start3A_178 : memref<128xi32, #tpu.memory_space<hbm>>) target(%arg11 : memref<128xi32, #tpu.memory_space<vmem>>) target_semaphore(%arg19 : memref<!tpu.dma_semaphore, #tpu.memory_space<semaphore_mem>>)
        %mul3A_179 = arith.constant 16 : i32
        %mul3A_180 = arith.muli %mul3A_175, %mul3A_179 : i32
        %dma_start3A_181 = tpu.memref_slice %arg5[%mul3A_180] : memref<2560000xf32, #tpu.memory_space<hbm>> -> memref<2048xf32, #tpu.memory_space<hbm>>
        %dma_start3A_182 = tpu.memref_slice %arg5[%mul3A_180] : memref<2560000xf32, #tpu.memory_space<hbm>> -> memref<2048xf32, #tpu.memory_space<hbm>>
        tpu.enqueue_dma source(%dma_start3A_182 : memref<2048xf32, #tpu.memory_space<hbm>>) target(%arg13 : memref<2048xf32, #tpu.memory_space<vmem>>) target_semaphore(%arg19 : memref<!tpu.dma_semaphore, #tpu.memory_space<semaphore_mem>>)
      } else {
      }
    }
    %scan3A_30 = arith.constant 40 : i32
    %barrier3A_31 = arith.constant 0 : index
    tpu.barrier barrier_id(%barrier3A_31)
    %mul3A = arith.constant 624 : i32
    %mul3A_32 = arith.muli %arg1, %mul3A : i32
    %mul3A_33 = arith.constant 10000 : i32
    %mul3A_34 = arith.muli %arg0, %mul3A_33 : i32
    %mul3A_35 = arith.constant 624 : i32
    %mul3A_36 = arith.muli %arg1, %mul3A_35 : i32
    %add3A_37 = arith.addi %mul3A_34, %mul3A_36 : i32
    "tpu.region"() ({
      %run_scoped3A = tpu.sem_alloc : memref<!tpu.dma_semaphore, #tpu.memory_space<semaphore_mem>>
      %dma_start3A = arith.constant 0 : i32
      %dma_start3A_101 = tpu.memref_slice %arg6[%add3A_37, %dma_start3A] : memref<20000x128xf32, #tpu.memory_space<hbm>> -> memref<624x128xf32, #tpu.memory_space<hbm>>
      %dma_start3A_102 = arith.constant 0 : i32
      %dma_start3A_103 = tpu.memref_slice %arg17[%mul3A_32, %dma_start3A_102] : memref<10000x128xf32, #tpu.memory_space<vmem_shared>> -> memref<624x128xf32, #tpu.memory_space<vmem_shared>>
      tpu.enqueue_dma source(%dma_start3A_103 : memref<624x128xf32, #tpu.memory_space<vmem_shared>>) target(%dma_start3A_101 : memref<624x128xf32, #tpu.memory_space<hbm>>) target_semaphore(%run_scoped3A : memref<!tpu.dma_semaphore, #tpu.memory_space<semaphore_mem>>)
      %dma_wait3A = arith.constant 0 : i32
      %dma_wait3A_104 = tpu.memref_slice %arg6[%add3A_37, %dma_wait3A] : memref<20000x128xf32, #tpu.memory_space<hbm>> -> memref<624x128xf32, #tpu.memory_space<hbm>>
      %dma_wait3A_105 = arith.constant 0 : i32
      %dma_wait3A_106 = tpu.memref_slice %arg17[%mul3A_32, %dma_wait3A_105] : memref<10000x128xf32, #tpu.memory_space<vmem_shared>> -> memref<624x128xf32, #tpu.memory_space<vmem_shared>>
      tpu.wait_dma2 semaphore(%run_scoped3A : memref<!tpu.dma_semaphore, #tpu.memory_space<semaphore_mem>>) src(%dma_wait3A_106 : memref<624x128xf32, #tpu.memory_space<vmem_shared>>) dst(%dma_wait3A_104 : memref<624x128xf32, #tpu.memory_space<hbm>>)
      tpu.yield
    }) : () -> ()
    %eq3A_38 = arith.constant 0 : i32
    %eq3A_39 = arith.cmpi eq, %arg1, %eq3A_38 : i32
    %convert_element_type3A_40 = arith.extui %eq3A_39 : i1 to i32
    %cond3A_41 = arith.constant 0 : i32
    %cond3A_42 = arith.cmpi ne, %convert_element_type3A_40, %cond3A_41 : i32
    scf.if %cond3A_42 {
      %mul3A_101 = arith.constant 10000 : i32
      %mul3A_102 = arith.muli %arg0, %mul3A_101 : i32
      %add3A_103 = arith.constant 9984 : i32
      %add3A_104 = arith.addi %mul3A_102, %add3A_103 : i32
      "tpu.region"() ({
        %run_scoped3A = tpu.sem_alloc : memref<!tpu.dma_semaphore, #tpu.memory_space<semaphore_mem>>
        %dma_start3A = arith.constant 0 : i32
        %dma_start3A_105 = tpu.memref_slice %arg6[%add3A_104, %dma_start3A] : memref<20000x128xf32, #tpu.memory_space<hbm>> -> memref<16x128xf32, #tpu.memory_space<hbm>>
        %dma_start3A_106 = arith.constant 9984 : i32
        %dma_start3A_107 = arith.constant 0 : i32
        %dma_start3A_108 = tpu.memref_slice %arg17[%dma_start3A_106, %dma_start3A_107] : memref<10000x128xf32, #tpu.memory_space<vmem_shared>> -> memref<16x128xf32, #tpu.memory_space<vmem_shared>>
        tpu.enqueue_dma source(%dma_start3A_108 : memref<16x128xf32, #tpu.memory_space<vmem_shared>>) target(%dma_start3A_105 : memref<16x128xf32, #tpu.memory_space<hbm>>) target_semaphore(%run_scoped3A : memref<!tpu.dma_semaphore, #tpu.memory_space<semaphore_mem>>)
        %dma_wait3A = arith.constant 0 : i32
        %dma_wait3A_109 = tpu.memref_slice %arg6[%add3A_104, %dma_wait3A] : memref<20000x128xf32, #tpu.memory_space<hbm>> -> memref<16x128xf32, #tpu.memory_space<hbm>>
        %dma_wait3A_110 = arith.constant 9984 : i32
        %dma_wait3A_111 = arith.constant 0 : i32
        %dma_wait3A_112 = tpu.memref_slice %arg17[%dma_wait3A_110, %dma_wait3A_111] : memref<10000x128xf32, #tpu.memory_space<vmem_shared>> -> memref<16x128xf32, #tpu.memory_space<vmem_shared>>
        tpu.wait_dma2 semaphore(%run_scoped3A : memref<!tpu.dma_semaphore, #tpu.memory_space<semaphore_mem>>) src(%dma_wait3A_112 : memref<16x128xf32, #tpu.memory_space<vmem_shared>>) dst(%dma_wait3A_109 : memref<16x128xf32, #tpu.memory_space<hbm>>)
        tpu.yield
      }) : () -> ()
    } else {
    }
    %barrier3A_43 = arith.constant 0 : index
    tpu.barrier barrier_id(%barrier3A_43)
    %scan3A_44 = arith.constant 0 : i32
    %scan3A_45 = arith.constant 0 : i32
    %scan3A_46 = arith.constant 78 : i32
    %scan3A_47 = arith.addi %scan3A_45, %scan3A_46 : i32
    %scan3A_48 = arith.constant 1 : i32
    scf.for %scan3A_101 = %scan3A_45 to %scan3A_47 step %scan3A_48  : i32 {
      %mul3A_102 = arith.constant 624 : i32
      %mul3A_103 = arith.muli %arg1, %mul3A_102 : i32
      %mul3A_104 = arith.constant 8 : i32
      %mul3A_105 = arith.muli %scan3A_101, %mul3A_104 : i32
      %add3A_106 = arith.addi %mul3A_103, %mul3A_105 : i32
      "tpu.region"() ({
        %run_scoped3A = tpu.sem_alloc : memref<!tpu.dma_semaphore, #tpu.memory_space<semaphore_mem>>
        %dma_start3A = arith.constant 0 : i32
        %dma_start3A_107 = tpu.memref_slice %arg17[%add3A_106, %dma_start3A] : memref<10000x128xf32, #tpu.memory_space<vmem_shared>> -> memref<8x128xf32, #tpu.memory_space<vmem_shared>>
        %dma_start3A_108 = arith.constant 0 : i32
        %dma_start3A_109 = tpu.memref_slice %arg17[%add3A_106, %dma_start3A_108] : memref<10000x128xf32, #tpu.memory_space<vmem_shared>> -> memref<8x128xf32, #tpu.memory_space<vmem_shared>>
        tpu.enqueue_dma source(%arg16 : memref<8x128xf32, #tpu.memory_space<vmem>>) target(%dma_start3A_109 : memref<8x128xf32, #tpu.memory_space<vmem_shared>>) target_semaphore(%run_scoped3A : memref<!tpu.dma_semaphore, #tpu.memory_space<semaphore_mem>>)
        %dma_wait3A = arith.constant 0 : i32
        %dma_wait3A_110 = tpu.memref_slice %arg17[%add3A_106, %dma_wait3A] : memref<10000x128xf32, #tpu.memory_space<vmem_shared>> -> memref<8x128xf32, #tpu.memory_space<vmem_shared>>
        %dma_wait3A_111 = arith.constant 0 : i32
        %dma_wait3A_112 = tpu.memref_slice %arg17[%add3A_106, %dma_wait3A_111] : memref<10000x128xf32, #tpu.memory_space<vmem_shared>> -> memref<8x128xf32, #tpu.memory_space<vmem_shared>>
        tpu.wait_dma2 semaphore(%run_scoped3A : memref<!tpu.dma_semaphore, #tpu.memory_space<semaphore_mem>>) src(%arg16 : memref<8x128xf32, #tpu.memory_space<vmem>>) dst(%dma_wait3A_112 : memref<8x128xf32, #tpu.memory_space<vmem_shared>>)
        tpu.yield
      }) : () -> ()
    }
    %scan3A_49 = arith.constant 78 : i32
    %eq3A_50 = arith.constant 0 : i32
    %eq3A_51 = arith.cmpi eq, %arg1, %eq3A_50 : i32
    %convert_element_type3A_52 = arith.extui %eq3A_51 : i1 to i32
    %cond3A_53 = arith.constant 0 : i32
    %cond3A_54 = arith.cmpi ne, %convert_element_type3A_52, %cond3A_53 : i32
    scf.if %cond3A_54 {
      "tpu.region"() ({
        %run_scoped3A = tpu.sem_alloc : memref<!tpu.dma_semaphore, #tpu.memory_space<semaphore_mem>>
        %dma_start3A = arith.constant 9984 : i32
        %dma_start3A_101 = arith.constant 0 : i32
        %dma_start3A_102 = tpu.memref_slice %arg17[%dma_start3A, %dma_start3A_101] : memref<10000x128xf32, #tpu.memory_space<vmem_shared>> -> memref<8x128xf32, #tpu.memory_space<vmem_shared>>
        %dma_start3A_103 = arith.constant 9984 : i32
        %dma_start3A_104 = arith.constant 0 : i32
        %dma_start3A_105 = tpu.memref_slice %arg17[%dma_start3A_103, %dma_start3A_104] : memref<10000x128xf32, #tpu.memory_space<vmem_shared>> -> memref<8x128xf32, #tpu.memory_space<vmem_shared>>
        tpu.enqueue_dma source(%arg16 : memref<8x128xf32, #tpu.memory_space<vmem>>) target(%dma_start3A_105 : memref<8x128xf32, #tpu.memory_space<vmem_shared>>) target_semaphore(%run_scoped3A : memref<!tpu.dma_semaphore, #tpu.memory_space<semaphore_mem>>)
        %dma_wait3A = arith.constant 9984 : i32
        %dma_wait3A_106 = arith.constant 0 : i32
        %dma_wait3A_107 = tpu.memref_slice %arg17[%dma_wait3A, %dma_wait3A_106] : memref<10000x128xf32, #tpu.memory_space<vmem_shared>> -> memref<8x128xf32, #tpu.memory_space<vmem_shared>>
        %dma_wait3A_108 = arith.constant 9984 : i32
        %dma_wait3A_109 = arith.constant 0 : i32
        %dma_wait3A_110 = tpu.memref_slice %arg17[%dma_wait3A_108, %dma_wait3A_109] : memref<10000x128xf32, #tpu.memory_space<vmem_shared>> -> memref<8x128xf32, #tpu.memory_space<vmem_shared>>
        tpu.wait_dma2 semaphore(%run_scoped3A : memref<!tpu.dma_semaphore, #tpu.memory_space<semaphore_mem>>) src(%arg16 : memref<8x128xf32, #tpu.memory_space<vmem>>) dst(%dma_wait3A_110 : memref<8x128xf32, #tpu.memory_space<vmem_shared>>)
        tpu.yield
      }) : () -> ()
      "tpu.region"() ({
        %run_scoped3A = tpu.sem_alloc : memref<!tpu.dma_semaphore, #tpu.memory_space<semaphore_mem>>
        %dma_start3A = arith.constant 9992 : i32
        %dma_start3A_101 = arith.constant 0 : i32
        %dma_start3A_102 = tpu.memref_slice %arg17[%dma_start3A, %dma_start3A_101] : memref<10000x128xf32, #tpu.memory_space<vmem_shared>> -> memref<8x128xf32, #tpu.memory_space<vmem_shared>>
        %dma_start3A_103 = arith.constant 9992 : i32
        %dma_start3A_104 = arith.constant 0 : i32
        %dma_start3A_105 = tpu.memref_slice %arg17[%dma_start3A_103, %dma_start3A_104] : memref<10000x128xf32, #tpu.memory_space<vmem_shared>> -> memref<8x128xf32, #tpu.memory_space<vmem_shared>>
        tpu.enqueue_dma source(%arg16 : memref<8x128xf32, #tpu.memory_space<vmem>>) target(%dma_start3A_105 : memref<8x128xf32, #tpu.memory_space<vmem_shared>>) target_semaphore(%run_scoped3A : memref<!tpu.dma_semaphore, #tpu.memory_space<semaphore_mem>>)
        %dma_wait3A = arith.constant 9992 : i32
        %dma_wait3A_106 = arith.constant 0 : i32
        %dma_wait3A_107 = tpu.memref_slice %arg17[%dma_wait3A, %dma_wait3A_106] : memref<10000x128xf32, #tpu.memory_space<vmem_shared>> -> memref<8x128xf32, #tpu.memory_space<vmem_shared>>
        %dma_wait3A_108 = arith.constant 9992 : i32
        %dma_wait3A_109 = arith.constant 0 : i32
        %dma_wait3A_110 = tpu.memref_slice %arg17[%dma_wait3A_108, %dma_wait3A_109] : memref<10000x128xf32, #tpu.memory_space<vmem_shared>> -> memref<8x128xf32, #tpu.memory_space<vmem_shared>>
        tpu.wait_dma2 semaphore(%run_scoped3A : memref<!tpu.dma_semaphore, #tpu.memory_space<semaphore_mem>>) src(%arg16 : memref<8x128xf32, #tpu.memory_space<vmem>>) dst(%dma_wait3A_110 : memref<8x128xf32, #tpu.memory_space<vmem_shared>>)
        tpu.yield
      }) : () -> ()
    } else {
    }
    %barrier3A_55 = arith.constant 0 : index
    tpu.barrier barrier_id(%barrier3A_55)
    %mul3A_56 = arith.constant 625 : i32
    %mul3A_57 = arith.muli %arg0, %mul3A_56 : i32
    %add3A_58 = arith.addi %mul3A_57, %arg1 : i32
    %add3A_59 = arith.constant 0 : i32
    %add3A_60 = arith.addi %add3A_58, %add3A_59 : i32
    %add3A_61 = arith.constant 1 : i32
    %add3A_62 = arith.addi %arg0, %add3A_61 : i32
    %mul3A_63 = arith.constant 625 : i32
    %mul3A_64 = arith.muli %add3A_62, %mul3A_63 : i32
    %lt3A_65 = arith.cmpi slt, %add3A_60, %mul3A_64 : i32
    %convert_element_type3A_66 = arith.extui %lt3A_65 : i1 to i32
    %cond3A_67 = arith.constant 0 : i32
    %cond3A_68 = arith.cmpi ne, %convert_element_type3A_66, %cond3A_67 : i32
    scf.if %cond3A_68 {
      %mul3A_101 = arith.constant 625 : i32
      %mul3A_102 = arith.muli %arg0, %mul3A_101 : i32
      %add3A_103 = arith.addi %mul3A_102, %arg1 : i32
      %add3A_104 = arith.constant 0 : i32
      %add3A_105 = arith.addi %add3A_103, %add3A_104 : i32
      %mul3A_106 = arith.constant 128 : i32
      %mul3A_107 = arith.muli %add3A_105, %mul3A_106 : i32
      %dma_start3A = tpu.memref_slice %arg3[%mul3A_107] : memref<160000xi32, #tpu.memory_space<hbm>> -> memref<128xi32, #tpu.memory_space<hbm>>
      %dma_start3A_108 = tpu.memref_slice %arg3[%mul3A_107] : memref<160000xi32, #tpu.memory_space<hbm>> -> memref<128xi32, #tpu.memory_space<hbm>>
      tpu.enqueue_dma source(%dma_start3A_108 : memref<128xi32, #tpu.memory_space<hbm>>) target(%arg8 : memref<128xi32, #tpu.memory_space<vmem>>) target_semaphore(%arg18 : memref<!tpu.dma_semaphore, #tpu.memory_space<semaphore_mem>>)
      %mul3A_109 = arith.constant 16 : i32
      %mul3A_110 = arith.muli %mul3A_107, %mul3A_109 : i32
      %dma_start3A_111 = tpu.memref_slice %arg5[%mul3A_110] : memref<2560000xf32, #tpu.memory_space<hbm>> -> memref<2048xf32, #tpu.memory_space<hbm>>
      %dma_start3A_112 = tpu.memref_slice %arg5[%mul3A_110] : memref<2560000xf32, #tpu.memory_space<hbm>> -> memref<2048xf32, #tpu.memory_space<hbm>>
      tpu.enqueue_dma source(%dma_start3A_112 : memref<2048xf32, #tpu.memory_space<hbm>>) target(%arg12 : memref<2048xf32, #tpu.memory_space<vmem>>) target_semaphore(%arg18 : memref<!tpu.dma_semaphore, #tpu.memory_space<semaphore_mem>>)
    } else {
    }
    %mul3A_69 = arith.constant 625 : i32
    %mul3A_70 = arith.muli %arg0, %mul3A_69 : i32
    %add3A_71 = arith.addi %mul3A_70, %arg1 : i32
    %add3A_72 = arith.constant 16 : i32
    %add3A_73 = arith.addi %add3A_71, %add3A_72 : i32
    %add3A_74 = arith.constant 1 : i32
    %add3A_75 = arith.addi %arg0, %add3A_74 : i32
    %mul3A_76 = arith.constant 625 : i32
    %mul3A_77 = arith.muli %add3A_75, %mul3A_76 : i32
    %lt3A_78 = arith.cmpi slt, %add3A_73, %mul3A_77 : i32
    %convert_element_type3A_79 = arith.extui %lt3A_78 : i1 to i32
    %cond3A_80 = arith.constant 0 : i32
    %cond3A_81 = arith.cmpi ne, %convert_element_type3A_79, %cond3A_80 : i32
    scf.if %cond3A_81 {
      %mul3A_101 = arith.constant 625 : i32
      %mul3A_102 = arith.muli %arg0, %mul3A_101 : i32
      %add3A_103 = arith.addi %mul3A_102, %arg1 : i32
      %add3A_104 = arith.constant 16 : i32
      %add3A_105 = arith.addi %add3A_103, %add3A_104 : i32
      %mul3A_106 = arith.constant 128 : i32
      %mul3A_107 = arith.muli %add3A_105, %mul3A_106 : i32
      %dma_start3A = tpu.memref_slice %arg3[%mul3A_107] : memref<160000xi32, #tpu.memory_space<hbm>> -> memref<128xi32, #tpu.memory_space<hbm>>
      %dma_start3A_108 = tpu.memref_slice %arg3[%mul3A_107] : memref<160000xi32, #tpu.memory_space<hbm>> -> memref<128xi32, #tpu.memory_space<hbm>>
      tpu.enqueue_dma source(%dma_start3A_108 : memref<128xi32, #tpu.memory_space<hbm>>) target(%arg9 : memref<128xi32, #tpu.memory_space<vmem>>) target_semaphore(%arg19 : memref<!tpu.dma_semaphore, #tpu.memory_space<semaphore_mem>>)
      %mul3A_109 = arith.constant 16 : i32
      %mul3A_110 = arith.muli %mul3A_107, %mul3A_109 : i32
      %dma_start3A_111 = tpu.memref_slice %arg5[%mul3A_110] : memref<2560000xf32, #tpu.memory_space<hbm>> -> memref<2048xf32, #tpu.memory_space<hbm>>
      %dma_start3A_112 = tpu.memref_slice %arg5[%mul3A_110] : memref<2560000xf32, #tpu.memory_space<hbm>> -> memref<2048xf32, #tpu.memory_space<hbm>>
      tpu.enqueue_dma source(%dma_start3A_112 : memref<2048xf32, #tpu.memory_space<hbm>>) target(%arg13 : memref<2048xf32, #tpu.memory_space<vmem>>) target_semaphore(%arg19 : memref<!tpu.dma_semaphore, #tpu.memory_space<semaphore_mem>>)
    } else {
    }
    %scan3A_82 = arith.constant 0 : i32
    %scan3A_83 = arith.constant 0 : i32
    %scan3A_84 = arith.constant 20 : i32
    %scan3A_85 = arith.addi %scan3A_83, %scan3A_84 : i32
    %scan3A_86 = arith.constant 1 : i32
    scf.for %scan3A_101 = %scan3A_83 to %scan3A_85 step %scan3A_86  : i32 {
      %mul3A_102 = arith.constant 2 : i32
      %mul3A_103 = arith.muli %mul3A_102, %scan3A_101 : i32
      %add3A_104 = arith.constant 1 : i32
      %add3A_105 = arith.addi %mul3A_103, %add3A_104 : i32
      %mul3A_106 = arith.constant 625 : i32
      %mul3A_107 = arith.muli %arg0, %mul3A_106 : i32
      %add3A_108 = arith.addi %mul3A_107, %arg1 : i32
      %mul3A_109 = arith.constant 16 : i32
      %mul3A_110 = arith.muli %mul3A_103, %mul3A_109 : i32
      %add3A_111 = arith.addi %add3A_108, %mul3A_110 : i32
      %add3A_112 = arith.constant 1 : i32
      %add3A_113 = arith.addi %arg0, %add3A_112 : i32
      %mul3A_114 = arith.constant 625 : i32
      %mul3A_115 = arith.muli %add3A_113, %mul3A_114 : i32
      %lt3A_116 = arith.cmpi slt, %add3A_111, %mul3A_115 : i32
      %convert_element_type3A_117 = arith.extui %lt3A_116 : i1 to i32
      %cond3A_118 = arith.constant 0 : i32
      %cond3A_119 = arith.cmpi ne, %convert_element_type3A_117, %cond3A_118 : i32
      scf.if %cond3A_119 {
        %mul3A_194 = arith.constant 625 : i32
        %mul3A_195 = arith.muli %arg0, %mul3A_194 : i32
        %add3A_196 = arith.addi %mul3A_195, %arg1 : i32
        %mul3A_197 = arith.constant 16 : i32
        %mul3A_198 = arith.muli %mul3A_103, %mul3A_197 : i32
        %add3A_199 = arith.addi %add3A_196, %mul3A_198 : i32
        %mul3A_200 = arith.constant 128 : i32
        %mul3A_201 = arith.muli %add3A_199, %mul3A_200 : i32
        %dma_wait3A = tpu.memref_slice %arg3[%mul3A_201] : memref<160000xi32, #tpu.memory_space<hbm>> -> memref<128xi32, #tpu.memory_space<hbm>>
        %dma_wait3A_202 = tpu.memref_slice %arg3[%mul3A_201] : memref<160000xi32, #tpu.memory_space<hbm>> -> memref<128xi32, #tpu.memory_space<hbm>>
        tpu.wait_dma2 semaphore(%arg18 : memref<!tpu.dma_semaphore, #tpu.memory_space<semaphore_mem>>) src(%dma_wait3A_202 : memref<128xi32, #tpu.memory_space<hbm>>) dst(%arg8 : memref<128xi32, #tpu.memory_space<vmem>>)
        %mul3A_203 = arith.constant 16 : i32
        %mul3A_204 = arith.muli %mul3A_201, %mul3A_203 : i32
        %dma_wait3A_205 = tpu.memref_slice %arg5[%mul3A_204] : memref<2560000xf32, #tpu.memory_space<hbm>> -> memref<2048xf32, #tpu.memory_space<hbm>>
        %dma_wait3A_206 = tpu.memref_slice %arg5[%mul3A_204] : memref<2560000xf32, #tpu.memory_space<hbm>> -> memref<2048xf32, #tpu.memory_space<hbm>>
        tpu.wait_dma2 semaphore(%arg18 : memref<!tpu.dma_semaphore, #tpu.memory_space<semaphore_mem>>) src(%dma_wait3A_206 : memref<2048xf32, #tpu.memory_space<hbm>>) dst(%arg12 : memref<2048xf32, #tpu.memory_space<vmem>>)
        %parallel_loop3A = arith.constant 0 : i32
        %parallel_loop3A_207 = arith.constant 128 : i32
        %parallel_loop3A_208 = arith.constant 1 : i32
        scf.for %parallel_loop3A_211 = %parallel_loop3A to %parallel_loop3A_207 step %parallel_loop3A_208  : i32 {
          %parallel_loop3A_212 = arith.constant 16 : i32
          %parallel_loop3A_213 = arith.muli %parallel_loop3A_211, %parallel_loop3A_212 : i32
          %parallel_loop3A_214 = arith.index_cast %parallel_loop3A_213 : i32 to index
          %parallel_loop3A_215 = tpu.vector_load %arg12[%parallel_loop3A_214] {strides = array<i32>} : memref<2048xf32, #tpu.memory_space<vmem>>, vector<16xf32>,
          %parallel_loop3A_216 = vector.shape_cast %parallel_loop3A_215 : vector<16xf32> to vector<16xf32>
          %parallel_loop3A_217 = arith.index_cast %parallel_loop3A_211 : i32 to index
          %parallel_loop3A_218 = arith.constant 0 : index
          %parallel_loop3A_219 = tpu.vector_load %arg14[%parallel_loop3A_217, %parallel_loop3A_218] {strides = array<i32>} : memref<128x128xf32, #tpu.memory_space<vmem>>, vector<1x16xf32>,
          %parallel_loop3A_220 = vector.shape_cast %parallel_loop3A_219 : vector<1x16xf32> to vector<16xf32>
          %parallel_loop3A_221 = vector.shape_cast %parallel_loop3A_216 : vector<16xf32> to vector<1x16xf32>
          tpu.vector_store %arg14[%parallel_loop3A_217, %parallel_loop3A_218], %parallel_loop3A_221 {strides = array<i32>} : memref<128x128xf32, #tpu.memory_space<vmem>>, vector<1x16xf32>,
          %parallel_loop3A_222 = arith.index_cast %parallel_loop3A_211 : i32 to index
          %parallel_loop3A_223 = arith.constant 16 : index
          %parallel_loop3A_224 = tpu.vector_load %arg14[%parallel_loop3A_222, %parallel_loop3A_223] {strides = array<i32>} : memref<128x128xf32, #tpu.memory_space<vmem>>, vector<1x16xf32>,
          %parallel_loop3A_225 = vector.shape_cast %parallel_loop3A_224 : vector<1x16xf32> to vector<16xf32>
          %parallel_loop3A_226 = vector.shape_cast %parallel_loop3A_216 : vector<16xf32> to vector<1x16xf32>
          tpu.vector_store %arg14[%parallel_loop3A_222, %parallel_loop3A_223], %parallel_loop3A_226 {strides = array<i32>} : memref<128x128xf32, #tpu.memory_space<vmem>>, vector<1x16xf32>,
          %parallel_loop3A_227 = arith.index_cast %parallel_loop3A_211 : i32 to index
          %parallel_loop3A_228 = arith.constant 32 : index
          %parallel_loop3A_229 = tpu.vector_load %arg14[%parallel_loop3A_227, %parallel_loop3A_228] {strides = array<i32>} : memref<128x128xf32, #tpu.memory_space<vmem>>, vector<1x16xf32>,
          %parallel_loop3A_230 = vector.shape_cast %parallel_loop3A_229 : vector<1x16xf32> to vector<16xf32>
          %parallel_loop3A_231 = vector.shape_cast %parallel_loop3A_216 : vector<16xf32> to vector<1x16xf32>
          tpu.vector_store %arg14[%parallel_loop3A_227, %parallel_loop3A_228], %parallel_loop3A_231 {strides = array<i32>} : memref<128x128xf32, #tpu.memory_space<vmem>>, vector<1x16xf32>,
          %parallel_loop3A_232 = arith.index_cast %parallel_loop3A_211 : i32 to index
          %parallel_loop3A_233 = arith.constant 48 : index
          %parallel_loop3A_234 = tpu.vector_load %arg14[%parallel_loop3A_232, %parallel_loop3A_233] {strides = array<i32>} : memref<128x128xf32, #tpu.memory_space<vmem>>, vector<1x16xf32>,
          %parallel_loop3A_235 = vector.shape_cast %parallel_loop3A_234 : vector<1x16xf32> to vector<16xf32>
          %parallel_loop3A_236 = vector.shape_cast %parallel_loop3A_216 : vector<16xf32> to vector<1x16xf32>
          tpu.vector_store %arg14[%parallel_loop3A_232, %parallel_loop3A_233], %parallel_loop3A_236 {strides = array<i32>} : memref<128x128xf32, #tpu.memory_space<vmem>>, vector<1x16xf32>,
          %parallel_loop3A_237 = arith.index_cast %parallel_loop3A_211 : i32 to index
          %parallel_loop3A_238 = arith.constant 64 : index
          %parallel_loop3A_239 = tpu.vector_load %arg14[%parallel_loop3A_237, %parallel_loop3A_238] {strides = array<i32>} : memref<128x128xf32, #tpu.memory_space<vmem>>, vector<1x16xf32>,
          %parallel_loop3A_240 = vector.shape_cast %parallel_loop3A_239 : vector<1x16xf32> to vector<16xf32>
          %parallel_loop3A_241 = vector.shape_cast %parallel_loop3A_216 : vector<16xf32> to vector<1x16xf32>
          tpu.vector_store %arg14[%parallel_loop3A_237, %parallel_loop3A_238], %parallel_loop3A_241 {strides = array<i32>} : memref<128x128xf32, #tpu.memory_space<vmem>>, vector<1x16xf32>,
          %parallel_loop3A_242 = arith.index_cast %parallel_loop3A_211 : i32 to index
          %parallel_loop3A_243 = arith.constant 80 : index
          %parallel_loop3A_244 = tpu.vector_load %arg14[%parallel_loop3A_242, %parallel_loop3A_243] {strides = array<i32>} : memref<128x128xf32, #tpu.memory_space<vmem>>, vector<1x16xf32>,
          %parallel_loop3A_245 = vector.shape_cast %parallel_loop3A_244 : vector<1x16xf32> to vector<16xf32>
          %parallel_loop3A_246 = vector.shape_cast %parallel_loop3A_216 : vector<16xf32> to vector<1x16xf32>
          tpu.vector_store %arg14[%parallel_loop3A_242, %parallel_loop3A_243], %parallel_loop3A_246 {strides = array<i32>} : memref<128x128xf32, #tpu.memory_space<vmem>>, vector<1x16xf32>,
          %parallel_loop3A_247 = arith.index_cast %parallel_loop3A_211 : i32 to index
          %parallel_loop3A_248 = arith.constant 96 : index
          %parallel_loop3A_249 = tpu.vector_load %arg14[%parallel_loop3A_247, %parallel_loop3A_248] {strides = array<i32>} : memref<128x128xf32, #tpu.memory_space<vmem>>, vector<1x16xf32>,
          %parallel_loop3A_250 = vector.shape_cast %parallel_loop3A_249 : vector<1x16xf32> to vector<16xf32>
          %parallel_loop3A_251 = vector.shape_cast %parallel_loop3A_216 : vector<16xf32> to vector<1x16xf32>
          tpu.vector_store %arg14[%parallel_loop3A_247, %parallel_loop3A_248], %parallel_loop3A_251 {strides = array<i32>} : memref<128x128xf32, #tpu.memory_space<vmem>>, vector<1x16xf32>,
          %parallel_loop3A_252 = arith.index_cast %parallel_loop3A_211 : i32 to index
          %parallel_loop3A_253 = arith.constant 112 : index
          %parallel_loop3A_254 = tpu.vector_load %arg14[%parallel_loop3A_252, %parallel_loop3A_253] {strides = array<i32>} : memref<128x128xf32, #tpu.memory_space<vmem>>, vector<1x16xf32>,
          %parallel_loop3A_255 = vector.shape_cast %parallel_loop3A_254 : vector<1x16xf32> to vector<16xf32>
          %parallel_loop3A_256 = vector.shape_cast %parallel_loop3A_216 : vector<16xf32> to vector<1x16xf32>
          tpu.vector_store %arg14[%parallel_loop3A_252, %parallel_loop3A_253], %parallel_loop3A_256 {strides = array<i32>} : memref<128x128xf32, #tpu.memory_space<vmem>>, vector<1x16xf32>,
        } {sc.loop_unroll_factor = 2 : i64, sc.parallel_access}
        %dma_start3A = arith.constant 0 : i32
        %dma_start3A_209 = arith.constant 0 : i32
        %dma_start3A_210 = tpu.memref_slice %arg17[%dma_start3A, %dma_start3A_209] : memref<10000x128xf32, #tpu.memory_space<vmem_shared>> -> memref<10000x128xf32, #tpu.memory_space<vmem_shared>>
        tpu.enqueue_indirect_dma source(%arg14 : memref<128x128xf32, #tpu.memory_space<vmem>>) target(%dma_start3A_210 : memref<10000x128xf32, #tpu.memory_space<vmem_shared>>) offsets(%arg8 : memref<128xi32, #tpu.memory_space<vmem>>) semaphore(%arg22 : memref<!tpu.dma_semaphore, #tpu.memory_space<semaphore_mem>>) {add = true}
      } else {
      }
      %mul3A_120 = arith.constant 625 : i32
      %mul3A_121 = arith.muli %arg0, %mul3A_120 : i32
      %add3A_122 = arith.addi %mul3A_121, %arg1 : i32
      %mul3A_123 = arith.constant 16 : i32
      %mul3A_124 = arith.muli %add3A_105, %mul3A_123 : i32
      %add3A_125 = arith.addi %add3A_122, %mul3A_124 : i32
      %add3A_126 = arith.constant 1 : i32
      %add3A_127 = arith.addi %arg0, %add3A_126 : i32
      %mul3A_128 = arith.constant 625 : i32
      %mul3A_129 = arith.muli %add3A_127, %mul3A_128 : i32
      %lt3A_130 = arith.cmpi slt, %add3A_125, %mul3A_129 : i32
      %convert_element_type3A_131 = arith.extui %lt3A_130 : i1 to i32
      %cond3A_132 = arith.constant 0 : i32
      %cond3A_133 = arith.cmpi ne, %convert_element_type3A_131, %cond3A_132 : i32
      scf.if %cond3A_133 {
        %mul3A_194 = arith.constant 625 : i32
        %mul3A_195 = arith.muli %arg0, %mul3A_194 : i32
        %add3A_196 = arith.addi %mul3A_195, %arg1 : i32
        %mul3A_197 = arith.constant 16 : i32
        %mul3A_198 = arith.muli %add3A_105, %mul3A_197 : i32
        %add3A_199 = arith.addi %add3A_196, %mul3A_198 : i32
        %mul3A_200 = arith.constant 128 : i32
        %mul3A_201 = arith.muli %add3A_199, %mul3A_200 : i32
        %dma_wait3A = tpu.memref_slice %arg3[%mul3A_201] : memref<160000xi32, #tpu.memory_space<hbm>> -> memref<128xi32, #tpu.memory_space<hbm>>
        %dma_wait3A_202 = tpu.memref_slice %arg3[%mul3A_201] : memref<160000xi32, #tpu.memory_space<hbm>> -> memref<128xi32, #tpu.memory_space<hbm>>
        tpu.wait_dma2 semaphore(%arg19 : memref<!tpu.dma_semaphore, #tpu.memory_space<semaphore_mem>>) src(%dma_wait3A_202 : memref<128xi32, #tpu.memory_space<hbm>>) dst(%arg9 : memref<128xi32, #tpu.memory_space<vmem>>)
        %mul3A_203 = arith.constant 16 : i32
        %mul3A_204 = arith.muli %mul3A_201, %mul3A_203 : i32
        %dma_wait3A_205 = tpu.memref_slice %arg5[%mul3A_204] : memref<2560000xf32, #tpu.memory_space<hbm>> -> memref<2048xf32, #tpu.memory_space<hbm>>
        %dma_wait3A_206 = tpu.memref_slice %arg5[%mul3A_204] : memref<2560000xf32, #tpu.memory_space<hbm>> -> memref<2048xf32, #tpu.memory_space<hbm>>
        tpu.wait_dma2 semaphore(%arg19 : memref<!tpu.dma_semaphore, #tpu.memory_space<semaphore_mem>>) src(%dma_wait3A_206 : memref<2048xf32, #tpu.memory_space<hbm>>) dst(%arg13 : memref<2048xf32, #tpu.memory_space<vmem>>)
        %parallel_loop3A = arith.constant 0 : i32
        %parallel_loop3A_207 = arith.constant 128 : i32
        %parallel_loop3A_208 = arith.constant 1 : i32
        scf.for %parallel_loop3A_211 = %parallel_loop3A to %parallel_loop3A_207 step %parallel_loop3A_208  : i32 {
          %parallel_loop3A_212 = arith.constant 16 : i32
          %parallel_loop3A_213 = arith.muli %parallel_loop3A_211, %parallel_loop3A_212 : i32
          %parallel_loop3A_214 = arith.index_cast %parallel_loop3A_213 : i32 to index
          %parallel_loop3A_215 = tpu.vector_load %arg13[%parallel_loop3A_214] {strides = array<i32>} : memref<2048xf32, #tpu.memory_space<vmem>>, vector<16xf32>,
          %parallel_loop3A_216 = vector.shape_cast %parallel_loop3A_215 : vector<16xf32> to vector<16xf32>
          %parallel_loop3A_217 = arith.index_cast %parallel_loop3A_211 : i32 to index
          %parallel_loop3A_218 = arith.constant 0 : index
          %parallel_loop3A_219 = tpu.vector_load %arg15[%parallel_loop3A_217, %parallel_loop3A_218] {strides = array<i32>} : memref<128x128xf32, #tpu.memory_space<vmem>>, vector<1x16xf32>,
          %parallel_loop3A_220 = vector.shape_cast %parallel_loop3A_219 : vector<1x16xf32> to vector<16xf32>
          %parallel_loop3A_221 = vector.shape_cast %parallel_loop3A_216 : vector<16xf32> to vector<1x16xf32>
          tpu.vector_store %arg15[%parallel_loop3A_217, %parallel_loop3A_218], %parallel_loop3A_221 {strides = array<i32>} : memref<128x128xf32, #tpu.memory_space<vmem>>, vector<1x16xf32>,
          %parallel_loop3A_222 = arith.index_cast %parallel_loop3A_211 : i32 to index
          %parallel_loop3A_223 = arith.constant 16 : index
          %parallel_loop3A_224 = tpu.vector_load %arg15[%parallel_loop3A_222, %parallel_loop3A_223] {strides = array<i32>} : memref<128x128xf32, #tpu.memory_space<vmem>>, vector<1x16xf32>,
          %parallel_loop3A_225 = vector.shape_cast %parallel_loop3A_224 : vector<1x16xf32> to vector<16xf32>
          %parallel_loop3A_226 = vector.shape_cast %parallel_loop3A_216 : vector<16xf32> to vector<1x16xf32>
          tpu.vector_store %arg15[%parallel_loop3A_222, %parallel_loop3A_223], %parallel_loop3A_226 {strides = array<i32>} : memref<128x128xf32, #tpu.memory_space<vmem>>, vector<1x16xf32>,
          %parallel_loop3A_227 = arith.index_cast %parallel_loop3A_211 : i32 to index
          %parallel_loop3A_228 = arith.constant 32 : index
          %parallel_loop3A_229 = tpu.vector_load %arg15[%parallel_loop3A_227, %parallel_loop3A_228] {strides = array<i32>} : memref<128x128xf32, #tpu.memory_space<vmem>>, vector<1x16xf32>,
          %parallel_loop3A_230 = vector.shape_cast %parallel_loop3A_229 : vector<1x16xf32> to vector<16xf32>
          %parallel_loop3A_231 = vector.shape_cast %parallel_loop3A_216 : vector<16xf32> to vector<1x16xf32>
          tpu.vector_store %arg15[%parallel_loop3A_227, %parallel_loop3A_228], %parallel_loop3A_231 {strides = array<i32>} : memref<128x128xf32, #tpu.memory_space<vmem>>, vector<1x16xf32>,
          %parallel_loop3A_232 = arith.index_cast %parallel_loop3A_211 : i32 to index
          %parallel_loop3A_233 = arith.constant 48 : index
          %parallel_loop3A_234 = tpu.vector_load %arg15[%parallel_loop3A_232, %parallel_loop3A_233] {strides = array<i32>} : memref<128x128xf32, #tpu.memory_space<vmem>>, vector<1x16xf32>,
          %parallel_loop3A_235 = vector.shape_cast %parallel_loop3A_234 : vector<1x16xf32> to vector<16xf32>
          %parallel_loop3A_236 = vector.shape_cast %parallel_loop3A_216 : vector<16xf32> to vector<1x16xf32>
          tpu.vector_store %arg15[%parallel_loop3A_232, %parallel_loop3A_233], %parallel_loop3A_236 {strides = array<i32>} : memref<128x128xf32, #tpu.memory_space<vmem>>, vector<1x16xf32>,
          %parallel_loop3A_237 = arith.index_cast %parallel_loop3A_211 : i32 to index
          %parallel_loop3A_238 = arith.constant 64 : index
          %parallel_loop3A_239 = tpu.vector_load %arg15[%parallel_loop3A_237, %parallel_loop3A_238] {strides = array<i32>} : memref<128x128xf32, #tpu.memory_space<vmem>>, vector<1x16xf32>,
          %parallel_loop3A_240 = vector.shape_cast %parallel_loop3A_239 : vector<1x16xf32> to vector<16xf32>
          %parallel_loop3A_241 = vector.shape_cast %parallel_loop3A_216 : vector<16xf32> to vector<1x16xf32>
          tpu.vector_store %arg15[%parallel_loop3A_237, %parallel_loop3A_238], %parallel_loop3A_241 {strides = array<i32>} : memref<128x128xf32, #tpu.memory_space<vmem>>, vector<1x16xf32>,
          %parallel_loop3A_242 = arith.index_cast %parallel_loop3A_211 : i32 to index
          %parallel_loop3A_243 = arith.constant 80 : index
          %parallel_loop3A_244 = tpu.vector_load %arg15[%parallel_loop3A_242, %parallel_loop3A_243] {strides = array<i32>} : memref<128x128xf32, #tpu.memory_space<vmem>>, vector<1x16xf32>,
          %parallel_loop3A_245 = vector.shape_cast %parallel_loop3A_244 : vector<1x16xf32> to vector<16xf32>
          %parallel_loop3A_246 = vector.shape_cast %parallel_loop3A_216 : vector<16xf32> to vector<1x16xf32>
          tpu.vector_store %arg15[%parallel_loop3A_242, %parallel_loop3A_243], %parallel_loop3A_246 {strides = array<i32>} : memref<128x128xf32, #tpu.memory_space<vmem>>, vector<1x16xf32>,
          %parallel_loop3A_247 = arith.index_cast %parallel_loop3A_211 : i32 to index
          %parallel_loop3A_248 = arith.constant 96 : index
          %parallel_loop3A_249 = tpu.vector_load %arg15[%parallel_loop3A_247, %parallel_loop3A_248] {strides = array<i32>} : memref<128x128xf32, #tpu.memory_space<vmem>>, vector<1x16xf32>,
          %parallel_loop3A_250 = vector.shape_cast %parallel_loop3A_249 : vector<1x16xf32> to vector<16xf32>
          %parallel_loop3A_251 = vector.shape_cast %parallel_loop3A_216 : vector<16xf32> to vector<1x16xf32>
          tpu.vector_store %arg15[%parallel_loop3A_247, %parallel_loop3A_248], %parallel_loop3A_251 {strides = array<i32>} : memref<128x128xf32, #tpu.memory_space<vmem>>, vector<1x16xf32>,
          %parallel_loop3A_252 = arith.index_cast %parallel_loop3A_211 : i32 to index
          %parallel_loop3A_253 = arith.constant 112 : index
          %parallel_loop3A_254 = tpu.vector_load %arg15[%parallel_loop3A_252, %parallel_loop3A_253] {strides = array<i32>} : memref<128x128xf32, #tpu.memory_space<vmem>>, vector<1x16xf32>,
          %parallel_loop3A_255 = vector.shape_cast %parallel_loop3A_254 : vector<1x16xf32> to vector<16xf32>
          %parallel_loop3A_256 = vector.shape_cast %parallel_loop3A_216 : vector<16xf32> to vector<1x16xf32>
          tpu.vector_store %arg15[%parallel_loop3A_252, %parallel_loop3A_253], %parallel_loop3A_256 {strides = array<i32>} : memref<128x128xf32, #tpu.memory_space<vmem>>, vector<1x16xf32>,
        } {sc.loop_unroll_factor = 2 : i64, sc.parallel_access}
        %dma_start3A = arith.constant 0 : i32
        %dma_start3A_209 = arith.constant 0 : i32
        %dma_start3A_210 = tpu.memref_slice %arg17[%dma_start3A, %dma_start3A_209] : memref<10000x128xf32, #tpu.memory_space<vmem_shared>> -> memref<10000x128xf32, #tpu.memory_space<vmem_shared>>
        tpu.enqueue_indirect_dma source(%arg15 : memref<128x128xf32, #tpu.memory_space<vmem>>) target(%dma_start3A_210 : memref<10000x128xf32, #tpu.memory_space<vmem_shared>>) offsets(%arg9 : memref<128xi32, #tpu.memory_space<vmem>>) semaphore(%arg23 : memref<!tpu.dma_semaphore, #tpu.memory_space<semaphore_mem>>) {add = true}
      } else {
      }
      %mul3A_134 = arith.constant 625 : i32
      %mul3A_135 = arith.muli %arg0, %mul3A_134 : i32
      %add3A_136 = arith.addi %mul3A_135, %arg1 : i32
      %mul3A_137 = arith.constant 16 : i32
      %mul3A_138 = arith.muli %mul3A_103, %mul3A_137 : i32
      %add3A_139 = arith.addi %add3A_136, %mul3A_138 : i32
      %add3A_140 = arith.constant 1 : i32
      %add3A_141 = arith.addi %arg0, %add3A_140 : i32
      %mul3A_142 = arith.constant 625 : i32
      %mul3A_143 = arith.muli %add3A_141, %mul3A_142 : i32
      %lt3A_144 = arith.cmpi slt, %add3A_139, %mul3A_143 : i32
      %convert_element_type3A_145 = arith.extui %lt3A_144 : i1 to i32
      %cond3A_146 = arith.constant 0 : i32
      %cond3A_147 = arith.cmpi ne, %convert_element_type3A_145, %cond3A_146 : i32
      scf.if %cond3A_147 {
        %dma_wait3A = arith.constant 0 : i32
        %dma_wait3A_194 = arith.constant 0 : i32
        %dma_wait3A_195 = tpu.memref_slice %arg17[%dma_wait3A, %dma_wait3A_194] : memref<10000x128xf32, #tpu.memory_space<vmem_shared>> -> memref<10000x128xf32, #tpu.memory_space<vmem_shared>>
        tpu.wait_indirect_dma semaphore(%arg22 : memref<!tpu.dma_semaphore, #tpu.memory_space<semaphore_mem>>) src(%arg14 : memref<128x128xf32, #tpu.memory_space<vmem>>) dst(%dma_wait3A_195 : memref<10000x128xf32, #tpu.memory_space<vmem_shared>>)
      } else {
      }
      %add3A_148 = arith.constant 2 : i32
      %add3A_149 = arith.addi %mul3A_103, %add3A_148 : i32
      %mul3A_150 = arith.constant 625 : i32
      %mul3A_151 = arith.muli %arg0, %mul3A_150 : i32
      %add3A_152 = arith.addi %mul3A_151, %arg1 : i32
      %mul3A_153 = arith.constant 16 : i32
      %mul3A_154 = arith.muli %add3A_149, %mul3A_153 : i32
      %add3A_155 = arith.addi %add3A_152, %mul3A_154 : i32
      %add3A_156 = arith.constant 1 : i32
      %add3A_157 = arith.addi %arg0, %add3A_156 : i32
      %mul3A_158 = arith.constant 625 : i32
      %mul3A_159 = arith.muli %add3A_157, %mul3A_158 : i32
      %lt3A_160 = arith.cmpi slt, %add3A_155, %mul3A_159 : i32
      %convert_element_type3A_161 = arith.extui %lt3A_160 : i1 to i32
      %cond3A_162 = arith.constant 0 : i32
      %cond3A_163 = arith.cmpi ne, %convert_element_type3A_161, %cond3A_162 : i32
      scf.if %cond3A_163 {
        %mul3A_194 = arith.constant 625 : i32
        %mul3A_195 = arith.muli %arg0, %mul3A_194 : i32
        %add3A_196 = arith.addi %mul3A_195, %arg1 : i32
        %mul3A_197 = arith.constant 16 : i32
        %mul3A_198 = arith.muli %add3A_149, %mul3A_197 : i32
        %add3A_199 = arith.addi %add3A_196, %mul3A_198 : i32
        %mul3A_200 = arith.constant 128 : i32
        %mul3A_201 = arith.muli %add3A_199, %mul3A_200 : i32
        %dma_start3A = tpu.memref_slice %arg3[%mul3A_201] : memref<160000xi32, #tpu.memory_space<hbm>> -> memref<128xi32, #tpu.memory_space<hbm>>
        %dma_start3A_202 = tpu.memref_slice %arg3[%mul3A_201] : memref<160000xi32, #tpu.memory_space<hbm>> -> memref<128xi32, #tpu.memory_space<hbm>>
        tpu.enqueue_dma source(%dma_start3A_202 : memref<128xi32, #tpu.memory_space<hbm>>) target(%arg8 : memref<128xi32, #tpu.memory_space<vmem>>) target_semaphore(%arg18 : memref<!tpu.dma_semaphore, #tpu.memory_space<semaphore_mem>>)
        %mul3A_203 = arith.constant 16 : i32
        %mul3A_204 = arith.muli %mul3A_201, %mul3A_203 : i32
        %dma_start3A_205 = tpu.memref_slice %arg5[%mul3A_204] : memref<2560000xf32, #tpu.memory_space<hbm>> -> memref<2048xf32, #tpu.memory_space<hbm>>
        %dma_start3A_206 = tpu.memref_slice %arg5[%mul3A_204] : memref<2560000xf32, #tpu.memory_space<hbm>> -> memref<2048xf32, #tpu.memory_space<hbm>>
        tpu.enqueue_dma source(%dma_start3A_206 : memref<2048xf32, #tpu.memory_space<hbm>>) target(%arg12 : memref<2048xf32, #tpu.memory_space<vmem>>) target_semaphore(%arg18 : memref<!tpu.dma_semaphore, #tpu.memory_space<semaphore_mem>>)
      } else {
      }
      %mul3A_164 = arith.constant 625 : i32
      %mul3A_165 = arith.muli %arg0, %mul3A_164 : i32
      %add3A_166 = arith.addi %mul3A_165, %arg1 : i32
      %mul3A_167 = arith.constant 16 : i32
      %mul3A_168 = arith.muli %add3A_105, %mul3A_167 : i32
      %add3A_169 = arith.addi %add3A_166, %mul3A_168 : i32
      %add3A_170 = arith.constant 1 : i32
      %add3A_171 = arith.addi %arg0, %add3A_170 : i32
      %mul3A_172 = arith.constant 625 : i32
      %mul3A_173 = arith.muli %add3A_171, %mul3A_172 : i32
      %lt3A_174 = arith.cmpi slt, %add3A_169, %mul3A_173 : i32
      %convert_element_type3A_175 = arith.extui %lt3A_174 : i1 to i32
      %cond3A_176 = arith.constant 0 : i32
      %cond3A_177 = arith.cmpi ne, %convert_element_type3A_175, %cond3A_176 : i32
      scf.if %cond3A_177 {
        %dma_wait3A = arith.constant 0 : i32
        %dma_wait3A_194 = arith.constant 0 : i32
        %dma_wait3A_195 = tpu.memref_slice %arg17[%dma_wait3A, %dma_wait3A_194] : memref<10000x128xf32, #tpu.memory_space<vmem_shared>> -> memref<10000x128xf32, #tpu.memory_space<vmem_shared>>
        tpu.wait_indirect_dma semaphore(%arg23 : memref<!tpu.dma_semaphore, #tpu.memory_space<semaphore_mem>>) src(%arg15 : memref<128x128xf32, #tpu.memory_space<vmem>>) dst(%dma_wait3A_195 : memref<10000x128xf32, #tpu.memory_space<vmem_shared>>)
      } else {
      }
      %add3A_178 = arith.constant 2 : i32
      %add3A_179 = arith.addi %add3A_105, %add3A_178 : i32
      %mul3A_180 = arith.constant 625 : i32
      %mul3A_181 = arith.muli %arg0, %mul3A_180 : i32
      %add3A_182 = arith.addi %mul3A_181, %arg1 : i32
      %mul3A_183 = arith.constant 16 : i32
      %mul3A_184 = arith.muli %add3A_179, %mul3A_183 : i32
      %add3A_185 = arith.addi %add3A_182, %mul3A_184 : i32
      %add3A_186 = arith.constant 1 : i32
      %add3A_187 = arith.addi %arg0, %add3A_186 : i32
      %mul3A_188 = arith.constant 625 : i32
      %mul3A_189 = arith.muli %add3A_187, %mul3A_188 : i32
      %lt3A_190 = arith.cmpi slt, %add3A_185, %mul3A_189 : i32
      %convert_element_type3A_191 = arith.extui %lt3A_190 : i1 to i32
      %cond3A_192 = arith.constant 0 : i32
      %cond3A_193 = arith.cmpi ne, %convert_element_type3A_191, %cond3A_192 : i32
      scf.if %cond3A_193 {
        %mul3A_194 = arith.constant 625 : i32
        %mul3A_195 = arith.muli %arg0, %mul3A_194 : i32
        %add3A_196 = arith.addi %mul3A_195, %arg1 : i32
        %mul3A_197 = arith.constant 16 : i32
        %mul3A_198 = arith.muli %add3A_179, %mul3A_197 : i32
        %add3A_199 = arith.addi %add3A_196, %mul3A_198 : i32
        %mul3A_200 = arith.constant 128 : i32
        %mul3A_201 = arith.muli %add3A_199, %mul3A_200 : i32
        %dma_start3A = tpu.memref_slice %arg3[%mul3A_201] : memref<160000xi32, #tpu.memory_space<hbm>> -> memref<128xi32, #tpu.memory_space<hbm>>
        %dma_start3A_202 = tpu.memref_slice %arg3[%mul3A_201] : memref<160000xi32, #tpu.memory_space<hbm>> -> memref<128xi32, #tpu.memory_space<hbm>>
        tpu.enqueue_dma source(%dma_start3A_202 : memref<128xi32, #tpu.memory_space<hbm>>) target(%arg9 : memref<128xi32, #tpu.memory_space<vmem>>) target_semaphore(%arg19 : memref<!tpu.dma_semaphore, #tpu.memory_space<semaphore_mem>>)
        %mul3A_203 = arith.constant 16 : i32
        %mul3A_204 = arith.muli %mul3A_201, %mul3A_203 : i32
        %dma_start3A_205 = tpu.memref_slice %arg5[%mul3A_204] : memref<2560000xf32, #tpu.memory_space<hbm>> -> memref<2048xf32, #tpu.memory_space<hbm>>
        %dma_start3A_206 = tpu.memref_slice %arg5[%mul3A_204] : memref<2560000xf32, #tpu.memory_space<hbm>> -> memref<2048xf32, #tpu.memory_space<hbm>>
        tpu.enqueue_dma source(%dma_start3A_206 : memref<2048xf32, #tpu.memory_space<hbm>>) target(%arg13 : memref<2048xf32, #tpu.memory_space<vmem>>) target_semaphore(%arg19 : memref<!tpu.dma_semaphore, #tpu.memory_space<semaphore_mem>>)
      } else {
      }
    }
    %scan3A_87 = arith.constant 20 : i32
    %barrier3A_88 = arith.constant 0 : index
    tpu.barrier barrier_id(%barrier3A_88)
    %mul3A_89 = arith.constant 624 : i32
    %mul3A_90 = arith.muli %arg1, %mul3A_89 : i32
    %mul3A_91 = arith.constant 10000 : i32
    %mul3A_92 = arith.muli %arg0, %mul3A_91 : i32
    %mul3A_93 = arith.constant 624 : i32
    %mul3A_94 = arith.muli %arg1, %mul3A_93 : i32
    %add3A_95 = arith.addi %mul3A_92, %mul3A_94 : i32
    "tpu.region"() ({
      %run_scoped3A = tpu.sem_alloc : memref<!tpu.dma_semaphore, #tpu.memory_space<semaphore_mem>>
      %dma_start3A = arith.constant 0 : i32
      %dma_start3A_101 = tpu.memref_slice %arg7[%add3A_95, %dma_start3A] : memref<20000x128xf32, #tpu.memory_space<hbm>> -> memref<624x128xf32, #tpu.memory_space<hbm>>
      %dma_start3A_102 = arith.constant 0 : i32
      %dma_start3A_103 = tpu.memref_slice %arg17[%mul3A_90, %dma_start3A_102] : memref<10000x128xf32, #tpu.memory_space<vmem_shared>> -> memref<624x128xf32, #tpu.memory_space<vmem_shared>>
      tpu.enqueue_dma source(%dma_start3A_103 : memref<624x128xf32, #tpu.memory_space<vmem_shared>>) target(%dma_start3A_101 : memref<624x128xf32, #tpu.memory_space<hbm>>) target_semaphore(%run_scoped3A : memref<!tpu.dma_semaphore, #tpu.memory_space<semaphore_mem>>)
      %dma_wait3A = arith.constant 0 : i32
      %dma_wait3A_104 = tpu.memref_slice %arg7[%add3A_95, %dma_wait3A] : memref<20000x128xf32, #tpu.memory_space<hbm>> -> memref<624x128xf32, #tpu.memory_space<hbm>>
      %dma_wait3A_105 = arith.constant 0 : i32
      %dma_wait3A_106 = tpu.memref_slice %arg17[%mul3A_90, %dma_wait3A_105] : memref<10000x128xf32, #tpu.memory_space<vmem_shared>> -> memref<624x128xf32, #tpu.memory_space<vmem_shared>>
      tpu.wait_dma2 semaphore(%run_scoped3A : memref<!tpu.dma_semaphore, #tpu.memory_space<semaphore_mem>>) src(%dma_wait3A_106 : memref<624x128xf32, #tpu.memory_space<vmem_shared>>) dst(%dma_wait3A_104 : memref<624x128xf32, #tpu.memory_space<hbm>>)
      tpu.yield
    }) : () -> ()
    %eq3A_96 = arith.constant 0 : i32
    %eq3A_97 = arith.cmpi eq, %arg1, %eq3A_96 : i32
    %convert_element_type3A_98 = arith.extui %eq3A_97 : i1 to i32
    %cond3A_99 = arith.constant 0 : i32
    %cond3A_100 = arith.cmpi ne, %convert_element_type3A_98, %cond3A_99 : i32
    scf.if %cond3A_100 {
      %mul3A_101 = arith.constant 10000 : i32
      %mul3A_102 = arith.muli %arg0, %mul3A_101 : i32
      %add3A_103 = arith.constant 9984 : i32
      %add3A_104 = arith.addi %mul3A_102, %add3A_103 : i32
      "tpu.region"() ({
        %run_scoped3A = tpu.sem_alloc : memref<!tpu.dma_semaphore, #tpu.memory_space<semaphore_mem>>
        %dma_start3A = arith.constant 0 : i32
        %dma_start3A_105 = tpu.memref_slice %arg7[%add3A_104, %dma_start3A] : memref<20000x128xf32, #tpu.memory_space<hbm>> -> memref<16x128xf32, #tpu.memory_space<hbm>>
        %dma_start3A_106 = arith.constant 9984 : i32
        %dma_start3A_107 = arith.constant 0 : i32
        %dma_start3A_108 = tpu.memref_slice %arg17[%dma_start3A_106, %dma_start3A_107] : memref<10000x128xf32, #tpu.memory_space<vmem_shared>> -> memref<16x128xf32, #tpu.memory_space<vmem_shared>>
        tpu.enqueue_dma source(%dma_start3A_108 : memref<16x128xf32, #tpu.memory_space<vmem_shared>>) target(%dma_start3A_105 : memref<16x128xf32, #tpu.memory_space<hbm>>) target_semaphore(%run_scoped3A : memref<!tpu.dma_semaphore, #tpu.memory_space<semaphore_mem>>)
        %dma_wait3A = arith.constant 0 : i32
        %dma_wait3A_109 = tpu.memref_slice %arg7[%add3A_104, %dma_wait3A] : memref<20000x128xf32, #tpu.memory_space<hbm>> -> memref<16x128xf32, #tpu.memory_space<hbm>>
        %dma_wait3A_110 = arith.constant 9984 : i32
        %dma_wait3A_111 = arith.constant 0 : i32
        %dma_wait3A_112 = tpu.memref_slice %arg17[%dma_wait3A_110, %dma_wait3A_111] : memref<10000x128xf32, #tpu.memory_space<vmem_shared>> -> memref<16x128xf32, #tpu.memory_space<vmem_shared>>
        tpu.wait_dma2 semaphore(%run_scoped3A : memref<!tpu.dma_semaphore, #tpu.memory_space<semaphore_mem>>) src(%dma_wait3A_112 : memref<16x128xf32, #tpu.memory_space<vmem_shared>>) dst(%dma_wait3A_109 : memref<16x128xf32, #tpu.memory_space<hbm>>)
        tpu.yield
      }) : () -> ()
    } else {
    }
    return
  }
}

#map = affine_map<(d0, d1) -> (0, 0)>
#map1 = affine_map<(d0, d1) -> (0)>
module attributes {stable_mosaic.version = 14 : i64} {
  func.func @body(%arg0: i32, %arg1: i32, %arg2: memref<10000x128xf32, #tpu.memory_space<hbm>>, %arg3: memref<160000xi32, #tpu.memory_space<hbm>>, %arg4: memref<160000xi32, #tpu.memory_space<hbm>>, %arg5: memref<160000x128xf32, #tpu.memory_space<hbm>>, %arg6: memref<160000x128xf32, #tpu.memory_space<hbm>>, %arg7: memref<128xi32, #tpu.memory_space<vmem>>, %arg8: memref<128xi32, #tpu.memory_space<vmem>>, %arg9: memref<128xi32, #tpu.memory_space<vmem>>, %arg10: memref<128xi32, #tpu.memory_space<vmem>>, %arg11: memref<128x128xf32, #tpu.memory_space<vmem>>, %arg12: memref<128x128xf32, #tpu.memory_space<vmem>>, %arg13: memref<128x128xf32, #tpu.memory_space<vmem>>, %arg14: memref<128x128xf32, #tpu.memory_space<vmem>>, %arg15: memref<!tpu.dma_semaphore, #tpu.memory_space<semaphore_mem>>, %arg16: memref<!tpu.dma_semaphore, #tpu.memory_space<semaphore_mem>>, %arg17: memref<!tpu.dma_semaphore, #tpu.memory_space<semaphore_mem>>, %arg18: memref<!tpu.dma_semaphore, #tpu.memory_space<semaphore_mem>>, %arg19: memref<!tpu.dma_semaphore, #tpu.memory_space<semaphore_mem>>, %arg20: memref<!tpu.dma_semaphore, #tpu.memory_space<semaphore_mem>>) attributes {dimension_semantics = [#tpu.dimension_semantics<core_parallel>, #tpu.dimension_semantics<subcore_parallel>], iteration_bounds = array<i64: 2, 16>, scalar_prefetch = 0 : i64, scratch_operands = 14 : i64, tpu.core_type = #tpu.core_type<sc_vector_subcore>, window_params = [{transform_indices = #map}, {transform_indices = #map1}, {transform_indices = #map1}, {transform_indices = #map}, {transform_indices = #map}]} {
    %mul3A = arith.constant 2 : i32
    %mul3A_0 = arith.muli %arg1, %mul3A : i32
    %add3A = arith.addi %mul3A_0, %arg0 : i32
    %add3A_1 = arith.constant 0 : i32
    %add3A_2 = arith.addi %add3A, %add3A_1 : i32
    %lt3A = arith.constant 1250 : i32
    %lt3A_3 = arith.cmpi slt, %add3A_2, %lt3A : i32
    %convert_element_type3A = arith.extui %lt3A_3 : i1 to i32
    %cond3A = arith.constant 0 : i32
    %cond3A_4 = arith.cmpi ne, %convert_element_type3A, %cond3A : i32
    scf.if %cond3A_4 {
      %mul3A_17 = arith.constant 128 : i32
      %mul3A_18 = arith.muli %add3A_2, %mul3A_17 : i32
      %dma_start3A = tpu.memref_slice %arg3[%mul3A_18] : memref<160000xi32, #tpu.memory_space<hbm>> -> memref<128xi32, #tpu.memory_space<hbm>>
      %dma_start3A_19 = tpu.memref_slice %arg3[%mul3A_18] : memref<160000xi32, #tpu.memory_space<hbm>> -> memref<128xi32, #tpu.memory_space<hbm>>
      tpu.enqueue_dma source(%dma_start3A_19 : memref<128xi32, #tpu.memory_space<hbm>>) target(%arg7 : memref<128xi32, #tpu.memory_space<vmem>>) target_semaphore(%arg15 : memref<!tpu.dma_semaphore, #tpu.memory_space<semaphore_mem>>)
      %dma_start3A_20 = tpu.memref_slice %arg4[%mul3A_18] : memref<160000xi32, #tpu.memory_space<hbm>> -> memref<128xi32, #tpu.memory_space<hbm>>
      %dma_start3A_21 = tpu.memref_slice %arg4[%mul3A_18] : memref<160000xi32, #tpu.memory_space<hbm>> -> memref<128xi32, #tpu.memory_space<hbm>>
      tpu.enqueue_dma source(%dma_start3A_21 : memref<128xi32, #tpu.memory_space<hbm>>) target(%arg9 : memref<128xi32, #tpu.memory_space<vmem>>) target_semaphore(%arg15 : memref<!tpu.dma_semaphore, #tpu.memory_space<semaphore_mem>>)
    } else {
    }
    %add3A_5 = arith.constant 32 : i32
    %add3A_6 = arith.addi %add3A, %add3A_5 : i32
    %lt3A_7 = arith.constant 1250 : i32
    %lt3A_8 = arith.cmpi slt, %add3A_6, %lt3A_7 : i32
    %convert_element_type3A_9 = arith.extui %lt3A_8 : i1 to i32
    %cond3A_10 = arith.constant 0 : i32
    %cond3A_11 = arith.cmpi ne, %convert_element_type3A_9, %cond3A_10 : i32
    scf.if %cond3A_11 {
      %mul3A_17 = arith.constant 128 : i32
      %mul3A_18 = arith.muli %add3A_6, %mul3A_17 : i32
      %dma_start3A = tpu.memref_slice %arg3[%mul3A_18] : memref<160000xi32, #tpu.memory_space<hbm>> -> memref<128xi32, #tpu.memory_space<hbm>>
      %dma_start3A_19 = tpu.memref_slice %arg3[%mul3A_18] : memref<160000xi32, #tpu.memory_space<hbm>> -> memref<128xi32, #tpu.memory_space<hbm>>
      tpu.enqueue_dma source(%dma_start3A_19 : memref<128xi32, #tpu.memory_space<hbm>>) target(%arg8 : memref<128xi32, #tpu.memory_space<vmem>>) target_semaphore(%arg16 : memref<!tpu.dma_semaphore, #tpu.memory_space<semaphore_mem>>)
      %dma_start3A_20 = tpu.memref_slice %arg4[%mul3A_18] : memref<160000xi32, #tpu.memory_space<hbm>> -> memref<128xi32, #tpu.memory_space<hbm>>
      %dma_start3A_21 = tpu.memref_slice %arg4[%mul3A_18] : memref<160000xi32, #tpu.memory_space<hbm>> -> memref<128xi32, #tpu.memory_space<hbm>>
      tpu.enqueue_dma source(%dma_start3A_21 : memref<128xi32, #tpu.memory_space<hbm>>) target(%arg10 : memref<128xi32, #tpu.memory_space<vmem>>) target_semaphore(%arg16 : memref<!tpu.dma_semaphore, #tpu.memory_space<semaphore_mem>>)
    } else {
    }
    %scan3A = arith.constant 0 : i32
    %scan3A_12 = arith.constant 0 : i32
    %scan3A_13 = arith.constant 20 : i32
    %scan3A_14 = arith.addi %scan3A_12, %scan3A_13 : i32
    %scan3A_15 = arith.constant 1 : i32
    scf.for %scan3A_17 = %scan3A_12 to %scan3A_14 step %scan3A_15  : i32 {
      %mul3A_18 = arith.constant 2 : i32
      %mul3A_19 = arith.muli %mul3A_18, %scan3A_17 : i32
      %add3A_20 = arith.constant 1 : i32
      %add3A_21 = arith.addi %mul3A_19, %add3A_20 : i32
      %mul3A_22 = arith.constant 32 : i32
      %mul3A_23 = arith.muli %mul3A_19, %mul3A_22 : i32
      %add3A_24 = arith.addi %add3A, %mul3A_23 : i32
      %lt3A_25 = arith.constant 1250 : i32
      %lt3A_26 = arith.cmpi slt, %add3A_24, %lt3A_25 : i32
      %convert_element_type3A_27 = arith.extui %lt3A_26 : i1 to i32
      %cond3A_28 = arith.constant 0 : i32
      %cond3A_29 = arith.cmpi ne, %convert_element_type3A_27, %cond3A_28 : i32
      scf.if %cond3A_29 {
        %mul3A_122 = arith.constant 128 : i32
        %mul3A_123 = arith.muli %add3A_24, %mul3A_122 : i32
        %dma_wait3A = tpu.memref_slice %arg3[%mul3A_123] : memref<160000xi32, #tpu.memory_space<hbm>> -> memref<128xi32, #tpu.memory_space<hbm>>
        %dma_wait3A_124 = tpu.memref_slice %arg3[%mul3A_123] : memref<160000xi32, #tpu.memory_space<hbm>> -> memref<128xi32, #tpu.memory_space<hbm>>
        tpu.wait_dma2 semaphore(%arg15 : memref<!tpu.dma_semaphore, #tpu.memory_space<semaphore_mem>>) src(%dma_wait3A_124 : memref<128xi32, #tpu.memory_space<hbm>>) dst(%arg7 : memref<128xi32, #tpu.memory_space<vmem>>)
        %dma_wait3A_125 = tpu.memref_slice %arg4[%mul3A_123] : memref<160000xi32, #tpu.memory_space<hbm>> -> memref<128xi32, #tpu.memory_space<hbm>>
        %dma_wait3A_126 = tpu.memref_slice %arg4[%mul3A_123] : memref<160000xi32, #tpu.memory_space<hbm>> -> memref<128xi32, #tpu.memory_space<hbm>>
        tpu.wait_dma2 semaphore(%arg15 : memref<!tpu.dma_semaphore, #tpu.memory_space<semaphore_mem>>) src(%dma_wait3A_126 : memref<128xi32, #tpu.memory_space<hbm>>) dst(%arg9 : memref<128xi32, #tpu.memory_space<vmem>>)
      } else {
      }
      %mul3A_30 = arith.constant 32 : i32
      %mul3A_31 = arith.muli %mul3A_19, %mul3A_30 : i32
      %add3A_32 = arith.addi %add3A, %mul3A_31 : i32
      %lt3A_33 = arith.constant 1250 : i32
      %lt3A_34 = arith.cmpi slt, %add3A_32, %lt3A_33 : i32
      %convert_element_type3A_35 = arith.extui %lt3A_34 : i1 to i32
      %cond3A_36 = arith.constant 0 : i32
      %cond3A_37 = arith.cmpi ne, %convert_element_type3A_35, %cond3A_36 : i32
      scf.if %cond3A_37 {
        %dma_start3A = arith.constant 0 : i32
        %dma_start3A_122 = arith.constant 0 : i32
        %dma_start3A_123 = tpu.memref_slice %arg2[%dma_start3A, %dma_start3A_122] : memref<10000x128xf32, #tpu.memory_space<hbm>> -> memref<10000x128xf32, #tpu.memory_space<hbm>>
        tpu.enqueue_indirect_dma source(%dma_start3A_123 : memref<10000x128xf32, #tpu.memory_space<hbm>>) target(%arg11 : memref<128x128xf32, #tpu.memory_space<vmem>>) offsets(%arg7 : memref<128xi32, #tpu.memory_space<vmem>>) semaphore(%arg17 : memref<!tpu.dma_semaphore, #tpu.memory_space<semaphore_mem>>)
        %dma_start3A_124 = arith.constant 0 : i32
        %dma_start3A_125 = arith.constant 0 : i32
        %dma_start3A_126 = tpu.memref_slice %arg2[%dma_start3A_124, %dma_start3A_125] : memref<10000x128xf32, #tpu.memory_space<hbm>> -> memref<10000x128xf32, #tpu.memory_space<hbm>>
        tpu.enqueue_indirect_dma source(%dma_start3A_126 : memref<10000x128xf32, #tpu.memory_space<hbm>>) target(%arg13 : memref<128x128xf32, #tpu.memory_space<vmem>>) offsets(%arg9 : memref<128xi32, #tpu.memory_space<vmem>>) semaphore(%arg17 : memref<!tpu.dma_semaphore, #tpu.memory_space<semaphore_mem>>)
      } else {
      }
      %mul3A_38 = arith.constant 32 : i32
      %mul3A_39 = arith.muli %add3A_21, %mul3A_38 : i32
      %add3A_40 = arith.addi %add3A, %mul3A_39 : i32
      %lt3A_41 = arith.constant 1250 : i32
      %lt3A_42 = arith.cmpi slt, %add3A_40, %lt3A_41 : i32
      %convert_element_type3A_43 = arith.extui %lt3A_42 : i1 to i32
      %cond3A_44 = arith.constant 0 : i32
      %cond3A_45 = arith.cmpi ne, %convert_element_type3A_43, %cond3A_44 : i32
      scf.if %cond3A_45 {
        %mul3A_122 = arith.constant 128 : i32
        %mul3A_123 = arith.muli %add3A_40, %mul3A_122 : i32
        %dma_wait3A = tpu.memref_slice %arg3[%mul3A_123] : memref<160000xi32, #tpu.memory_space<hbm>> -> memref<128xi32, #tpu.memory_space<hbm>>
        %dma_wait3A_124 = tpu.memref_slice %arg3[%mul3A_123] : memref<160000xi32, #tpu.memory_space<hbm>> -> memref<128xi32, #tpu.memory_space<hbm>>
        tpu.wait_dma2 semaphore(%arg16 : memref<!tpu.dma_semaphore, #tpu.memory_space<semaphore_mem>>) src(%dma_wait3A_124 : memref<128xi32, #tpu.memory_space<hbm>>) dst(%arg8 : memref<128xi32, #tpu.memory_space<vmem>>)
        %dma_wait3A_125 = tpu.memref_slice %arg4[%mul3A_123] : memref<160000xi32, #tpu.memory_space<hbm>> -> memref<128xi32, #tpu.memory_space<hbm>>
        %dma_wait3A_126 = tpu.memref_slice %arg4[%mul3A_123] : memref<160000xi32, #tpu.memory_space<hbm>> -> memref<128xi32, #tpu.memory_space<hbm>>
        tpu.wait_dma2 semaphore(%arg16 : memref<!tpu.dma_semaphore, #tpu.memory_space<semaphore_mem>>) src(%dma_wait3A_126 : memref<128xi32, #tpu.memory_space<hbm>>) dst(%arg10 : memref<128xi32, #tpu.memory_space<vmem>>)
      } else {
      }
      %mul3A_46 = arith.constant 32 : i32
      %mul3A_47 = arith.muli %add3A_21, %mul3A_46 : i32
      %add3A_48 = arith.addi %add3A, %mul3A_47 : i32
      %lt3A_49 = arith.constant 1250 : i32
      %lt3A_50 = arith.cmpi slt, %add3A_48, %lt3A_49 : i32
      %convert_element_type3A_51 = arith.extui %lt3A_50 : i1 to i32
      %cond3A_52 = arith.constant 0 : i32
      %cond3A_53 = arith.cmpi ne, %convert_element_type3A_51, %cond3A_52 : i32
      scf.if %cond3A_53 {
        %dma_start3A = arith.constant 0 : i32
        %dma_start3A_122 = arith.constant 0 : i32
        %dma_start3A_123 = tpu.memref_slice %arg2[%dma_start3A, %dma_start3A_122] : memref<10000x128xf32, #tpu.memory_space<hbm>> -> memref<10000x128xf32, #tpu.memory_space<hbm>>
        tpu.enqueue_indirect_dma source(%dma_start3A_123 : memref<10000x128xf32, #tpu.memory_space<hbm>>) target(%arg12 : memref<128x128xf32, #tpu.memory_space<vmem>>) offsets(%arg8 : memref<128xi32, #tpu.memory_space<vmem>>) semaphore(%arg18 : memref<!tpu.dma_semaphore, #tpu.memory_space<semaphore_mem>>)
        %dma_start3A_124 = arith.constant 0 : i32
        %dma_start3A_125 = arith.constant 0 : i32
        %dma_start3A_126 = tpu.memref_slice %arg2[%dma_start3A_124, %dma_start3A_125] : memref<10000x128xf32, #tpu.memory_space<hbm>> -> memref<10000x128xf32, #tpu.memory_space<hbm>>
        tpu.enqueue_indirect_dma source(%dma_start3A_126 : memref<10000x128xf32, #tpu.memory_space<hbm>>) target(%arg14 : memref<128x128xf32, #tpu.memory_space<vmem>>) offsets(%arg10 : memref<128xi32, #tpu.memory_space<vmem>>) semaphore(%arg18 : memref<!tpu.dma_semaphore, #tpu.memory_space<semaphore_mem>>)
      } else {
      }
      %mul3A_54 = arith.constant 32 : i32
      %mul3A_55 = arith.muli %mul3A_19, %mul3A_54 : i32
      %add3A_56 = arith.addi %add3A, %mul3A_55 : i32
      %lt3A_57 = arith.constant 1250 : i32
      %lt3A_58 = arith.cmpi slt, %add3A_56, %lt3A_57 : i32
      %convert_element_type3A_59 = arith.extui %lt3A_58 : i1 to i32
      %cond3A_60 = arith.constant 0 : i32
      %cond3A_61 = arith.cmpi ne, %convert_element_type3A_59, %cond3A_60 : i32
      scf.if %cond3A_61 {
        %dma_wait3A = arith.constant 0 : i32
        %dma_wait3A_122 = arith.constant 0 : i32
        %dma_wait3A_123 = tpu.memref_slice %arg2[%dma_wait3A, %dma_wait3A_122] : memref<10000x128xf32, #tpu.memory_space<hbm>> -> memref<10000x128xf32, #tpu.memory_space<hbm>>
        tpu.wait_indirect_dma semaphore(%arg17 : memref<!tpu.dma_semaphore, #tpu.memory_space<semaphore_mem>>) src(%dma_wait3A_123 : memref<10000x128xf32, #tpu.memory_space<hbm>>) dst(%arg11 : memref<128x128xf32, #tpu.memory_space<vmem>>)
        %dma_wait3A_124 = arith.constant 0 : i32
        %dma_wait3A_125 = arith.constant 0 : i32
        %dma_wait3A_126 = tpu.memref_slice %arg2[%dma_wait3A_124, %dma_wait3A_125] : memref<10000x128xf32, #tpu.memory_space<hbm>> -> memref<10000x128xf32, #tpu.memory_space<hbm>>
        tpu.wait_indirect_dma semaphore(%arg17 : memref<!tpu.dma_semaphore, #tpu.memory_space<semaphore_mem>>) src(%dma_wait3A_126 : memref<10000x128xf32, #tpu.memory_space<hbm>>) dst(%arg13 : memref<128x128xf32, #tpu.memory_space<vmem>>)
      } else {
      }
      %mul3A_62 = arith.constant 32 : i32
      %mul3A_63 = arith.muli %mul3A_19, %mul3A_62 : i32
      %add3A_64 = arith.addi %add3A, %mul3A_63 : i32
      %lt3A_65 = arith.constant 1250 : i32
      %lt3A_66 = arith.cmpi slt, %add3A_64, %lt3A_65 : i32
      %convert_element_type3A_67 = arith.extui %lt3A_66 : i1 to i32
      %cond3A_68 = arith.constant 0 : i32
      %cond3A_69 = arith.cmpi ne, %convert_element_type3A_67, %cond3A_68 : i32
      scf.if %cond3A_69 {
        %mul3A_122 = arith.constant 128 : i32
        %mul3A_123 = arith.muli %add3A_64, %mul3A_122 : i32
        %dma_start3A = arith.constant 0 : i32
        %dma_start3A_124 = tpu.memref_slice %arg5[%mul3A_123, %dma_start3A] : memref<160000x128xf32, #tpu.memory_space<hbm>> -> memref<128x128xf32, #tpu.memory_space<hbm>>
        %dma_start3A_125 = arith.constant 0 : i32
        %dma_start3A_126 = tpu.memref_slice %arg5[%mul3A_123, %dma_start3A_125] : memref<160000x128xf32, #tpu.memory_space<hbm>> -> memref<128x128xf32, #tpu.memory_space<hbm>>
        tpu.enqueue_dma source(%arg11 : memref<128x128xf32, #tpu.memory_space<vmem>>) target(%dma_start3A_126 : memref<128x128xf32, #tpu.memory_space<hbm>>) target_semaphore(%arg19 : memref<!tpu.dma_semaphore, #tpu.memory_space<semaphore_mem>>)
        %dma_start3A_127 = arith.constant 0 : i32
        %dma_start3A_128 = tpu.memref_slice %arg6[%mul3A_123, %dma_start3A_127] : memref<160000x128xf32, #tpu.memory_space<hbm>> -> memref<128x128xf32, #tpu.memory_space<hbm>>
        %dma_start3A_129 = arith.constant 0 : i32
        %dma_start3A_130 = tpu.memref_slice %arg6[%mul3A_123, %dma_start3A_129] : memref<160000x128xf32, #tpu.memory_space<hbm>> -> memref<128x128xf32, #tpu.memory_space<hbm>>
        tpu.enqueue_dma source(%arg13 : memref<128x128xf32, #tpu.memory_space<vmem>>) target(%dma_start3A_130 : memref<128x128xf32, #tpu.memory_space<hbm>>) target_semaphore(%arg19 : memref<!tpu.dma_semaphore, #tpu.memory_space<semaphore_mem>>)
      } else {
      }
      %mul3A_70 = arith.constant 32 : i32
      %mul3A_71 = arith.muli %add3A_21, %mul3A_70 : i32
      %add3A_72 = arith.addi %add3A, %mul3A_71 : i32
      %lt3A_73 = arith.constant 1250 : i32
      %lt3A_74 = arith.cmpi slt, %add3A_72, %lt3A_73 : i32
      %convert_element_type3A_75 = arith.extui %lt3A_74 : i1 to i32
      %cond3A_76 = arith.constant 0 : i32
      %cond3A_77 = arith.cmpi ne, %convert_element_type3A_75, %cond3A_76 : i32
      scf.if %cond3A_77 {
        %dma_wait3A = arith.constant 0 : i32
        %dma_wait3A_122 = arith.constant 0 : i32
        %dma_wait3A_123 = tpu.memref_slice %arg2[%dma_wait3A, %dma_wait3A_122] : memref<10000x128xf32, #tpu.memory_space<hbm>> -> memref<10000x128xf32, #tpu.memory_space<hbm>>
        tpu.wait_indirect_dma semaphore(%arg18 : memref<!tpu.dma_semaphore, #tpu.memory_space<semaphore_mem>>) src(%dma_wait3A_123 : memref<10000x128xf32, #tpu.memory_space<hbm>>) dst(%arg12 : memref<128x128xf32, #tpu.memory_space<vmem>>)
        %dma_wait3A_124 = arith.constant 0 : i32
        %dma_wait3A_125 = arith.constant 0 : i32
        %dma_wait3A_126 = tpu.memref_slice %arg2[%dma_wait3A_124, %dma_wait3A_125] : memref<10000x128xf32, #tpu.memory_space<hbm>> -> memref<10000x128xf32, #tpu.memory_space<hbm>>
        tpu.wait_indirect_dma semaphore(%arg18 : memref<!tpu.dma_semaphore, #tpu.memory_space<semaphore_mem>>) src(%dma_wait3A_126 : memref<10000x128xf32, #tpu.memory_space<hbm>>) dst(%arg14 : memref<128x128xf32, #tpu.memory_space<vmem>>)
      } else {
      }
      %mul3A_78 = arith.constant 32 : i32
      %mul3A_79 = arith.muli %add3A_21, %mul3A_78 : i32
      %add3A_80 = arith.addi %add3A, %mul3A_79 : i32
      %lt3A_81 = arith.constant 1250 : i32
      %lt3A_82 = arith.cmpi slt, %add3A_80, %lt3A_81 : i32
      %convert_element_type3A_83 = arith.extui %lt3A_82 : i1 to i32
      %cond3A_84 = arith.constant 0 : i32
      %cond3A_85 = arith.cmpi ne, %convert_element_type3A_83, %cond3A_84 : i32
      scf.if %cond3A_85 {
        %mul3A_122 = arith.constant 128 : i32
        %mul3A_123 = arith.muli %add3A_80, %mul3A_122 : i32
        %dma_start3A = arith.constant 0 : i32
        %dma_start3A_124 = tpu.memref_slice %arg5[%mul3A_123, %dma_start3A] : memref<160000x128xf32, #tpu.memory_space<hbm>> -> memref<128x128xf32, #tpu.memory_space<hbm>>
        %dma_start3A_125 = arith.constant 0 : i32
        %dma_start3A_126 = tpu.memref_slice %arg5[%mul3A_123, %dma_start3A_125] : memref<160000x128xf32, #tpu.memory_space<hbm>> -> memref<128x128xf32, #tpu.memory_space<hbm>>
        tpu.enqueue_dma source(%arg12 : memref<128x128xf32, #tpu.memory_space<vmem>>) target(%dma_start3A_126 : memref<128x128xf32, #tpu.memory_space<hbm>>) target_semaphore(%arg20 : memref<!tpu.dma_semaphore, #tpu.memory_space<semaphore_mem>>)
        %dma_start3A_127 = arith.constant 0 : i32
        %dma_start3A_128 = tpu.memref_slice %arg6[%mul3A_123, %dma_start3A_127] : memref<160000x128xf32, #tpu.memory_space<hbm>> -> memref<128x128xf32, #tpu.memory_space<hbm>>
        %dma_start3A_129 = arith.constant 0 : i32
        %dma_start3A_130 = tpu.memref_slice %arg6[%mul3A_123, %dma_start3A_129] : memref<160000x128xf32, #tpu.memory_space<hbm>> -> memref<128x128xf32, #tpu.memory_space<hbm>>
        tpu.enqueue_dma source(%arg14 : memref<128x128xf32, #tpu.memory_space<vmem>>) target(%dma_start3A_130 : memref<128x128xf32, #tpu.memory_space<hbm>>) target_semaphore(%arg20 : memref<!tpu.dma_semaphore, #tpu.memory_space<semaphore_mem>>)
      } else {
      }
      %mul3A_86 = arith.constant 32 : i32
      %mul3A_87 = arith.muli %mul3A_19, %mul3A_86 : i32
      %add3A_88 = arith.addi %add3A, %mul3A_87 : i32
      %lt3A_89 = arith.constant 1250 : i32
      %lt3A_90 = arith.cmpi slt, %add3A_88, %lt3A_89 : i32
      %convert_element_type3A_91 = arith.extui %lt3A_90 : i1 to i32
      %cond3A_92 = arith.constant 0 : i32
      %cond3A_93 = arith.cmpi ne, %convert_element_type3A_91, %cond3A_92 : i32
      scf.if %cond3A_93 {
        %mul3A_122 = arith.constant 128 : i32
        %mul3A_123 = arith.muli %add3A_88, %mul3A_122 : i32
        %dma_wait3A = arith.constant 0 : i32
        %dma_wait3A_124 = tpu.memref_slice %arg5[%mul3A_123, %dma_wait3A] : memref<160000x128xf32, #tpu.memory_space<hbm>> -> memref<128x128xf32, #tpu.memory_space<hbm>>
        %dma_wait3A_125 = arith.constant 0 : i32
        %dma_wait3A_126 = tpu.memref_slice %arg5[%mul3A_123, %dma_wait3A_125] : memref<160000x128xf32, #tpu.memory_space<hbm>> -> memref<128x128xf32, #tpu.memory_space<hbm>>
        tpu.wait_dma2 semaphore(%arg19 : memref<!tpu.dma_semaphore, #tpu.memory_space<semaphore_mem>>) src(%arg11 : memref<128x128xf32, #tpu.memory_space<vmem>>) dst(%dma_wait3A_126 : memref<128x128xf32, #tpu.memory_space<hbm>>)
        %dma_wait3A_127 = arith.constant 0 : i32
        %dma_wait3A_128 = tpu.memref_slice %arg6[%mul3A_123, %dma_wait3A_127] : memref<160000x128xf32, #tpu.memory_space<hbm>> -> memref<128x128xf32, #tpu.memory_space<hbm>>
        %dma_wait3A_129 = arith.constant 0 : i32
        %dma_wait3A_130 = tpu.memref_slice %arg6[%mul3A_123, %dma_wait3A_129] : memref<160000x128xf32, #tpu.memory_space<hbm>> -> memref<128x128xf32, #tpu.memory_space<hbm>>
        tpu.wait_dma2 semaphore(%arg19 : memref<!tpu.dma_semaphore, #tpu.memory_space<semaphore_mem>>) src(%arg13 : memref<128x128xf32, #tpu.memory_space<vmem>>) dst(%dma_wait3A_130 : memref<128x128xf32, #tpu.memory_space<hbm>>)
      } else {
      }
      %add3A_94 = arith.constant 2 : i32
      %add3A_95 = arith.addi %mul3A_19, %add3A_94 : i32
      %mul3A_96 = arith.constant 32 : i32
      %mul3A_97 = arith.muli %add3A_95, %mul3A_96 : i32
      %add3A_98 = arith.addi %add3A, %mul3A_97 : i32
      %lt3A_99 = arith.constant 1250 : i32
      %lt3A_100 = arith.cmpi slt, %add3A_98, %lt3A_99 : i32
      %convert_element_type3A_101 = arith.extui %lt3A_100 : i1 to i32
      %cond3A_102 = arith.constant 0 : i32
      %cond3A_103 = arith.cmpi ne, %convert_element_type3A_101, %cond3A_102 : i32
      scf.if %cond3A_103 {
        %mul3A_122 = arith.constant 128 : i32
        %mul3A_123 = arith.muli %add3A_98, %mul3A_122 : i32
        %dma_start3A = tpu.memref_slice %arg3[%mul3A_123] : memref<160000xi32, #tpu.memory_space<hbm>> -> memref<128xi32, #tpu.memory_space<hbm>>
        %dma_start3A_124 = tpu.memref_slice %arg3[%mul3A_123] : memref<160000xi32, #tpu.memory_space<hbm>> -> memref<128xi32, #tpu.memory_space<hbm>>
        tpu.enqueue_dma source(%dma_start3A_124 : memref<128xi32, #tpu.memory_space<hbm>>) target(%arg7 : memref<128xi32, #tpu.memory_space<vmem>>) target_semaphore(%arg15 : memref<!tpu.dma_semaphore, #tpu.memory_space<semaphore_mem>>)
        %dma_start3A_125 = tpu.memref_slice %arg4[%mul3A_123] : memref<160000xi32, #tpu.memory_space<hbm>> -> memref<128xi32, #tpu.memory_space<hbm>>
        %dma_start3A_126 = tpu.memref_slice %arg4[%mul3A_123] : memref<160000xi32, #tpu.memory_space<hbm>> -> memref<128xi32, #tpu.memory_space<hbm>>
        tpu.enqueue_dma source(%dma_start3A_126 : memref<128xi32, #tpu.memory_space<hbm>>) target(%arg9 : memref<128xi32, #tpu.memory_space<vmem>>) target_semaphore(%arg15 : memref<!tpu.dma_semaphore, #tpu.memory_space<semaphore_mem>>)
      } else {
      }
      %mul3A_104 = arith.constant 32 : i32
      %mul3A_105 = arith.muli %add3A_21, %mul3A_104 : i32
      %add3A_106 = arith.addi %add3A, %mul3A_105 : i32
      %lt3A_107 = arith.constant 1250 : i32
      %lt3A_108 = arith.cmpi slt, %add3A_106, %lt3A_107 : i32
      %convert_element_type3A_109 = arith.extui %lt3A_108 : i1 to i32
      %cond3A_110 = arith.constant 0 : i32
      %cond3A_111 = arith.cmpi ne, %convert_element_type3A_109, %cond3A_110 : i32
      scf.if %cond3A_111 {
        %mul3A_122 = arith.constant 128 : i32
        %mul3A_123 = arith.muli %add3A_106, %mul3A_122 : i32
        %dma_wait3A = arith.constant 0 : i32
        %dma_wait3A_124 = tpu.memref_slice %arg5[%mul3A_123, %dma_wait3A] : memref<160000x128xf32, #tpu.memory_space<hbm>> -> memref<128x128xf32, #tpu.memory_space<hbm>>
        %dma_wait3A_125 = arith.constant 0 : i32
        %dma_wait3A_126 = tpu.memref_slice %arg5[%mul3A_123, %dma_wait3A_125] : memref<160000x128xf32, #tpu.memory_space<hbm>> -> memref<128x128xf32, #tpu.memory_space<hbm>>
        tpu.wait_dma2 semaphore(%arg20 : memref<!tpu.dma_semaphore, #tpu.memory_space<semaphore_mem>>) src(%arg12 : memref<128x128xf32, #tpu.memory_space<vmem>>) dst(%dma_wait3A_126 : memref<128x128xf32, #tpu.memory_space<hbm>>)
        %dma_wait3A_127 = arith.constant 0 : i32
        %dma_wait3A_128 = tpu.memref_slice %arg6[%mul3A_123, %dma_wait3A_127] : memref<160000x128xf32, #tpu.memory_space<hbm>> -> memref<128x128xf32, #tpu.memory_space<hbm>>
        %dma_wait3A_129 = arith.constant 0 : i32
        %dma_wait3A_130 = tpu.memref_slice %arg6[%mul3A_123, %dma_wait3A_129] : memref<160000x128xf32, #tpu.memory_space<hbm>> -> memref<128x128xf32, #tpu.memory_space<hbm>>
        tpu.wait_dma2 semaphore(%arg20 : memref<!tpu.dma_semaphore, #tpu.memory_space<semaphore_mem>>) src(%arg14 : memref<128x128xf32, #tpu.memory_space<vmem>>) dst(%dma_wait3A_130 : memref<128x128xf32, #tpu.memory_space<hbm>>)
      } else {
      }
      %add3A_112 = arith.constant 2 : i32
      %add3A_113 = arith.addi %add3A_21, %add3A_112 : i32
      %mul3A_114 = arith.constant 32 : i32
      %mul3A_115 = arith.muli %add3A_113, %mul3A_114 : i32
      %add3A_116 = arith.addi %add3A, %mul3A_115 : i32
      %lt3A_117 = arith.constant 1250 : i32
      %lt3A_118 = arith.cmpi slt, %add3A_116, %lt3A_117 : i32
      %convert_element_type3A_119 = arith.extui %lt3A_118 : i1 to i32
      %cond3A_120 = arith.constant 0 : i32
      %cond3A_121 = arith.cmpi ne, %convert_element_type3A_119, %cond3A_120 : i32
      scf.if %cond3A_121 {
        %mul3A_122 = arith.constant 128 : i32
        %mul3A_123 = arith.muli %add3A_116, %mul3A_122 : i32
        %dma_start3A = tpu.memref_slice %arg3[%mul3A_123] : memref<160000xi32, #tpu.memory_space<hbm>> -> memref<128xi32, #tpu.memory_space<hbm>>
        %dma_start3A_124 = tpu.memref_slice %arg3[%mul3A_123] : memref<160000xi32, #tpu.memory_space<hbm>> -> memref<128xi32, #tpu.memory_space<hbm>>
        tpu.enqueue_dma source(%dma_start3A_124 : memref<128xi32, #tpu.memory_space<hbm>>) target(%arg8 : memref<128xi32, #tpu.memory_space<vmem>>) target_semaphore(%arg16 : memref<!tpu.dma_semaphore, #tpu.memory_space<semaphore_mem>>)
        %dma_start3A_125 = tpu.memref_slice %arg4[%mul3A_123] : memref<160000xi32, #tpu.memory_space<hbm>> -> memref<128xi32, #tpu.memory_space<hbm>>
        %dma_start3A_126 = tpu.memref_slice %arg4[%mul3A_123] : memref<160000xi32, #tpu.memory_space<hbm>> -> memref<128xi32, #tpu.memory_space<hbm>>
        tpu.enqueue_dma source(%dma_start3A_126 : memref<128xi32, #tpu.memory_space<hbm>>) target(%arg10 : memref<128xi32, #tpu.memory_space<vmem>>) target_semaphore(%arg16 : memref<!tpu.dma_semaphore, #tpu.memory_space<semaphore_mem>>)
      } else {
      }
    }
    %scan3A_16 = arith.constant 20 : i32
    return
  }
}

module attributes {stable_mosaic.version = 14 : i64} {
  func.func @_wtc_body(%arg0: i32, %arg1: memref<2000x128xf32, #tpu.memory_space<vmem>>, %arg2: memref<2000x128xf32, #tpu.memory_space<vmem>>, %arg3: memref<2000x16xf32, #tpu.memory_space<vmem>>) attributes {dimension_semantics = [#tpu.dimension_semantics<arbitrary>], iteration_bounds = array<i64: 80>, scalar_prefetch = 0 : i64, scratch_operands = 0 : i64, tpu.core_type = #tpu.core_type<tc>, window_params = [{transform_indices = @transform_0, window_bounds = array<i64: 2000, 128>}, {transform_indices = @transform_1, window_bounds = array<i64: 2000, 128>}, {transform_indices = @transform_2, window_bounds = array<i64: 2000, 16>}]} {
    %get3A = arith.constant 0 : index
    %get3A_0 = arith.constant 0 : index
    %get3A_1 = vector.load %arg1[%get3A, %get3A_0] : memref<2000x128xf32, #tpu.memory_space<vmem>>, vector<2000x128xf32>
    %bitcast_convert_type3A = tpu.bitcast %get3A_1 : vector<2000x128xf32> -> vector<2000x128xi32>
    %shift_left3A = arith.constant 16 : i32
    %shift_left3A_2 = vector.broadcast %shift_left3A : i32 to vector<2000x128xi32>
    %shift_left3A_3 = arith.shli %bitcast_convert_type3A, %shift_left3A_2 : vector<2000x128xi32>
    %bitcast_convert_type3A_4 = tpu.bitcast %shift_left3A_3 : vector<2000x128xi32> -> vector<2000x128xf32>
    %and3A = arith.constant -65536 : i32
    %and3A_5 = vector.broadcast %and3A : i32 to vector<2000x128xi32>
    %and3A_6 = arith.andi %bitcast_convert_type3A, %and3A_5 : vector<2000x128xi32>
    %bitcast_convert_type3A_7 = tpu.bitcast %and3A_6 : vector<2000x128xi32> -> vector<2000x128xf32>
    %get3A_8 = arith.constant 0 : index
    %get3A_9 = arith.constant 0 : index
    %get3A_10 = vector.load %arg2[%get3A_8, %get3A_9] : memref<2000x128xf32, #tpu.memory_space<vmem>>, vector<2000x128xf32>
    %bitcast_convert_type3A_11 = tpu.bitcast %get3A_10 : vector<2000x128xf32> -> vector<2000x128xi32>
    %shift_left3A_12 = arith.constant 16 : i32
    %shift_left3A_13 = vector.broadcast %shift_left3A_12 : i32 to vector<2000x128xi32>
    %shift_left3A_14 = arith.shli %bitcast_convert_type3A_11, %shift_left3A_13 : vector<2000x128xi32>
    %bitcast_convert_type3A_15 = tpu.bitcast %shift_left3A_14 : vector<2000x128xi32> -> vector<2000x128xf32>
    %and3A_16 = arith.constant -65536 : i32
    %and3A_17 = vector.broadcast %and3A_16 : i32 to vector<2000x128xi32>
    %and3A_18 = arith.andi %bitcast_convert_type3A_11, %and3A_17 : vector<2000x128xi32>
    %bitcast_convert_type3A_19 = tpu.bitcast %and3A_18 : vector<2000x128xi32> -> vector<2000x128xf32>
    %mul3A = arith.mulf %bitcast_convert_type3A_4, %bitcast_convert_type3A_15 : vector<2000x128xf32>
    %mul3A_20 = arith.mulf %bitcast_convert_type3A_7, %bitcast_convert_type3A_19 : vector<2000x128xf32>
    %add3A = arith.addf %mul3A, %mul3A_20 : vector<2000x128xf32>
    %reduce_sum3A = arith.constant dense<0.000000e+00> : vector<2000xf32>
    %reduce_sum3A_21 = vector.multi_reduction <add>, %add3A, %reduce_sum3A [1] : vector<2000x128xf32> to vector<2000xf32>
    %broadcast_in_dim3A = vector.shape_cast %reduce_sum3A_21 : vector<2000xf32> to vector<2000x1xf32>
    %mul3A_22 = arith.mulf %bitcast_convert_type3A_4, %bitcast_convert_type3A_4 : vector<2000x128xf32>
    %mul3A_23 = arith.mulf %bitcast_convert_type3A_7, %bitcast_convert_type3A_7 : vector<2000x128xf32>
    %add3A_24 = arith.addf %mul3A_22, %mul3A_23 : vector<2000x128xf32>
    %reduce_sum3A_25 = arith.constant dense<0.000000e+00> : vector<2000xf32>
    %reduce_sum3A_26 = vector.multi_reduction <add>, %add3A_24, %reduce_sum3A_25 [1] : vector<2000x128xf32> to vector<2000xf32>
    %broadcast_in_dim3A_27 = vector.shape_cast %reduce_sum3A_26 : vector<2000xf32> to vector<2000x1xf32>
    %mul3A_28 = arith.mulf %bitcast_convert_type3A_15, %bitcast_convert_type3A_15 : vector<2000x128xf32>
    %mul3A_29 = arith.mulf %bitcast_convert_type3A_19, %bitcast_convert_type3A_19 : vector<2000x128xf32>
    %add3A_30 = arith.addf %mul3A_28, %mul3A_29 : vector<2000x128xf32>
    %reduce_sum3A_31 = arith.constant dense<0.000000e+00> : vector<2000xf32>
    %reduce_sum3A_32 = vector.multi_reduction <add>, %add3A_30, %reduce_sum3A_31 [1] : vector<2000x128xf32> to vector<2000xf32>
    %broadcast_in_dim3A_33 = vector.shape_cast %reduce_sum3A_32 : vector<2000xf32> to vector<2000x1xf32>
    %mul3A_34 = arith.constant 2.000000e+00 : f32
    %mul3A_35 = vector.broadcast %mul3A_34 : f32 to vector<2000x1xf32>
    %mul3A_36 = arith.mulf %mul3A_35, %broadcast_in_dim3A : vector<2000x1xf32>
    %sub3A = arith.constant 1.000000e+00 : f32
    %sub3A_37 = vector.broadcast %sub3A : f32 to vector<2000x1xf32>
    %sub3A_38 = arith.subf %sub3A_37, %mul3A_36 : vector<2000x1xf32>
    %add3A_39 = arith.addf %sub3A_38, %broadcast_in_dim3A_33 : vector<2000x1xf32>
    %sub3A_40 = arith.constant 1.000000e+00 : f32
    %sub3A_41 = vector.broadcast %sub3A_40 : f32 to vector<2000x1xf32>
    %sub3A_42 = arith.subf %sub3A_41, %broadcast_in_dim3A_27 : vector<2000x1xf32>
    %mul3A_43 = arith.constant 2.000000e+00 : f32
    %mul3A_44 = vector.broadcast %mul3A_43 : f32 to vector<2000x1xf32>
    %mul3A_45 = arith.mulf %mul3A_44, %broadcast_in_dim3A : vector<2000x1xf32>
    %sub3A_46 = arith.constant 1.000000e+00 : f32
    %sub3A_47 = vector.broadcast %sub3A_46 : f32 to vector<2000x1xf32>
    %sub3A_48 = arith.subf %sub3A_47, %mul3A_45 : vector<2000x1xf32>
    %mul3A_49 = arith.mulf %broadcast_in_dim3A_27, %broadcast_in_dim3A_33 : vector<2000x1xf32>
    %add3A_50 = arith.addf %sub3A_48, %mul3A_49 : vector<2000x1xf32>
    %mul3A_51 = arith.mulf %add3A_39, %add3A_39 : vector<2000x1xf32>
    %mul3A_52 = arith.mulf %mul3A_51, %broadcast_in_dim3A_27 : vector<2000x1xf32>
    %mul3A_53 = arith.constant 2.000000e+00 : f32
    %mul3A_54 = vector.broadcast %mul3A_53 : f32 to vector<2000x1xf32>
    %mul3A_55 = arith.mulf %mul3A_54, %add3A_39 : vector<2000x1xf32>
    %mul3A_56 = arith.mulf %mul3A_55, %sub3A_42 : vector<2000x1xf32>
    %mul3A_57 = arith.mulf %mul3A_56, %broadcast_in_dim3A : vector<2000x1xf32>
    %sub3A_58 = arith.subf %mul3A_52, %mul3A_57 : vector<2000x1xf32>
    %mul3A_59 = arith.mulf %sub3A_42, %sub3A_42 : vector<2000x1xf32>
    %mul3A_60 = arith.mulf %mul3A_59, %broadcast_in_dim3A_33 : vector<2000x1xf32>
    %add3A_61 = arith.addf %sub3A_58, %mul3A_60 : vector<2000x1xf32>
    %mul3A_62 = arith.mulf %add3A_50, %add3A_50 : vector<2000x1xf32>
    %div3A = arith.divf %add3A_61, %mul3A_62 : vector<2000x1xf32>
    %max3A = arith.constant 9.99999968E-21 : f32
    %max3A_63 = vector.broadcast %max3A : f32 to vector<2000x1xf32>
    %max3A_64 = arith.maximumf %div3A, %max3A_63 : vector<2000x1xf32>
    %sqrt3A = math.sqrt %max3A_64 : vector<2000x1xf32>
    %jit3A = arith.constant 9.99999993E-9 : f32
    %jit3A_65 = arith.constant 9.800000e-01 : f32
    %max3A_66 = vector.broadcast %jit3A : f32 to vector<2000x1xf32>
    %max3A_67 = arith.maximumf %max3A_66, %sqrt3A : vector<2000x1xf32>
    %min3A = vector.broadcast %jit3A_65 : f32 to vector<2000x1xf32>
    %min3A_68 = arith.minimumf %min3A, %max3A_67 : vector<2000x1xf32>
    %sub3A_69 = arith.constant 1.000000e+00 : f32
    %sub3A_70 = vector.broadcast %sub3A_69 : f32 to vector<2000x1xf32>
    %sub3A_71 = arith.subf %sub3A_70, %min3A_68 : vector<2000x1xf32>
    %add3A_72 = arith.constant 1.000000e+00 : f32
    %add3A_73 = vector.broadcast %add3A_72 : f32 to vector<2000x1xf32>
    %add3A_74 = arith.addf %add3A_73, %min3A_68 : vector<2000x1xf32>
    %div3A_75 = arith.divf %sub3A_71, %add3A_74 : vector<2000x1xf32>
    %broadcast_in_dim3A_76 = vector.shape_cast %div3A_75 : vector<2000x1xf32> to vector<2000x1xf32>
    %broadcast_in_dim3A_77 = vector.broadcast %broadcast_in_dim3A_76 : vector<2000x1xf32> to vector<2000x16xf32>
    %swap3A = arith.constant 0 : index
    %swap3A_78 = arith.constant 0 : index
    %swap3A_79 = vector.load %arg3[%swap3A, %swap3A_78] : memref<2000x16xf32, #tpu.memory_space<vmem>>, vector<2000x16xf32>
    tpu.vector_store %arg3[%swap3A, %swap3A_78], %broadcast_in_dim3A_77 {strides = array<i32>} : memref<2000x16xf32, #tpu.memory_space<vmem>>, vector<2000x16xf32>,
    return
  }
  func.func @transform_0(%arg0: i32) -> (i32, i32) {
    %c0_i32 = arith.constant 0 : i32
    %c0_i32_0 = arith.constant 0 : i32
    return %arg0, %c0_i32 : i32, i32
  }
  func.func @transform_1(%arg0: i32) -> (i32, i32) {
    %c0_i32 = arith.constant 0 : i32
    %c0_i32_0 = arith.constant 0 : i32
    return %arg0, %c0_i32 : i32, i32
  }
  func.func @transform_2(%arg0: i32) -> (i32, i32) {
    %c0_i32 = arith.constant 0 : i32
    %c0_i32_0 = arith.constant 0 : i32
    return %arg0, %c0_i32 : i32, i32
  }
}

module attributes {stable_mosaic.version = 14 : i64} {
  func.func @_stage1_body(%arg0: i32, %arg1: memref<1000x256xf32, #tpu.memory_space<vmem>>, %arg2: memref<256x256xf32, #tpu.memory_space<vmem>>, %arg3: memref<1000x128xf32, #tpu.memory_space<vmem>>, %arg4: memref<2x1000x128xf32, #tpu.memory_space<vmem>>) attributes {dimension_semantics = [#tpu.dimension_semantics<arbitrary>], iteration_bounds = array<i64: 10>, scalar_prefetch = 0 : i64, scratch_operands = 0 : i64, tpu.core_type = #tpu.core_type<tc>, window_params = [{transform_indices = @transform_0, window_bounds = array<i64: 1000, 256>}, {pipeline_mode = #tpu.pipeline_mode<synchronous>, transform_indices = @transform_1, window_bounds = array<i64: 256, 256>}, {transform_indices = @transform_2, window_bounds = array<i64: 1000, 128>}, {transform_indices = @transform_3, window_bounds = array<i64: 2, 1000, 128>}]} {
    %get3A = arith.constant 0 : index
    %get3A_0 = arith.constant 0 : index
    %get3A_1 = vector.load %arg1[%get3A, %get3A_0] : memref<1000x256xf32, #tpu.memory_space<vmem>>, vector<1000x256xf32>
    %add3A = arith.constant 1.000000e-15 : f32
    %add3A_2 = vector.broadcast %add3A : f32 to vector<1000x256xf32>
    %add3A_3 = arith.addf %get3A_1, %add3A_2 : vector<1000x256xf32>
    %mul3A = arith.mulf %add3A_3, %add3A_3 : vector<1000x256xf32>
    %reduce_sum3A = arith.constant dense<0.000000e+00> : vector<1000xf32>
    %reduce_sum3A_4 = vector.multi_reduction <add>, %mul3A, %reduce_sum3A [1] : vector<1000x256xf32> to vector<1000xf32>
    %broadcast_in_dim3A = vector.shape_cast %reduce_sum3A_4 : vector<1000xf32> to vector<1000x1xf32>
    %sqrt3A = math.sqrt %broadcast_in_dim3A : vector<1000x1xf32>
    %max3A = arith.constant 9.800000e-01 : f32
    %max3A_5 = vector.broadcast %max3A : f32 to vector<1000x1xf32>
    %max3A_6 = arith.maximumf %max3A_5, %sqrt3A : vector<1000x1xf32>
    %div3A = arith.constant 9.800000e-01 : f32
    %div3A_7 = vector.broadcast %div3A : f32 to vector<1000x1xf32>
    %div3A_8 = arith.divf %div3A_7, %max3A_6 : vector<1000x1xf32>
    %mul3A_9 = vector.broadcast %div3A_8 : vector<1000x1xf32> to vector<1000x256xf32>
    %mul3A_10 = arith.mulf %add3A_3, %mul3A_9 : vector<1000x256xf32>
    %mul3A_11 = arith.mulf %mul3A_10, %mul3A_10 : vector<1000x256xf32>
    %reduce_sum3A_12 = arith.constant dense<0.000000e+00> : vector<1000xf32>
    %reduce_sum3A_13 = vector.multi_reduction <add>, %mul3A_11, %reduce_sum3A_12 [1] : vector<1000x256xf32> to vector<1000xf32>
    %broadcast_in_dim3A_14 = vector.shape_cast %reduce_sum3A_13 : vector<1000xf32> to vector<1000x1xf32>
    %sqrt3A_15 = math.sqrt %broadcast_in_dim3A_14 : vector<1000x1xf32>
    %tanh3A = math.tanh %sqrt3A_15 : vector<1000x1xf32>
    %mul3A_16 = vector.broadcast %tanh3A : vector<1000x1xf32> to vector<1000x256xf32>
    %mul3A_17 = arith.mulf %mul3A_16, %mul3A_10 : vector<1000x256xf32>
    %div3A_18 = vector.broadcast %sqrt3A_15 : vector<1000x1xf32> to vector<1000x256xf32>
    %div3A_19 = arith.divf %mul3A_17, %div3A_18 : vector<1000x256xf32>
    %add3A_20 = arith.constant 1.000000e-15 : f32
    %add3A_21 = vector.broadcast %add3A_20 : f32 to vector<1000x256xf32>
    %add3A_22 = arith.addf %div3A_19, %add3A_21 : vector<1000x256xf32>
    %mul3A_23 = arith.mulf %add3A_22, %add3A_22 : vector<1000x256xf32>
    %reduce_sum3A_24 = arith.constant dense<0.000000e+00> : vector<1000xf32>
    %reduce_sum3A_25 = vector.multi_reduction <add>, %mul3A_23, %reduce_sum3A_24 [1] : vector<1000x256xf32> to vector<1000xf32>
    %broadcast_in_dim3A_26 = vector.shape_cast %reduce_sum3A_25 : vector<1000xf32> to vector<1000x1xf32>
    %sqrt3A_27 = math.sqrt %broadcast_in_dim3A_26 : vector<1000x1xf32>
    %max3A_28 = arith.constant 9.800000e-01 : f32
    %max3A_29 = vector.broadcast %max3A_28 : f32 to vector<1000x1xf32>
    %max3A_30 = arith.maximumf %max3A_29, %sqrt3A_27 : vector<1000x1xf32>
    %div3A_31 = arith.constant 9.800000e-01 : f32
    %div3A_32 = vector.broadcast %div3A_31 : f32 to vector<1000x1xf32>
    %div3A_33 = arith.divf %div3A_32, %max3A_30 : vector<1000x1xf32>
    %mul3A_34 = vector.broadcast %div3A_33 : vector<1000x1xf32> to vector<1000x256xf32>
    %mul3A_35 = arith.mulf %add3A_22, %mul3A_34 : vector<1000x256xf32>
    %get3A_36 = arith.constant 0 : index
    %get3A_37 = arith.constant 0 : index
    %get3A_38 = vector.load %arg2[%get3A_36, %get3A_37] : memref<256x256xf32, #tpu.memory_space<vmem>>, vector<256x256xf32>
    %dot_general3A = arith.constant dense<0.000000e+00> : vector<1000x256xf32>
    %dot_general3A_39 = tpu.matmul %mul3A_35, %get3A_38, %dot_general3A {dimension_numbers = #tpu.dot_dimension_numbers<[1], [0], [0], [1], [0, 0, 1, 1], [], []>, transpose_lhs_hint = false} : vector<1000x256xf32>, vector<256x256xf32>, vector<1000x256xf32> -> vector<1000x256xf32>
    %mul3A_40 = arith.mulf %mul3A_35, %mul3A_35 : vector<1000x256xf32>
    %reduce_sum3A_41 = arith.constant dense<0.000000e+00> : vector<1000xf32>
    %reduce_sum3A_42 = vector.multi_reduction <add>, %mul3A_40, %reduce_sum3A_41 [1] : vector<1000x256xf32> to vector<1000xf32>
    %broadcast_in_dim3A_43 = vector.shape_cast %reduce_sum3A_42 : vector<1000xf32> to vector<1000x1xf32>
    %sqrt3A_44 = math.sqrt %broadcast_in_dim3A_43 : vector<1000x1xf32>
    %jit3A = arith.constant -0.899999976 : f32
    %jit3A_45 = arith.constant 0.899999976 : f32
    %max3A_46 = vector.broadcast %jit3A : f32 to vector<1000x1xf32>
    %max3A_47 = arith.maximumf %max3A_46, %sqrt3A_44 : vector<1000x1xf32>
    %min3A = vector.broadcast %jit3A_45 : f32 to vector<1000x1xf32>
    %min3A_48 = arith.minimumf %min3A, %max3A_47 : vector<1000x1xf32>
    %add3A_49 = arith.constant 1.000000e+00 : f32
    %add3A_50 = vector.broadcast %add3A_49 : f32 to vector<1000x1xf32>
    %add3A_51 = arith.addf %add3A_50, %min3A_48 : vector<1000x1xf32>
    %sub3A = arith.constant 1.000000e+00 : f32
    %sub3A_52 = vector.broadcast %sub3A : f32 to vector<1000x1xf32>
    %sub3A_53 = arith.subf %sub3A_52, %min3A_48 : vector<1000x1xf32>
    %div3A_54 = arith.divf %add3A_51, %sub3A_53 : vector<1000x1xf32>
    %log3A = math.log %div3A_54 : vector<1000x1xf32>
    %mul3A_55 = arith.constant 5.000000e-01 : f32
    %mul3A_56 = vector.broadcast %mul3A_55 : f32 to vector<1000x1xf32>
    %mul3A_57 = arith.mulf %mul3A_56, %log3A : vector<1000x1xf32>
    %mul3A_58 = vector.broadcast %mul3A_57 : vector<1000x1xf32> to vector<1000x256xf32>
    %mul3A_59 = arith.mulf %dot_general3A_39, %mul3A_58 : vector<1000x256xf32>
    %div3A_60 = vector.broadcast %sqrt3A_44 : vector<1000x1xf32> to vector<1000x256xf32>
    %div3A_61 = arith.divf %mul3A_59, %div3A_60 : vector<1000x256xf32>
    %mul3A_62 = arith.mulf %div3A_61, %div3A_61 : vector<1000x256xf32>
    %reduce_sum3A_63 = arith.constant dense<0.000000e+00> : vector<1000xf32>
    %reduce_sum3A_64 = vector.multi_reduction <add>, %mul3A_62, %reduce_sum3A_63 [1] : vector<1000x256xf32> to vector<1000xf32>
    %broadcast_in_dim3A_65 = vector.shape_cast %reduce_sum3A_64 : vector<1000xf32> to vector<1000x1xf32>
    %sqrt3A_66 = math.sqrt %broadcast_in_dim3A_65 : vector<1000x1xf32>
    %max3A_67 = arith.constant 9.800000e-01 : f32
    %max3A_68 = vector.broadcast %max3A_67 : f32 to vector<1000x1xf32>
    %max3A_69 = arith.maximumf %max3A_68, %sqrt3A_66 : vector<1000x1xf32>
    %div3A_70 = arith.constant 9.800000e-01 : f32
    %div3A_71 = vector.broadcast %div3A_70 : f32 to vector<1000x1xf32>
    %div3A_72 = arith.divf %div3A_71, %max3A_69 : vector<1000x1xf32>
    %mul3A_73 = vector.broadcast %div3A_72 : vector<1000x1xf32> to vector<1000x256xf32>
    %mul3A_74 = arith.mulf %div3A_61, %mul3A_73 : vector<1000x256xf32>
    %mul3A_75 = arith.mulf %mul3A_74, %mul3A_74 : vector<1000x256xf32>
    %reduce_sum3A_76 = arith.constant dense<0.000000e+00> : vector<1000xf32>
    %reduce_sum3A_77 = vector.multi_reduction <add>, %mul3A_75, %reduce_sum3A_76 [1] : vector<1000x256xf32> to vector<1000xf32>
    %broadcast_in_dim3A_78 = vector.shape_cast %reduce_sum3A_77 : vector<1000xf32> to vector<1000x1xf32>
    %sqrt3A_79 = math.sqrt %broadcast_in_dim3A_78 : vector<1000x1xf32>
    %tanh3A_80 = math.tanh %sqrt3A_79 : vector<1000x1xf32>
    %mul3A_81 = vector.broadcast %tanh3A_80 : vector<1000x1xf32> to vector<1000x256xf32>
    %mul3A_82 = arith.mulf %mul3A_81, %mul3A_74 : vector<1000x256xf32>
    %div3A_83 = vector.broadcast %sqrt3A_79 : vector<1000x1xf32> to vector<1000x256xf32>
    %div3A_84 = arith.divf %mul3A_82, %div3A_83 : vector<1000x256xf32>
    %add3A_85 = arith.constant 1.000000e-15 : f32
    %add3A_86 = vector.broadcast %add3A_85 : f32 to vector<1000x256xf32>
    %add3A_87 = arith.addf %div3A_84, %add3A_86 : vector<1000x256xf32>
    %mul3A_88 = arith.mulf %add3A_87, %add3A_87 : vector<1000x256xf32>
    %reduce_sum3A_89 = arith.constant dense<0.000000e+00> : vector<1000xf32>
    %reduce_sum3A_90 = vector.multi_reduction <add>, %mul3A_88, %reduce_sum3A_89 [1] : vector<1000x256xf32> to vector<1000xf32>
    %broadcast_in_dim3A_91 = vector.shape_cast %reduce_sum3A_90 : vector<1000xf32> to vector<1000x1xf32>
    %sqrt3A_92 = math.sqrt %broadcast_in_dim3A_91 : vector<1000x1xf32>
    %max3A_93 = arith.constant 9.800000e-01 : f32
    %max3A_94 = vector.broadcast %max3A_93 : f32 to vector<1000x1xf32>
    %max3A_95 = arith.maximumf %max3A_94, %sqrt3A_92 : vector<1000x1xf32>
    %div3A_96 = arith.constant 9.800000e-01 : f32
    %div3A_97 = vector.broadcast %div3A_96 : f32 to vector<1000x1xf32>
    %div3A_98 = arith.divf %div3A_97, %max3A_95 : vector<1000x1xf32>
    %mul3A_99 = vector.broadcast %div3A_98 : vector<1000x1xf32> to vector<1000x256xf32>
    %mul3A_100 = arith.mulf %add3A_87, %mul3A_99 : vector<1000x256xf32>
    %mul3A_101 = arith.mulf %mul3A_100, %mul3A_100 : vector<1000x256xf32>
    %reduce_sum3A_102 = arith.constant dense<0.000000e+00> : vector<1000xf32>
    %reduce_sum3A_103 = vector.multi_reduction <add>, %mul3A_101, %reduce_sum3A_102 [1] : vector<1000x256xf32> to vector<1000xf32>
    %broadcast_in_dim3A_104 = vector.shape_cast %reduce_sum3A_103 : vector<1000xf32> to vector<1000x1xf32>
    %sqrt3A_105 = math.sqrt %broadcast_in_dim3A_104 : vector<1000x1xf32>
    %jit3A_106 = arith.constant -0.899999976 : f32
    %jit3A_107 = arith.constant 0.899999976 : f32
    %max3A_108 = vector.broadcast %jit3A_106 : f32 to vector<1000x1xf32>
    %max3A_109 = arith.maximumf %max3A_108, %sqrt3A_105 : vector<1000x1xf32>
    %min3A_110 = vector.broadcast %jit3A_107 : f32 to vector<1000x1xf32>
    %min3A_111 = arith.minimumf %min3A_110, %max3A_109 : vector<1000x1xf32>
    %add3A_112 = arith.constant 1.000000e+00 : f32
    %add3A_113 = vector.broadcast %add3A_112 : f32 to vector<1000x1xf32>
    %add3A_114 = arith.addf %add3A_113, %min3A_111 : vector<1000x1xf32>
    %sub3A_115 = arith.constant 1.000000e+00 : f32
    %sub3A_116 = vector.broadcast %sub3A_115 : f32 to vector<1000x1xf32>
    %sub3A_117 = arith.subf %sub3A_116, %min3A_111 : vector<1000x1xf32>
    %div3A_118 = arith.divf %add3A_114, %sub3A_117 : vector<1000x1xf32>
    %log3A_119 = math.log %div3A_118 : vector<1000x1xf32>
    %mul3A_120 = arith.constant 5.000000e-01 : f32
    %mul3A_121 = vector.broadcast %mul3A_120 : f32 to vector<1000x1xf32>
    %mul3A_122 = arith.mulf %mul3A_121, %log3A_119 : vector<1000x1xf32>
    %mul3A_123 = vector.broadcast %mul3A_122 : vector<1000x1xf32> to vector<1000x256xf32>
    %mul3A_124 = arith.mulf %mul3A_123, %mul3A_100 : vector<1000x256xf32>
    %div3A_125 = vector.broadcast %sqrt3A_105 : vector<1000x1xf32> to vector<1000x256xf32>
    %div3A_126 = arith.divf %mul3A_124, %div3A_125 : vector<1000x256xf32>
    %slice3A = vector.extract_strided_slice %div3A_84 {offsets = [0, 0], sizes = [1000, 128], strides = [1, 1]} : vector<1000x256xf32> to vector<1000x128xf32>
    %convert_element_type3A = arith.truncf %slice3A : vector<1000x128xf32> to vector<1000x128xbf16>
    %bitcast_convert_type3A = tpu.bitcast %convert_element_type3A : vector<1000x128xbf16> -> vector<1000x128xi16>
    %slice3A_127 = vector.extract_strided_slice %div3A_84 {offsets = [0, 128], sizes = [1000, 128], strides = [1, 1]} : vector<1000x256xf32> to vector<1000x128xf32>
    %convert_element_type3A_128 = arith.truncf %slice3A_127 : vector<1000x128xf32> to vector<1000x128xbf16>
    %bitcast_convert_type3A_129 = tpu.bitcast %convert_element_type3A_128 : vector<1000x128xbf16> -> vector<1000x128xi16>
    %convert_element_type3A_130 = arith.extui %bitcast_convert_type3A_129 : vector<1000x128xi16> to vector<1000x128xi32>
    %shift_left3A = arith.constant 16 : i32
    %shift_left3A_131 = vector.broadcast %shift_left3A : i32 to vector<1000x128xi32>
    %shift_left3A_132 = arith.shli %convert_element_type3A_130, %shift_left3A_131 : vector<1000x128xi32>
    %convert_element_type3A_133 = arith.extui %bitcast_convert_type3A : vector<1000x128xi16> to vector<1000x128xi32>
    %or3A = arith.ori %shift_left3A_132, %convert_element_type3A_133 : vector<1000x128xi32>
    %bitcast_convert_type3A_134 = tpu.bitcast %or3A : vector<1000x128xi32> -> vector<1000x128xf32>
    %swap3A = arith.constant 0 : index
    %swap3A_135 = arith.constant 0 : index
    %swap3A_136 = vector.load %arg3[%swap3A, %swap3A_135] : memref<1000x128xf32, #tpu.memory_space<vmem>>, vector<1000x128xf32>
    tpu.vector_store %arg3[%swap3A, %swap3A_135], %bitcast_convert_type3A_134 {strides = array<i32>} : memref<1000x128xf32, #tpu.memory_space<vmem>>, vector<1000x128xf32>,
    %slice3A_137 = vector.extract_strided_slice %div3A_126 {offsets = [0, 0], sizes = [1000, 128], strides = [1, 1]} : vector<1000x256xf32> to vector<1000x128xf32>
    %slice3A_138 = vector.extract_strided_slice %div3A_126 {offsets = [0, 128], sizes = [1000, 128], strides = [1, 1]} : vector<1000x256xf32> to vector<1000x128xf32>
    %stack3A = vector.shape_cast %slice3A_137 : vector<1000x128xf32> to vector<1x1000x128xf32>
    %stack3A_139 = vector.shape_cast %slice3A_138 : vector<1000x128xf32> to vector<1x1000x128xf32>
    %stack3A_140 = tpu.concatenate %stack3A, %stack3A_139 in 0 : vector<1x1000x128xf32>, vector<1x1000x128xf32> -> vector<2x1000x128xf32>
    %swap3A_141 = arith.constant 0 : index
    %swap3A_142 = arith.constant 0 : index
    %swap3A_143 = arith.constant 0 : index
    %swap3A_144 = vector.load %arg4[%swap3A_141, %swap3A_142, %swap3A_143] : memref<2x1000x128xf32, #tpu.memory_space<vmem>>, vector<2x1000x128xf32>
    tpu.vector_store %arg4[%swap3A_141, %swap3A_142, %swap3A_143], %stack3A_140 {strides = array<i32>} : memref<2x1000x128xf32, #tpu.memory_space<vmem>>, vector<2x1000x128xf32>,
    return
  }
  func.func @transform_0(%arg0: i32) -> (i32, i32) {
    %c0_i32 = arith.constant 0 : i32
    %c0_i32_0 = arith.constant 0 : i32
    return %arg0, %c0_i32 : i32, i32
  }
  func.func @transform_1(%arg0: i32) -> (i32, i32) {
    %c0_i32 = arith.constant 0 : i32
    %c0_i32_0 = arith.constant 0 : i32
    %c0_i32_1 = arith.constant 0 : i32
    return %c0_i32, %c0_i32_0 : i32, i32
  }
  func.func @transform_2(%arg0: i32) -> (i32, i32) {
    %c0_i32 = arith.constant 0 : i32
    %c0_i32_0 = arith.constant 0 : i32
    return %arg0, %c0_i32 : i32, i32
  }
  func.func @transform_3(%arg0: i32) -> (i32, i32, i32) {
    %c0_i32 = arith.constant 0 : i32
    %c0_i32_0 = arith.constant 0 : i32
    %c0_i32_1 = arith.constant 0 : i32
    return %c0_i32, %arg0, %c0_i32_0 : i32, i32, i32
  }
}

module attributes {stable_mosaic.version = 14 : i64} {
  func.func @_stage3_body(%arg0: i32, %arg1: memref<2x1000x128xf32, #tpu.memory_space<vmem>>, %arg2: memref<2x1000x128xf32, #tpu.memory_space<vmem>>, %arg3: memref<1000x256xf32, #tpu.memory_space<vmem>>) attributes {dimension_semantics = [#tpu.dimension_semantics<arbitrary>], iteration_bounds = array<i64: 10>, scalar_prefetch = 0 : i64, scratch_operands = 0 : i64, tpu.core_type = #tpu.core_type<tc>, window_params = [{transform_indices = @transform_0, window_bounds = array<i64: 2, 1000, 128>}, {transform_indices = @transform_1, window_bounds = array<i64: 2, 1000, 128>}, {transform_indices = @transform_2, window_bounds = array<i64: 1000, 256>}]} {
    %get3A = arith.constant 0 : index
    %get3A_0 = arith.constant 0 : index
    %get3A_1 = arith.constant 0 : index
    %get3A_2 = vector.load %arg1[%get3A, %get3A_0, %get3A_1] : memref<2x1000x128xf32, #tpu.memory_space<vmem>>, vector<2x1000x128xf32>
    %get3A_3 = arith.constant 0 : index
    %get3A_4 = arith.constant 0 : index
    %get3A_5 = arith.constant 0 : index
    %get3A_6 = vector.load %arg2[%get3A_3, %get3A_4, %get3A_5] : memref<2x1000x128xf32, #tpu.memory_space<vmem>>, vector<1x1000x1xf32>
    %get3A_7 = vector.shape_cast %get3A_6 : vector<1x1000x1xf32> to vector<1000x1xf32>
    %get3A_8 = arith.constant 1 : index
    %get3A_9 = arith.constant 0 : index
    %get3A_10 = arith.constant 0 : index
    %get3A_11 = vector.load %arg2[%get3A_8, %get3A_9, %get3A_10] : memref<2x1000x128xf32, #tpu.memory_space<vmem>>, vector<1x1000x1xf32>
    %get3A_12 = vector.shape_cast %get3A_11 : vector<1x1000x1xf32> to vector<1000x1xf32>
    %add3A = arith.addf %get3A_7, %get3A_12 : vector<1000x1xf32>
    %slice3A = vector.extract_strided_slice %get3A_2 {offsets = [0, 0, 0], sizes = [1, 1000, 128], strides = [1, 1, 1]} : vector<2x1000x128xf32> to vector<1x1000x128xf32>
    %squeeze3A = vector.shape_cast %slice3A : vector<1x1000x128xf32> to vector<1000x128xf32>
    %slice3A_13 = vector.extract_strided_slice %get3A_2 {offsets = [1, 0, 0], sizes = [1, 1000, 128], strides = [1, 1, 1]} : vector<2x1000x128xf32> to vector<1x1000x128xf32>
    %squeeze3A_14 = vector.shape_cast %slice3A_13 : vector<1x1000x128xf32> to vector<1000x128xf32>
    %concatenate3A = tpu.concatenate %squeeze3A, %squeeze3A_14 in 1 : vector<1000x128xf32>, vector<1000x128xf32> -> vector<1000x256xf32>
    %add3A_15 = arith.constant 1.000000e-16 : f32
    %add3A_16 = vector.broadcast %add3A_15 : f32 to vector<1000x1xf32>
    %add3A_17 = arith.addf %add3A, %add3A_16 : vector<1000x1xf32>
    %div3A = vector.broadcast %add3A_17 : vector<1000x1xf32> to vector<1000x256xf32>
    %div3A_18 = arith.divf %concatenate3A, %div3A : vector<1000x256xf32>
    %gt3A = arith.constant 0.000000e+00 : f32
    %gt3A_19 = vector.broadcast %gt3A : f32 to vector<1000x256xf32>
    %gt3A_20 = arith.cmpf ogt, %div3A_18, %gt3A_19 : vector<1000x256xf32>
    %min3A = arith.constant 0.000000e+00 : f32
    %min3A_21 = vector.broadcast %min3A : f32 to vector<1000x256xf32>
    %min3A_22 = arith.minimumf %div3A_18, %min3A_21 : vector<1000x256xf32>
    %exp3A = math.exp %min3A_22 : vector<1000x256xf32>
    %sub3A = arith.constant 1.000000e+00 : f32
    %sub3A_23 = vector.broadcast %sub3A : f32 to vector<1000x256xf32>
    %sub3A_24 = arith.subf %exp3A, %sub3A_23 : vector<1000x256xf32>
    %select_n3A = arith.select %gt3A_20, %div3A_18, %sub3A_24 : vector<1000x256xi1>, vector<1000x256xf32>
    %add3A_25 = arith.constant 1.000000e-15 : f32
    %add3A_26 = vector.broadcast %add3A_25 : f32 to vector<1000x256xf32>
    %add3A_27 = arith.addf %select_n3A, %add3A_26 : vector<1000x256xf32>
    %mul3A = arith.mulf %add3A_27, %add3A_27 : vector<1000x256xf32>
    %reduce_sum3A = arith.constant dense<0.000000e+00> : vector<1000xf32>
    %reduce_sum3A_28 = vector.multi_reduction <add>, %mul3A, %reduce_sum3A [1] : vector<1000x256xf32> to vector<1000xf32>
    %broadcast_in_dim3A = vector.shape_cast %reduce_sum3A_28 : vector<1000xf32> to vector<1000x1xf32>
    %sqrt3A = math.sqrt %broadcast_in_dim3A : vector<1000x1xf32>
    %max3A = arith.constant 9.800000e-01 : f32
    %max3A_29 = vector.broadcast %max3A : f32 to vector<1000x1xf32>
    %max3A_30 = arith.maximumf %max3A_29, %sqrt3A : vector<1000x1xf32>
    %div3A_31 = arith.constant 9.800000e-01 : f32
    %div3A_32 = vector.broadcast %div3A_31 : f32 to vector<1000x1xf32>
    %div3A_33 = arith.divf %div3A_32, %max3A_30 : vector<1000x1xf32>
    %mul3A_34 = vector.broadcast %div3A_33 : vector<1000x1xf32> to vector<1000x256xf32>
    %mul3A_35 = arith.mulf %add3A_27, %mul3A_34 : vector<1000x256xf32>
    %mul3A_36 = arith.mulf %mul3A_35, %mul3A_35 : vector<1000x256xf32>
    %reduce_sum3A_37 = arith.constant dense<0.000000e+00> : vector<1000xf32>
    %reduce_sum3A_38 = vector.multi_reduction <add>, %mul3A_36, %reduce_sum3A_37 [1] : vector<1000x256xf32> to vector<1000xf32>
    %broadcast_in_dim3A_39 = vector.shape_cast %reduce_sum3A_38 : vector<1000xf32> to vector<1000x1xf32>
    %sqrt3A_40 = math.sqrt %broadcast_in_dim3A_39 : vector<1000x1xf32>
    %tanh3A = math.tanh %sqrt3A_40 : vector<1000x1xf32>
    %mul3A_41 = vector.broadcast %tanh3A : vector<1000x1xf32> to vector<1000x256xf32>
    %mul3A_42 = arith.mulf %mul3A_41, %mul3A_35 : vector<1000x256xf32>
    %div3A_43 = vector.broadcast %sqrt3A_40 : vector<1000x1xf32> to vector<1000x256xf32>
    %div3A_44 = arith.divf %mul3A_42, %div3A_43 : vector<1000x256xf32>
    %swap3A = arith.constant 0 : index
    %swap3A_45 = arith.constant 0 : index
    %swap3A_46 = vector.load %arg3[%swap3A, %swap3A_45] : memref<1000x256xf32, #tpu.memory_space<vmem>>, vector<1000x256xf32>
    tpu.vector_store %arg3[%swap3A, %swap3A_45], %div3A_44 {strides = array<i32>} : memref<1000x256xf32, #tpu.memory_space<vmem>>, vector<1000x256xf32>,
    return
  }
  func.func @transform_0(%arg0: i32) -> (i32, i32, i32) {
    %c0_i32 = arith.constant 0 : i32
    %c0_i32_0 = arith.constant 0 : i32
    %c0_i32_1 = arith.constant 0 : i32
    return %c0_i32, %arg0, %c0_i32_0 : i32, i32, i32
  }
  func.func @transform_1(%arg0: i32) -> (i32, i32, i32) {
    %c0_i32 = arith.constant 0 : i32
    %c0_i32_0 = arith.constant 0 : i32
    %c0_i32_1 = arith.constant 0 : i32
    return %c0_i32, %arg0, %c0_i32_0 : i32, i32, i32
  }
  func.func @transform_2(%arg0: i32) -> (i32, i32) {
    %c0_i32 = arith.constant 0 : i32
    %c0_i32_0 = arith.constant 0 : i32
    return %arg0, %c0_i32 : i32, i32
  }
}

</mosaic_0001>

<sc_bundles>
// kernel: kernel.10.cloned.1.call-start
scs
__scs_entry_jumppad:
0x0: {  	(pc) =	sbr.rel $0x88, $3  }
0x1: {  	(tag) =	ssettag $0x0;
	lr =	simm.s32 $0x1  }
0x2: {  	[smem:$0x3F9E] =	sst lr;
	_ =	strace $0xD0000000  }
0x3: {  	_ = 	snop  }
0x4: {  	_ = 	snop  }
0x5: {  	_ = 	snop  }
0x6: {  	_ = 	snop  }
0x7: {  	_ = 	snop  }
__scs_overlays_trampoline_lowered:
0x8: {  	[smem:$0x3FAD] =	sst s0  }
0x9: {  	[smem:$0x3FAE] =	sst s1  }
0xa: {  	[smem:$0x3FAF] =	sst s2  }
0xb: {  	[smem:$0x3FB0] =	sst s3  }
0xc: {  	[smem:$0x3FB1] =	sst s4  }
0xd: {  	[smem:$0x3FB2] =	sst s5  }
0xe: {  	[smem:$0x3FB3] =	sst s6  }
0xf: {  	[smem:$0x3FB4] =	sst s7  }
0x10: {  	[smem:$0x3FB5] =	sst s8  }
0x11: {  	[smem:$0x3FB6] =	sst s9;
	s0 =	simm.s32 @!p0 $0x0  }
0x12: {  	s1 =	sld [smem:$0x3F9C];
	s0 =	simm.s32 @p0 $0x1  }
0x13: {  	[smem:$0x3FB7] =	sst s0;
	s0 =	simm.s32 @!p1 $0x0  }
0x14: {  	s2 =	sld [smem:$0x3F9B];
	s0 =	simm.s32 @p1 $0x1  }
0x15: {  	[smem:$0x3FB8] =	sst s0;
	s0 =	simm.s32 @!p2 $0x0  }
0x16: {  	s3 =	sld [smem:$0x3FDB];
	s0 =	simm.s32 @p2 $0x1  }
0x17: {  	s4 =	simm.s32 $0x1BF5;
	[smem:$0x3FBA] =	sst s0  }
0x18: {  	s0 =	sld [smem:$0x3F9D];
	_ =	swait.ge [sflag:s4], $0x0  }
0x19: {  	s7 =	sld [smem:$0x3F9E]  }
0x1a: {  	s8 =	sadd.s32 $0xFFFFE003, lr  }
0x1b: {  	s9 =	sadd.s32 $0xFFFFFEF7, lr;
	s5 =	simm.s32 $0xFFFFFFFF;
	p2 =	slt.u32 s8, $0xFFFFF086  }
0x1c: {  	p1 =	slt.u32 s9, $0xF7A;
	s5 =	simm.s32 @!p2 $0x0  }
0x1d: {  	s5 =	simm.s32 @p1 $0x1;
	p0 =	seq.s32 s7, s2  }
0x1e: {  	s7 =	smul.u32 @!p0 $0xF7A, s2;
	p2 =	seq.s32 @!p0 s5, $0x0  }
0x1f: {  	s9 =	smul.u32 $0xF7A, s1;
	s8 =	simm.s32 @!p0 $0x1BF5;
	p2 =	por !p2, p0  }
0x20: {  	[sflag:s8] =	ssyncset.s32 @!p0 $0xFFFFF086;
	s6 =	sadd.s32 @!p0 s3, s7;
	s7 =	simm.s32 @!p0 $0x108  }
0x21: {  	s3 =	sadd.s32 s3, s9;
	s6 =	sadd.s32 @!p0 $0x88, s6;
	s7 =	simm.s32 @p2 $0x1082  }
0x22: {  	[simem:s7], [sflag:s8] =	dma.local @!p0 [hbm:s6], $0xF7A  }
0x23: {  	s9 =	sor.u32 $0xD0000000, s2;
	s6 =	simm.s32 $0x108;
	_ =	swait.ge @!p0 [sflag:s8], $0x0  }
0x24: {  	s3 =	sadd.s32 $0x88, s3;
	s6 =	simm.s32 @!p1 $0x1082;
	[sflag:s4] =	ssyncset.s32 $0xFFFFF086  }
0x25: {  	[simem:s6], [sflag:s4] =	dma.local [hbm:s3], $0xF7A  }
0x26: {  	[smem:$0x3F9E] =	sst s1;
	(tag) =	ssettag s2;
	_ =	strace s9  }
0x27: {  	s1 =	sld [smem:$0x3FAE]  }
0x28: {  	s2 =	sld [smem:$0x3FAF]  }
0x29: {  	s4 =	sld [smem:$0x3FB1]  }
0x2a: {  	p0 =	seq.s32 s5, $0x0;
	s5 =	sld [smem:$0x3FB2]  }
0x2b: {  	s6 =	sld [smem:$0x3FB3]  }
0x2c: {  	s7 =	sld [smem:$0x3FB4]  }
0x2d: {  	s3 =	simm.s32 $0x108;
	s8 =	sld [smem:$0x3FB5]  }
0x2e: {  	s3 =	simm.s32 @!p0 $0x1082;
	s9 =	sld [smem:$0x3FB6]  }
0x2f: {  	lr =	sadd.s32 s0, s3;
	s0 =	sld [smem:$0x3FAD]  }
0x30: {  	s3 =	sld [smem:$0x3FB0]  }
0x31: {  	[smem:$0x3FB9] =	sst s10  }
0x32: {  	s10 =	sld [smem:$0x3FB7];
	_ =	sdelay $0x3  }
0x33: {  	p0 =	seq.s32 s10, $0x1;
	s10 =	sld [smem:$0x3FB9];
	_ =	sdelay $0x3  }
0x34: {  	[smem:$0x3FB9] =	sst s10  }
0x35: {  	s10 =	sld [smem:$0x3FB8];
	_ =	sdelay $0x3  }
0x36: {  	p1 =	seq.s32 s10, $0x1;
	s10 =	sld [smem:$0x3FB9];
	_ =	sdelay $0x3  }
0x37: {  	[smem:$0x3FB9] =	sst s10  }
0x38: {  	s10 =	sld [smem:$0x3FBA]  }
0x39: {  	_ = 	snop;
	(pc) =	sbr.ind lr, $3  }
0x3a: {  	_ = 	snop  }
0x3b: {  	_ = 	snop  }
0x3c: {  	p2 =	seq.s32 s10, $0x1;
	s10 =	sld [smem:$0x3FB9]  }
0x3d: {  	_ =	shalt  }
0x3e: {  	_ =	shalt  }
0x3f: {  	_ =	shalt  }
0x40: {  	_ =	shalt  }
0x41: {  	_ =	shalt  }
0x42: {  	_ =	shalt  }
0x43: {  	_ =	shalt  }
0x44: {  	_ =	shalt  }
0x45: {  	_ =	shalt  }
0x46: {  	_ =	shalt  }
0x47: {  	_ =	shalt  }
0x48: {  	_ =	shalt  }
0x49: {  	_ =	shalt  }
0x4a: {  	_ =	shalt  }
0x4b: {  	_ =	shalt  }
0x4c: {  	_ =	shalt  }
0x4d: {  	_ =	shalt  }
0x4e: {  	_ =	shalt  }
0x4f: {  	_ =	shalt  }
0x50: {  	_ =	shalt  }
0x51: {  	_ =	shalt  }
0x52: {  	_ =	shalt  }
0x53: {  	_ =	shalt  }
0x54: {  	_ =	shalt  }
0x55: {  	_ =	shalt  }
0x56: {  	_ =	shalt  }
0x57: {  	_ =	shalt  }
0x58: {  	_ =	shalt  }
0x59: {  	_ =	shalt  }
0x5a: {  	_ =	shalt  }
0x5b: {  	_ =	shalt  }
0x5c: {  	_ =	shalt  }
0x5d: {  	_ =	shalt  }
0x5e: {  	_ =	shalt  }
0x5f: {  	_ =	shalt  }
0x60: {  	_ =	shalt  }
0x61: {  	_ =	shalt  }
0x62: {  	_ =	shalt  }
0x63: {  	_ =	shalt  }
0x64: {  	_ =	shalt  }
0x65: {  	_ =	shalt  }
0x66: {  	_ =	shalt  }
0x67: {  	_ =	shalt  }
0x68: {  	_ =	shalt  }
0x69: {  	_ =	shalt  }
0x6a: {  	_ =	shalt  }
0x6b: {  	_ =	shalt  }
0x6c: {  	_ =	shalt  }
0x6d: {  	_ =	shalt  }
0x6e: {  	_ =	shalt  }
0x6f: {  	_ =	shalt  }
0x70: {  	_ =	shalt  }
0x71: {  	_ =	shalt  }
0x72: {  	_ =	shalt  }
0x73: {  	_ =	shalt  }
0x74: {  	_ =	shalt  }
0x75: {  	_ =	shalt  }
0x76: {  	_ =	shalt  }
0x77: {  	_ =	shalt  }
0x78: {  	_ =	shalt  }
0x79: {  	_ =	shalt  }
0x7a: {  	_ =	shalt  }
0x7b: {  	_ =	shalt  }
0x7c: {  	_ =	shalt  }
0x7d: {  	_ =	shalt  }
0x7e: {  	_ =	shalt  }
0x7f: {  	_ =	shalt  }
0x80: {  	_ =	shalt  }
0x81: {  	_ =	shalt  }
0x82: {  	_ =	shalt  }
0x83: {  	_ =	shalt  }
0x84: {  	_ =	shalt  }
0x85: {  	_ =	shalt  }
0x86: {  	_ =	shalt  }
0x87: {  	_ =	shalt  }
.Lfunc_end0:
.L_simem_size_0:
called_computation.1_lowered:
.L_overlay_start_0:
0x88: {  	s2 =	sld [smem:$0x3FD9]  }
0x89: {  	s3 =	sld [smem:$0x3FFE];
	_ =	sdelay $0x1  }
0x8a: {  	s1 =	srdreg.scid  }
0x8b: {  	s0 =	sand.u32 $0x1, s1  }
0x8c: {  	s17 =	sshll.u32 s0, $0xA;
	s2 =	sadd.s32 s3, s2  }
0x8d: {  	s2 =	sadd.s32 s2, s17  }
0x8e: {  	[smem:$0x3FC5] =	sst s2  }
0x8f: {  	_ = 	snop  }
0x90: {  	s2 =	sld [smem:$0x3FD0];
	(tm) =	ssettm $0x1  }
0x91: {  	s18 =	sld [smem:$0x3FFB];
	_ =	sdelay $0x3  }
0x92: {  	_ =	strace s18  }
0x93: {  	s3 =	sld [smem:$0x3FFC];
	_ =	sdelay $0x3  }
0x94: {  	_ =	strace s3  }
0x95: {  	s3 =	sld [smem:$0x3FFD];
	_ =	sdelay $0x3  }
0x96: {  	_ =	strace s3  }
0x97: {  	_ =	strace $0x8FFFFFFF  }
0x98: {  	s19 =	sld [smem:$0x3FDB];
	_ =	sdelay $0x1  }
0x99: {  	s4 =	simm.s32 $_scs_section_size  }
0x9a: {  	s5 =	simm.s32 $_size__tile_overlayer_lowered;
	s6 =	simm.s32 $_tile_overlayer_lowered  }
0x9b: {  	s22 =	simm.s32 $0x1BFF;
	s21 =	sshll.u32 s6, $0x1;
	s3 =	sadd.s32 s4, s19  }
0x9c: {  	s7 =	simm.s32 $0x0;
	s20 =	sshll.u32 s5, $0x1;
	s5 =	sadd.s32 s21, s3  }
0x9d: {  	[timem:s7], [sflag:s22] =	dma.local [hbm:s5], s20  }
0x9e: {  	_ =	swait.ge [sflag:s22], s20  }
0x9f: {  	s4 =	ssub.s32 $0x0, s20;
	[sflag:s22] =	ssyncset.done $0x0  }
0xa0: {  	[sflag:s22] =	ssyncadd.s32 s4;
	_ =	sdelay $0x1  }
0xa1: {  	s23 =	simm.s32 $0x1B8B  }
0xa2: {  	_ =	swait.ge [sflag:s23], $0x1  }
0xa3: {  	[sflag:s23] =	ssyncset.done $0x0  }
0xa4: {  	s25 =	simm.s32 $0x1B8E;
	s24 =	sld [smem:$0x3FFE];
	[sflag:s23] =	ssyncadd.s32 $0xFFFFFFFF  }
0xa5: {  	s26 =	simm.s32 $execute0_lowered;
	[smem:$0x3FD2] =	sst s25  }
0xa6: {  	s5 =	sshll.u32 s26, $0x1;
	_ =	strace $0x80000049;
	[dreg:$0x1] =	wrdreg $0xFFFFFFFF  }
0xa7: {  	s28 =	simm.s32 $_size_execute0_lowered;
	s3 =	sadd.s32 s3, s5;
	[dreg:$0x0] =	wrdreg $0x0  }
0xa8: {  	s5 =	sshll.u32 s28, $0x1;
	[dreg:$0x2] =	wrdreg s3  }
0xa9: {  	[dreg:$0x3] =	wrdreg s5  }
0xaa: {  	[dreg:$0x4] =	wrdreg $0xC0  }
0xab: {  	_ =	task [dreg:s7], $0x5FFFF  }
0xac: {  	[dreg:$0x1] =	wrdreg $0xFFFFFFFF  }
0xad: {  	[dreg:$0x0] =	wrdreg $0x60  }
0xae: {  	[dreg:$0x2] =	wrdreg s2  }
0xaf: {  	[dreg:$0x3] =	wrdreg s24  }
0xb0: {  	[dreg:$0x4] =	wrdreg $0x96000  }
0xb1: {  	[dreg:$0x5] =	wrdreg $0x9  }
0xb2: {  	_ =	task.clear_ibuf [dreg:s7], $0x6FFFF;
	_ =	strace $0x90000049  }
0xb3: {  	s29 =	simm.s32 $0x9;
	_ =	strace $0x8000004B  }
0xb4: {  	_ =	swait.ge [sflag:s29], $0x1  }
0xb5: {  	[sflag:s29] =	ssyncadd.s32 $0xFFFFFFFF  }
0xb6: {  	_ =	strace $0x9000004B  }
0xb7: {  	_ =	sfence  }
0xb8: {  	s30 =	sld [smem:$0x0];
	_ =	sdelay $0x2  }
0xb9: {  	s31 =	sshll.u32 s1, $0xD;
	s1 =	sshrl.u32 s1, $0x2  }
0xba: {  	s3 =	sand.u32 $0x4000, s31;
	s1 =	sadd.s32 s1, s30  }
0xbb: {  	s0 =	sor.u32 s3, s0;
	s1 =	sshll.u32 s1, $0x11  }
0xbc: {  	s0 =	sor.u32 s1, s0  }
0xbd: {  	s0 =	sadd.s32 $0x8F2B, s0  }
0xbe: {  	[sflag:s0] =	ssyncadd.remote.s32 $0x1  }
0xbf: {  	_ =	sfence.sel $0xFFFF  }
0xc0: {  	[dreg:$0x0] =	wrdreg $0xFFFFFFFF;
	(pc) =	sbr.abs _section_cstart, $3  }
0xc1: {  	[dreg:$0x1] =	wrdreg $0xFFFFFFFF  }
0xc2: {  	_ =	task.clear_ibuf [dreg:s7], $0x2FFFF;
	_ =	strace $0x9FFFFFFF  }
0xc3: {  	(tm) =	ssettm $0x7FFFFFFF  }
tec
execute0_lowered:
.L_overlay_start_1:
0x0: {  	(tag) =	ssettag $0x1  }
0x1: {  	s1 =	rddreg [dreg:$0x0]  }
0x2: {  	s0 =	rddreg [dreg:$0x1]  }
0x3: {  	s2 =	rddreg [dreg:$0x2]  }
0x4: {  	s3 =	simm.s32 $0x0;
	s6 =	srdreg.scid;
	s16 =	stileid.u32  }
0x5: {  	[smem:$0x7FF] =	sst s3;
	s4 =	sadd.s32 $0x6400, s0;
	s5 =	sadd.s32 $0x1400, s0  }
0x6: {  	s7 =	sadd.s32 $0xB400, s0;
	s6 =	sand.u32 $0x1, s6;
	s8 =	smul.u32 $0x4E000, s16  }
0x7: {  	s9 =	sadd.s32 $0x59600, s0;
	s0 =	sadd.s32 $0xA7800, s0;
	s12 =	sshll.u32 s16, $0x4  }
0x8: {  	s23 =	sor.u32 $0x10, s16;
	s24 =	sshll.u32 s16, $0x8;
	s15 =	smul.u32 $0x270, s16  }
0x9: {  	p0 =	sne.s32 s16, $0x0;
	s30 =	ssub.s32 $0x4E2, s16;
	s31 =	sor.u32 $0x20, s16  }
0xa: {  	_ =	strace $0x8000004A;
	s10 =	ssub.s32 $0x2, s6;
	s21 =	sadd.s32 s4, s12  }
0xb: {  	s22 =	sadd.s32 s5, s12;
	s13 =	smul.u32 $0x2710, s6;
	s14 =	sshll.u32 s23, $0x4  }
0xc: {  	s12 =	sadd.s32 s7, s24;
	s26 =	smul.u32 $0x138800, s6;
	[dreg:$0x4] =	wrdreg s21  }
0xd: {  	s6 =	smul.u32 $0x271, s6;
	s11 =	sshrl.u32 s10, $0x1;
	[dreg:$0x5] =	wrdreg s22  }
0xe: {  	s8 =	sshrl.u32 s8, $0x2;
	[dreg:$0x6] =	wrdreg s12;
	s25 =	sadd.s32 s4, s14  }
0xf: {  	s14 =	sadd.s32 s5, s14;
	s10 =	ssub.s32 s10, s11;
	[dreg:$0x7] =	wrdreg s25  }
0x10: {  	s8 =	sadd.s32 s8, s2;
	[dreg:$0x8] =	wrdreg s14;
	s11 =	sshll.u32 s23, $0x8  }
0x11: {  	s28 =	sadd.s32 s15, s13;
	s12 =	sshrl.u32 s26, $0x3;
	s15 =	sadd.s32 s16, s6  }
0x12: {  	s18 =	sadd.s32 $0x271, s6;
	s6 =	ssub.s32 $0x4D2, s16;
	s11 =	sadd.s32 s7, s11  }
0x13: {  	s12 =	sadd.s32 $0x27000, s12;
	s14 =	sshll.u32 s15, $0x4;
	s19 =	sshll.u32 s15, $0x8  }
0x14: {  	s22 =	sadd.s32 $0x10, s15;
	s26 =	smax.u32 s10, $0x1;
	s10 =	sadd.s32 $0x30, s15  }
0x15: {  	[dreg:$0x9] =	wrdreg s11;
	s11 =	sshll.u32 s28, $0x4;
	s17 =	sadd.s32 s4, s14  }
0x16: {  	s21 =	sadd.s32 s7, s19;
	s23 =	sshll.u32 s22, $0x4;
	[dreg:$0x12] =	wrdreg s26  }
0x17: {  	s24 =	sshll.u32 s22, $0x8;
	p1 =	sge.u32 s22, s18;
	[dreg:$0xc] =	wrdreg s17  }
0x18: {  	s28 =	sadd.s32 $0x138000, s2;
	s14 =	simm.s32 $0x80;
	[dreg:$0xf] =	wrdreg s21  }
0x19: {  	s19 =	simm.s32 $0x4;
	s29 =	sadd.s32 s9, s11;
	[dreg:$0x13] =	wrdreg s28  }
0x1a: {  	s9 =	sadd.s32 s9, s12;
	s20 =	sadd.s32 s0, s11;
	[dreg:$0xa] =	wrdreg s29  }
0x1b: {  	s0 =	sadd.s32 s0, s12;
	s25 =	sadd.s32 s7, s24;
	[dreg:$0xb] =	wrdreg s9  }
0x1c: {  	s11 =	simm.s32 $0x9200;
	s12 =	simm.s32 $0x7;
	[dreg:$0xd] =	wrdreg s20  }
.Ltmp0:
0x1d: {  	s17 =	simm.s32 $0x1200;
	[dreg:$0xe] =	wrdreg s0;
	(pc) =	sbr.rel .LBB2_1-.Ltmp0, $4  }
0x1e: {  	s21 =	simm.s32 $0x1;
	s0 =	sadd.s32 s4, s23;
	[dreg:$0x11] =	wrdreg s25  }
0x1f: {  	s29 =	sadd.s32 $0x138400, s2;
	s9 =	sadd.s32 $0x20, s15;
	s20 =	simm.s32 $0x5200  }
0x20: {  	s23 =	simm.s32 $0x2;
	s25 =	simm.s32 $0x0;
	[dreg:$0x10] =	wrdreg s0  }
0x21: {  	v1 =	vimm.f32 $0.0e+00;
	v0 =	vmov s13;
	[dreg:$0x14] =	wrdreg s29;
	s0 =	sor.u32 $0x30, s16;
	s16 =	simm.s32 $0x3  }
.LBB2_25:
0x22: {  	[bflag:$0x0] =	sbarrier.arrive $0xFFFF  }
0x23: {  	s13 =	rddreg [dreg:$0xd]  }
0x24: {  	s24 =	rddreg [dreg:$0x16]  }
0x25: {  	[hbm:s13], [sflag:s25] =	dma.local [spmem:s24], $0x2700  }
0x26: {  	_ =	swait.ge [sflag:s12], $0x2700  }
0x27: {  	[sflag:s12] =	ssyncset.done $0x0;
	s13 =	rddreg [dreg:$0xe]  }
0x28: {  	s24 =	rddreg [dreg:$0x17];
	[sflag:s12] =	ssyncadd.s32 $0xFFFFD900  }
0x29: {  	[hbm:s13], [sflag:s25] =	dma.local @!p0 [spmem:s24], $0x100  }
0x2a: {  	s13 =	simm.s32 @!p0 $0x7  }
0x2b: {  	_ =	swait.ge @!p0 [sflag:s13], $0x100  }
0x2c: {  	s28 =	rddreg [dreg:$0x15]  }
0x2d: {  	s29 =	rddreg [dreg:$0x12];
	s25 =	sadd.s32 $0x1, s28  }
0x2e: {  	p2 =	sne.s32 s25, s29  }
.Ltmp1:
0x2f: {  	_ = 	snop;
	(pc) =	sbr.rel @!p2 .LBB2_26-.Ltmp1, $3  }
0x30: {  	_ =	sdelay $0x1  }
0x31: {  	[sflag:s13] =	ssyncset.done @!p0 $0x0  }
0x32: {  	[sflag:s13] =	ssyncadd.s32 @!p0 $0xFFFFFF00  }
.LBB2_1:
0x33: {  	[tilespmem:$0x9200] =	vst v1  }
0x34: {  	[tilespmem:$0x9210] =	vst v1  }
0x35: {  	[tilespmem:$0x9220] =	vst v1  }
0x36: {  	[tilespmem:$0x9230] =	vst v1  }
0x37: {  	[tilespmem:$0x9240] =	vst v1  }
0x38: {  	[tilespmem:$0x9250] =	vst v1  }
0x39: {  	[tilespmem:$0x9260] =	vst v1  }
0x3a: {  	[tilespmem:$0x9270] =	vst v1  }
0x3b: {  	[tilespmem:$0x9280] =	vst v1  }
0x3c: {  	[tilespmem:$0x9290] =	vst v1  }
0x3d: {  	[tilespmem:$0x92A0] =	vst v1  }
0x3e: {  	[tilespmem:$0x92B0] =	vst v1  }
0x3f: {  	[tilespmem:$0x92C0] =	vst v1  }
0x40: {  	[tilespmem:$0x92D0] =	vst v1  }
0x41: {  	[tilespmem:$0x92E0] =	vst v1  }
0x42: {  	[tilespmem:$0x92F0] =	vst v1  }
0x43: {  	[tilespmem:$0x9300] =	vst v1  }
0x44: {  	[tilespmem:$0x9310] =	vst v1  }
0x45: {  	[tilespmem:$0x9320] =	vst v1  }
0x46: {  	[tilespmem:$0x9330] =	vst v1  }
0x47: {  	[tilespmem:$0x9340] =	vst v1  }
0x48: {  	[tilespmem:$0x9350] =	vst v1  }
0x49: {  	[tilespmem:$0x9360] =	vst v1  }
0x4a: {  	[tilespmem:$0x9370] =	vst v1  }
0x4b: {  	[tilespmem:$0x9380] =	vst v1  }
0x4c: {  	[tilespmem:$0x9390] =	vst v1  }
0x4d: {  	[tilespmem:$0x93A0] =	vst v1  }
0x4e: {  	[tilespmem:$0x93B0] =	vst v1  }
0x4f: {  	[tilespmem:$0x93C0] =	vst v1  }
0x50: {  	[tilespmem:$0x93D0] =	vst v1  }
0x51: {  	[tilespmem:$0x93E0] =	vst v1  }
0x52: {  	[tilespmem:$0x93F0] =	vst v1  }
0x53: {  	[tilespmem:$0x9400] =	vst v1  }
0x54: {  	[tilespmem:$0x9410] =	vst v1  }
0x55: {  	[tilespmem:$0x9420] =	vst v1  }
0x56: {  	[tilespmem:$0x9430] =	vst v1  }
0x57: {  	[tilespmem:$0x9440] =	vst v1  }
0x58: {  	[tilespmem:$0x9450] =	vst v1  }
0x59: {  	[tilespmem:$0x9460] =	vst v1  }
0x5a: {  	[tilespmem:$0x9470] =	vst v1  }
0x5b: {  	[tilespmem:$0x9480] =	vst v1  }
0x5c: {  	[tilespmem:$0x9490] =	vst v1  }
0x5d: {  	[tilespmem:$0x94A0] =	vst v1  }
0x5e: {  	[tilespmem:$0x94B0] =	vst v1  }
0x5f: {  	[tilespmem:$0x94C0] =	vst v1  }
0x60: {  	[tilespmem:$0x94D0] =	vst v1  }
0x61: {  	[tilespmem:$0x94E0] =	vst v1  }
0x62: {  	[tilespmem:$0x94F0] =	vst v1  }
0x63: {  	[tilespmem:$0x9500] =	vst v1  }
0x64: {  	[tilespmem:$0x9510] =	vst v1  }
0x65: {  	[tilespmem:$0x9520] =	vst v1  }
0x66: {  	[tilespmem:$0x9530] =	vst v1  }
0x67: {  	[tilespmem:$0x9540] =	vst v1  }
0x68: {  	[tilespmem:$0x9550] =	vst v1  }
0x69: {  	[tilespmem:$0x9560] =	vst v1  }
0x6a: {  	[tilespmem:$0x9570] =	vst v1  }
0x6b: {  	[tilespmem:$0x9580] =	vst v1  }
0x6c: {  	[tilespmem:$0x9590] =	vst v1  }
0x6d: {  	[tilespmem:$0x95A0] =	vst v1  }
0x6e: {  	[tilespmem:$0x95B0] =	vst v1  }
0x6f: {  	[tilespmem:$0x95C0] =	vst v1  }
0x70: {  	[tilespmem:$0x95D0] =	vst v1  }
0x71: {  	[tilespmem:$0x95E0] =	vst v1  }
0x72: {  	[dreg:$0x15] =	wrdreg s25;
	[tilespmem:$0x95F0] =	vst v1;
	s13 =	sadd.s32 $0x0, s8  }
0x73: {  	[spmem:s13] =	stream.linear.scatter [tilespmem:s11], [sflag:$0x7], $0x400, $0x38;
	[tilespmem:$0x1CE80] =	vst v63  }
0x74: {  	s13 =	simm.s32 $0x1000;
	_ =	swait.ge [sflag:s12], $0x400  }
.LBB2_2:
0x75: {  	s24 =	sshra.s32 s13, $0x2;
	[sflag:s12] =	ssyncset.done $0x0;
	p2 =	sne.s32 s13, $0x4D000  }
.Ltmp2:
0x76: {  	s24 =	sadd.s32 s24, s8;
	[sflag:s12] =	ssyncadd.s32 $0xFFFFFC00;
	(pc) =	sbr.rel @p2 .LBB2_2-.Ltmp2, $3  }
0x77: {  	[spmem:s24] =	stream.linear.scatter [tilespmem:s11], [sflag:$0x7], $0x400, $0x38;
	[tilespmem:$0x1CE80] =	vst v63  }
0x78: {  	s13 =	sadd.s32 $0x1000, s13;
	_ =	sdelay $0x1  }
0x79: {  	_ =	swait.ge [sflag:s12], $0x400  }
0x7a: {  	[sflag:s12] =	ssyncset.done $0x0  }
0x7b: {  	s13 =	simm.s32 @!p0 $0x9200;
	s24 =	rddreg [dreg:$0x13];
	[sflag:s12] =	ssyncadd.s32 $0xFFFFFC00  }
0x7c: {  	[spmem:s24] =	stream.linear.scatter @!p0 [tilespmem:s13], [sflag:$0x7], $0x400, $0x38;
	[tilespmem:$0x1CE80] =	vst v63  }
0x7d: {  	s24 =	simm.s32 @!p0 $0x7  }
0x7e: {  	_ =	swait.ge @!p0 [sflag:s24], $0x400  }
0x7f: {  	[sflag:s24] =	ssyncset.done @!p0 $0x0  }
0x80: {  	s25 =	rddreg [dreg:$0x14];
	[sflag:s24] =	ssyncadd.s32 @!p0 $0xFFFFFC00  }
0x81: {  	[spmem:s25] =	stream.linear.scatter @!p0 [tilespmem:s13], [sflag:$0x7], $0x400, $0x38;
	[tilespmem:$0x1CE80] =	vst v63  }
0x82: {  	_ =	swait.ge @!p0 [sflag:s24], $0x400  }
0x83: {  	[sflag:s24] =	ssyncset.done @!p0 $0x0  }
0x84: {  	[sflag:s24] =	ssyncadd.s32 @!p0 $0xFFFFFC00  }
0x85: {  	[bflag:$0x0] =	sbarrier.arrive $0xFFFF  }
0x86: {  	s25 =	simm.s32 $0x0;
	s26 =	rddreg [dreg:$0x4]  }
0x87: {  	[tilespmem:s25], [sflag:$0x1] =	stream.linear.gather [hbm4b:s26+s25], $0x80, $0x38;
	[tilespmem:$0x1CE80] =	vst v63  }
0x88: {  	s29 =	simm.s32 $0x100;
	s28 =	rddreg [dreg:$0x5]  }
0x89: {  	[tilespmem:s29], [sflag:$0x1] =	stream.linear.gather [hbm4b:s28+s25], $0x80, $0x38;
	[tilespmem:$0x1CE80] =	vst v63  }
0x8a: {  	s26 =	rddreg [dreg:$0x6];
	s28 =	simm.s32 $0x200  }
0x8b: {  	[tilespmem:s28], [sflag:$0x1] =	stream.linear.gather [hbm4b:s26+s25], $0x800, $0x38;
	[tilespmem:$0x1CE80] =	vst v63  }
0x8c: {  	s29 =	rddreg [dreg:$0x7]  }
0x8d: {  	[tilespmem:s14], [sflag:$0x2] =	stream.linear.gather [hbm4b:s29+s25], $0x80, $0x38;
	[tilespmem:$0x1CE80] =	vst v63  }
.Ltmp3:
0x8e: {  	_ = 	snop;
	(pc) =	sbr.rel .LBB2_4-.Ltmp3, $4  }
0x8f: {  	s24 =	rddreg [dreg:$0x8];
	s26 =	simm.s32 $0x180  }
0x90: {  	[tilespmem:s26], [sflag:$0x2] =	stream.linear.gather [hbm4b:s24+s25], $0x80, $0x38;
	[tilespmem:$0x1CE80] =	vst v63  }
0x91: {  	s28 =	rddreg [dreg:$0x9];
	s29 =	simm.s32 $0xA00  }
0x92: {  	[tilespmem:s29], [sflag:$0x2] =	stream.linear.gather [hbm4b:s28+s25], $0x800, $0x38;
	[tilespmem:$0x1CE80] =	vst v63  }
.LBB2_12:
0x93: {  	s13 =	simm.s32 @!p2 $0x5;
	s24 =	sadd.s32 s31, s26  }
0x94: {  	_ =	swait.ge @!p2 [sflag:s13], $0x4000;
	p4 =	sgt.u32 s24, $0x4E1  }
0x95: {  	[sflag:s13] =	ssyncset.done @!p2 $0x0;
	s28 =	sshll.u32 @!p4 s24, $0x4  }
0x96: {  	s29 =	simm.s32 @!p4 $0x0;
	[sflag:s13] =	ssyncadd.s32 @!p2 $0xFFFFC000;
	s13 =	sadd.s32 @!p4 s4, s28  }
0x97: {  	[tilespmem:s29], [sflag:$0x1] =	stream.linear.gather @!p4 [hbm4b:s13+s29], $0x80, $0x38;
	[tilespmem:$0x1CE80] =	vst v63  }
0x98: {  	s13 =	sadd.s32 @!p4 s5, s28;
	s28 =	simm.s32 @!p4 $0x100  }
0x99: {  	[tilespmem:s28], [sflag:$0x1] =	stream.linear.gather @!p4 [hbm4b:s13+s29], $0x80, $0x38;
	[tilespmem:$0x1CE80] =	vst v63  }
0x9a: {  	s13 =	sshll.u32 @!p4 s24, $0x8  }
0x9b: {  	s24 =	simm.s32 @!p4 $0x200;
	s13 =	sadd.s32 @!p4 s7, s13  }
0x9c: {  	[tilespmem:s24], [sflag:$0x1] =	stream.linear.gather @!p4 [hbm4b:s13+s29], $0x800, $0x38;
	[tilespmem:$0x1CE80] =	vst v63  }
0x9d: {  	s13 =	simm.s32 @!p3 $0x6  }
0x9e: {  	s24 =	sadd.s32 s0, s26;
	_ =	swait.ge @!p3 [sflag:s13], $0x4000  }
0x9f: {  	p2 =	sgt.u32 s24, $0x4E1;
	[sflag:s13] =	ssyncset.done @!p3 $0x0  }
0xa0: {  	[sflag:s13] =	ssyncadd.s32 @!p3 $0xFFFFC000;
	s13 =	sshll.u32 @!p2 s24, $0x4  }
0xa1: {  	s28 =	simm.s32 @!p2 $0x0;
	s29 =	simm.s32 @!p2 $0x80;
	s26 =	sadd.s32 @!p2 s4, s13  }
0xa2: {  	[tilespmem:s29], [sflag:$0x2] =	stream.linear.gather @!p2 [hbm4b:s26+s28], $0x80, $0x38;
	[tilespmem:$0x1CE80] =	vst v63  }
0xa3: {  	s13 =	sadd.s32 @!p2 s5, s13;
	s26 =	simm.s32 @!p2 $0x180  }
0xa4: {  	[tilespmem:s26], [sflag:$0x2] =	stream.linear.gather @!p2 [hbm4b:s13+s28], $0x80, $0x38;
	[tilespmem:$0x1CE80] =	vst v63  }
0xa5: {  	s13 =	sshll.u32 @!p2 s24, $0x8  }
0xa6: {  	s25 =	sadd.s32 $0x1, s25;
	s24 =	simm.s32 @!p2 $0xA00;
	s13 =	sadd.s32 @!p2 s7, s13  }
0xa7: {  	[tilespmem:s24], [sflag:$0x2] =	stream.linear.gather @!p2 [hbm4b:s13+s28], $0x800, $0x38;
	[tilespmem:$0x1CE80] =	vst v63  }
0xa8: {  	p2 =	sne.s32 s25, $0x28  }
.Ltmp4:
0xa9: {  	_ = 	snop;
	(pc) =	sbr.rel @!p2 .LBB2_13-.Ltmp4, $1  }
0xaa: {  	_ =	sdelay $0x3  }
.LBB2_4:
0xab: {  	s26 =	sshll.u32 s25, $0x5  }
0xac: {  	p2 =	sge.u32 s26, s30  }
0xad: {  	s13 =	simm.s32 @!p2 $0x1  }
0xae: {  	_ =	swait.ge @!p2 [sflag:s13], $0x80  }
0xaf: {  	[sflag:s13] =	ssyncset.done @!p2 $0x0  }
0xb0: {  	[sflag:s13] =	ssyncadd.s32 @!p2 $0xFFFFFF80  }
0xb1: {  	_ =	swait.ge @!p2 [sflag:s13], $0x80  }
0xb2: {  	[sflag:s13] =	ssyncset.done @!p2 $0x0  }
0xb3: {  	[sflag:s13] =	ssyncadd.s32 @!p2 $0xFFFFFF80  }
0xb4: {  	_ =	swait.ge @!p2 [sflag:s13], $0x800  }
0xb5: {  	[sflag:s13] =	ssyncset.done @!p2 $0x0  }
0xb6: {  	[sflag:s13] =	ssyncadd.s32 @!p2 $0xFFFFF800  }
0xb7: {  	v2 =	vld @!p2 [tilespmem:$0x100]  }
0xb8: {  	v3 =	vld @!p2 [tilespmem:$0x110]  }
0xb9: {  	v4 =	vld @!p2 [tilespmem:$0x120]  }
0xba: {  	v5 =	vld @!p2 [tilespmem:$0x130]  }
0xbb: {  	v6 =	vld @!p2 [tilespmem:$0x140]  }
0xbc: {  	v7 =	vld @!p2 [tilespmem:$0x150];
	v2 =	vadd.s32 @!p2 v0, v2  }
0xbd: {  	[tilespmem:$0x100] =	vst @!p2 v2;
	v2 =	vadd.s32 @!p2 v0, v3;
	v3 =	vld @!p2 [tilespmem:$0x160]  }
0xbe: {  	[tilespmem:$0x110] =	vst @!p2 v2;
	v2 =	vadd.s32 @!p2 v0, v4;
	v4 =	vld @!p2 [tilespmem:$0x170]  }
0xbf: {  	[tilespmem:$0x120] =	vst @!p2 v2;
	v2 =	vadd.s32 @!p2 v0, v5  }
0xc0: {  	[tilespmem:$0x130] =	vst @!p2 v2;
	v2 =	vadd.s32 @!p2 v0, v6  }
0xc1: {  	[tilespmem:$0x140] =	vst @!p2 v2;
	v2 =	vadd.s32 @!p2 v0, v7  }
0xc2: {  	[tilespmem:$0x150] =	vst @!p2 v2;
	v2 =	vadd.s32 @!p2 v0, v3  }
0xc3: {  	p3 =	sge.u32 s26, s6;
	[tilespmem:$0x160] =	vst @!p2 v2;
	v2 =	vadd.s32 @!p2 v0, v4  }
0xc4: {  	s24 =	simm.s32 @!p2 $0x100;
	s28 =	simm.s32 @!p2 $0x1200;
	s13 =	simm.s32 @!p2 $0x80;
	[tilespmem:$0x170] =	vst @!p2 v2  }
0xc5: {  	[tilespmem:s28], [sflag:$0x3] =	stream.indirect.gather @!p2 [hbm4b:s1+s13], $0x80, s24, s13, $0xb8;
	[tilespmem:$0x1CE80] =	vst v63  }
0xc6: {  	s13 =	simm.s32 @!p3 $0x2  }
0xc7: {  	_ =	swait.ge @!p3 [sflag:s13], $0x80  }
0xc8: {  	[sflag:s13] =	ssyncset.done @!p3 $0x0  }
0xc9: {  	[sflag:s13] =	ssyncadd.s32 @!p3 $0xFFFFFF80  }
0xca: {  	_ =	swait.ge @!p3 [sflag:s13], $0x80  }
0xcb: {  	[sflag:s13] =	ssyncset.done @!p3 $0x0  }
0xcc: {  	[sflag:s13] =	ssyncadd.s32 @!p3 $0xFFFFFF80  }
0xcd: {  	_ =	swait.ge @!p3 [sflag:s13], $0x800  }
0xce: {  	[sflag:s13] =	ssyncset.done @!p3 $0x0  }
0xcf: {  	[sflag:s13] =	ssyncadd.s32 @!p3 $0xFFFFF800  }
0xd0: {  	v2 =	vld @!p3 [tilespmem:$0x180]  }
0xd1: {  	v3 =	vld @!p3 [tilespmem:$0x190]  }
0xd2: {  	v4 =	vld @!p3 [tilespmem:$0x1A0]  }
0xd3: {  	v5 =	vld @!p3 [tilespmem:$0x1B0]  }
0xd4: {  	v6 =	vld @!p3 [tilespmem:$0x1C0]  }
0xd5: {  	v7 =	vld @!p3 [tilespmem:$0x1D0];
	v2 =	vadd.s32 @!p3 v0, v2  }
0xd6: {  	[tilespmem:$0x180] =	vst @!p3 v2;
	v2 =	vadd.s32 @!p3 v0, v3;
	v3 =	vld @!p3 [tilespmem:$0x1E0]  }
0xd7: {  	[tilespmem:$0x190] =	vst @!p3 v2;
	v2 =	vadd.s32 @!p3 v0, v4;
	v4 =	vld @!p3 [tilespmem:$0x1F0]  }
0xd8: {  	[tilespmem:$0x1A0] =	vst @!p3 v2;
	v2 =	vadd.s32 @!p3 v0, v5  }
0xd9: {  	[tilespmem:$0x1B0] =	vst @!p3 v2;
	v2 =	vadd.s32 @!p3 v0, v6  }
.Ltmp5:
0xda: {  	[tilespmem:$0x1C0] =	vst @!p3 v2;
	v2 =	vadd.s32 @!p3 v0, v7;
	(pc) =	sbr.rel @p2 .LBB2_8-.Ltmp5, $4  }
0xdb: {  	[tilespmem:$0x1D0] =	vst @!p3 v2;
	v2 =	vadd.s32 @!p3 v0, v3  }
0xdc: {  	[tilespmem:$0x1E0] =	vst @!p3 v2;
	v2 =	vadd.s32 @!p3 v0, v4  }
0xdd: {  	s24 =	simm.s32 @!p3 $0x180;
	s28 =	simm.s32 @!p3 $0x5200;
	s13 =	simm.s32 @!p3 $0x80;
	[tilespmem:$0x1F0] =	vst @!p3 v2  }
0xde: {  	[tilespmem:s28], [sflag:$0x4] =	stream.indirect.gather @!p3 [hbm4b:s1+s13], $0x80, s24, s13, $0xb8;
	[tilespmem:$0x1CE80] =	vst v63  }
0xdf: {  	_ =	swait.ge [sflag:s16], $0x4000  }
0xe0: {  	[sflag:s16] =	ssyncset.done $0x0  }
0xe1: {  	s24 =	simm.s32 $0x210;
	[sflag:s16] =	ssyncadd.s32 $0xFFFFC000  }
0xe2: {  	s13 =	simm.s32 $0x1280;
	v7 =	vld [tilespmem:s24+$0x0]  }
0xe3: {  	v3 =	vld [tilespmem:s13+$0x70]  }
0xe4: {  	v8 =	vld [tilespmem:s13+$0xFFFFFF80]  }
0xe5: {  	v9 =	vld [tilespmem:s13+$0xFFFFFF90]  }
0xe6: {  	v10 =	vld [tilespmem:s13+$0xFFFFFFA0]  }
0xe7: {  	v4 =	vld [tilespmem:s13+$0xFFFFFFB0]  }
0xe8: {  	v2 =	vld [tilespmem:s13+$0xFFFFFFC0]  }
0xe9: {  	v5 =	vld [tilespmem:s13+$0xFFFFFFE0]  }
0xea: {  	v11 =	vld [tilespmem:s13+$0x0]  }
0xeb: {  	v16 =	vld [tilespmem:s13+$0x10]  }
0xec: {  	v17 =	vld [tilespmem:s13+$0x20]  }
0xed: {  	v15 =	vld [tilespmem:s13+$0x30]  }
0xee: {  	v13 =	vld [tilespmem:s13+$0x40]  }
0xef: {  	v14 =	vld [tilespmem:s13+$0x50]  }
0xf0: {  	v12 =	vld [tilespmem:s13+$0x60];
	v6 =	vmul.f32 v3, v7  }
0xf1: {  	v3 =	vld [tilespmem:s13+$0xFFFFFFD0];
	v18 =	vmul.f32 v11, v7  }
0xf2: {  	v16 =	vmul.f32 v16, v7;
	v11 =	vld [tilespmem:s24+$0xFFFFFFF0];
	[tilespmem:s13+$0x70] =	vst v6  }
0xf3: {  	s28 =	simm.s32 $0x0;
	s29 =	simm.s32 $0x230;
	v17 =	vmul.f32 v17, v7;
	s24 =	simm.s32 $0x1280;
	v6 =	vld [tilespmem:s13+$0xFFFFFFF0];
	[tilespmem:s13+$0x0] =	vst v18  }
.LBB2_6:
0xf4: {  	v18 =	vld [tilespmem:s29+$0x0];
	[tilespmem:s13+$0x10] =	vst v16;
	v15 =	vmul.f32 v15, v7;
	s24 =	sadd.s32 $0x100, s24  }
0xf5: {  	s28 =	sadd.s32 $0x2, s28;
	v16 =	vld [tilespmem:s24+$0x70];
	[tilespmem:s13+$0x20] =	vst v17;
	v13 =	vmul.f32 v13, v7  }
0xf6: {  	p4 =	slt.u32 s28, $0x7E;
	v17 =	vld [tilespmem:s24+$0xFFFFFF80];
	[tilespmem:s13+$0x30] =	vst v15;
	v14 =	vmul.f32 v14, v7  }
0xf7: {  	v15 =	vld [tilespmem:s24+$0xFFFFFF90];
	[tilespmem:s13+$0x40] =	vst v13;
	v19 =	vmul.f32 v12, v7  }
0xf8: {  	v12 =	vld [tilespmem:s24+$0xFFFFFFA0];
	v20 =	vmul.f32 v8, v11;
	v9 =	vmul.f32 v9, v11;
	[tilespmem:s13+$0x50] =	vst v14  }
0xf9: {  	v10 =	vmul.f32 v10, v11;
	v13 =	vmul.f32 v4, v11;
	v4 =	vld [tilespmem:s24+$0xFFFFFFB0];
	[tilespmem:s13+$0x60] =	vst v19;
	v7 =	vmov v18  }
0xfa: {  	v14 =	vmul.f32 v16, v7;
	[tilespmem:s13+$0xFFFFFF80] =	vst v20;
	v16 =	vmul.f32 v2, v11;
	v2 =	vld [tilespmem:s24+$0xFFFFFFC0]  }
0xfb: {  	v18 =	vmul.f32 v3, v11;
	v19 =	vmul.f32 v5, v11;
	[tilespmem:s13+$0xFFFFFF90] =	vst v9;
	v3 =	vld [tilespmem:s24+$0xFFFFFFD0];
	v8 =	vmov v17  }
0xfc: {  	v11 =	vmul.f32 v6, v11;
	v5 =	vld [tilespmem:s24+$0xFFFFFFE0];
	[tilespmem:s24+$0x70] =	vst v14;
	v9 =	vmov v15  }
0xfd: {  	v6 =	vld [tilespmem:s24+$0xFFFFFFF0];
	[tilespmem:s13+$0xFFFFFFA0] =	vst v10;
	v10 =	vmov v12  }
0xfe: {  	v12 =	vld [tilespmem:s24+$0x0];
	[tilespmem:s13+$0xFFFFFFB0] =	vst v13  }
0xff: {  	v17 =	vld [tilespmem:s24+$0x10];
	[tilespmem:s13+$0xFFFFFFC0] =	vst v16  }
0x100: {  	v20 =	vld [tilespmem:s24+$0x20];
	[tilespmem:s13+$0xFFFFFFD0] =	vst v18  }
.Ltmp6:
0x101: {  	v15 =	vld [tilespmem:s24+$0x30];
	[tilespmem:s13+$0xFFFFFFE0] =	vst v19;
	(pc) =	sbr.rel @p4 .LBB2_6-.Ltmp6, $4  }
0x102: {  	v13 =	vld [tilespmem:s24+$0x40];
	[tilespmem:s13+$0xFFFFFFF0] =	vst v11;
	s13 =	smov.u32 s24  }
0x103: {  	v18 =	vmul.f32 v12, v7;
	v14 =	vld [tilespmem:s24+$0x50]  }
0x104: {  	v16 =	vmul.f32 v17, v7;
	v12 =	vld [tilespmem:s24+$0x60]  }
0x105: {  	v11 =	vld [tilespmem:s29+$0xFFFFFFF0];
	[tilespmem:s24+$0x0] =	vst v18;
	v17 =	vmul.f32 v20, v7;
	s29 =	sadd.s32 $0x20, s29  }
0x106: {  	[tilespmem:s13+$0x10] =	vst v16;
	v15 =	vmul.f32 v15, v7  }
0x107: {  	[tilespmem:s13+$0x20] =	vst v17;
	v13 =	vmul.f32 v13, v7  }
0x108: {  	[tilespmem:s13+$0x30] =	vst v15;
	v14 =	vmul.f32 v14, v7  }
0x109: {  	[tilespmem:s13+$0x40] =	vst v13;
	v61 =	vmul.f32 v12, v7  }
0x10a: {  	v8 =	vmul.f32 v8, v11;
	[tilespmem:s13+$0x50] =	vst v14  }
0x10b: {  	v9 =	vmul.f32 v9, v11;
	[tilespmem:s13+$0x60] =	vst v61  }
0x10c: {  	v62 =	vmul.f32 v10, v11;
	[tilespmem:s13+$0xFFFFFF80] =	vst v8  }
0x10d: {  	v4 =	vmul.f32 v4, v11;
	[tilespmem:s13+$0xFFFFFF90] =	vst v9  }
0x10e: {  	v2 =	vmul.f32 v2, v11;
	[tilespmem:s13+$0xFFFFFFA0] =	vst v62  }
0x10f: {  	v3 =	vmul.f32 v3, v11;
	[tilespmem:s13+$0xFFFFFFB0] =	vst v4  }
0x110: {  	v63 =	vmul.f32 v5, v11;
	[tilespmem:s13+$0xFFFFFFC0] =	vst v2  }
0x111: {  	v2 =	vmul.f32 v6, v11;
	[tilespmem:s13+$0xFFFFFFD0] =	vst v3  }
0x112: {  	[tilespmem:s13+$0xFFFFFFE0] =	vst v63  }
0x113: {  	[tilespmem:s13+$0xFFFFFFF0] =	vst v2  }
0x114: {  	[spmem:s2] =	stream.indirect.scatter.add.f32 [tilespmem:s17], [sflag:$0x5], $0x80, s3, s14, $0xb8;
	[tilespmem:$0x1CE80] =	vst v63  }
.LBB2_8:
.Ltmp7:
0x115: {  	(pc) =	sbr.rel @p3 .LBB2_12-.Ltmp7, $1  }
0x116: {  	_ =	sdelay $0x3  }
0x117: {  	_ =	swait.ge [sflag:s19], $0x4000  }
0x118: {  	[sflag:s19] =	ssyncset.done $0x0  }
0x119: {  	s24 =	simm.s32 $0xA10;
	[sflag:s19] =	ssyncadd.s32 $0xFFFFC000  }
0x11a: {  	s13 =	simm.s32 $0x5280;
	v7 =	vld [tilespmem:s24+$0x0]  }
0x11b: {  	v3 =	vld [tilespmem:s13+$0x70]  }
0x11c: {  	v8 =	vld [tilespmem:s13+$0xFFFFFF80]  }
0x11d: {  	v9 =	vld [tilespmem:s13+$0xFFFFFF90]  }
0x11e: {  	v10 =	vld [tilespmem:s13+$0xFFFFFFA0]  }
0x11f: {  	v4 =	vld [tilespmem:s13+$0xFFFFFFB0]  }
0x120: {  	v2 =	vld [tilespmem:s13+$0xFFFFFFC0]  }
0x121: {  	v5 =	vld [tilespmem:s13+$0xFFFFFFE0]  }
0x122: {  	v11 =	vld [tilespmem:s13+$0x0]  }
0x123: {  	v16 =	vld [tilespmem:s13+$0x10]  }
0x124: {  	v17 =	vld [tilespmem:s13+$0x20]  }
0x125: {  	v15 =	vld [tilespmem:s13+$0x30]  }
0x126: {  	v13 =	vld [tilespmem:s13+$0x40]  }
0x127: {  	v14 =	vld [tilespmem:s13+$0x50]  }
0x128: {  	v12 =	vld [tilespmem:s13+$0x60];
	v6 =	vmul.f32 v3, v7  }
0x129: {  	v3 =	vld [tilespmem:s13+$0xFFFFFFD0];
	v18 =	vmul.f32 v11, v7  }
0x12a: {  	v16 =	vmul.f32 v16, v7;
	v11 =	vld [tilespmem:s24+$0xFFFFFFF0];
	[tilespmem:s13+$0x70] =	vst v6  }
0x12b: {  	s28 =	simm.s32 $0x0;
	s29 =	simm.s32 $0xA30;
	v17 =	vmul.f32 v17, v7;
	s24 =	simm.s32 $0x5280;
	v6 =	vld [tilespmem:s13+$0xFFFFFFF0];
	[tilespmem:s13+$0x0] =	vst v18  }
.LBB2_10:
0x12c: {  	v18 =	vld [tilespmem:s29+$0x0];
	[tilespmem:s13+$0x10] =	vst v16;
	v15 =	vmul.f32 v15, v7;
	s24 =	sadd.s32 $0x100, s24  }
0x12d: {  	s28 =	sadd.s32 $0x2, s28;
	v16 =	vld [tilespmem:s24+$0x70];
	[tilespmem:s13+$0x20] =	vst v17;
	v13 =	vmul.f32 v13, v7  }
0x12e: {  	p4 =	slt.u32 s28, $0x7E;
	v17 =	vld [tilespmem:s24+$0xFFFFFF80];
	[tilespmem:s13+$0x30] =	vst v15;
	v14 =	vmul.f32 v14, v7  }
0x12f: {  	v15 =	vld [tilespmem:s24+$0xFFFFFF90];
	[tilespmem:s13+$0x40] =	vst v13;
	v19 =	vmul.f32 v12, v7  }
0x130: {  	v12 =	vld [tilespmem:s24+$0xFFFFFFA0];
	v20 =	vmul.f32 v8, v11;
	v9 =	vmul.f32 v9, v11;
	[tilespmem:s13+$0x50] =	vst v14  }
0x131: {  	v10 =	vmul.f32 v10, v11;
	v13 =	vmul.f32 v4, v11;
	v4 =	vld [tilespmem:s24+$0xFFFFFFB0];
	[tilespmem:s13+$0x60] =	vst v19;
	v7 =	vmov v18  }
0x132: {  	v14 =	vmul.f32 v16, v7;
	[tilespmem:s13+$0xFFFFFF80] =	vst v20;
	v16 =	vmul.f32 v2, v11;
	v2 =	vld [tilespmem:s24+$0xFFFFFFC0]  }
0x133: {  	v18 =	vmul.f32 v3, v11;
	v19 =	vmul.f32 v5, v11;
	[tilespmem:s13+$0xFFFFFF90] =	vst v9;
	v3 =	vld [tilespmem:s24+$0xFFFFFFD0];
	v8 =	vmov v17  }
0x134: {  	v11 =	vmul.f32 v6, v11;
	v5 =	vld [tilespmem:s24+$0xFFFFFFE0];
	[tilespmem:s24+$0x70] =	vst v14;
	v9 =	vmov v15  }
0x135: {  	v6 =	vld [tilespmem:s24+$0xFFFFFFF0];
	[tilespmem:s13+$0xFFFFFFA0] =	vst v10;
	v10 =	vmov v12  }
0x136: {  	v12 =	vld [tilespmem:s24+$0x0];
	[tilespmem:s13+$0xFFFFFFB0] =	vst v13  }
0x137: {  	v17 =	vld [tilespmem:s24+$0x10];
	[tilespmem:s13+$0xFFFFFFC0] =	vst v16  }
0x138: {  	v20 =	vld [tilespmem:s24+$0x20];
	[tilespmem:s13+$0xFFFFFFD0] =	vst v18  }
.Ltmp8:
0x139: {  	v15 =	vld [tilespmem:s24+$0x30];
	[tilespmem:s13+$0xFFFFFFE0] =	vst v19;
	(pc) =	sbr.rel @p4 .LBB2_10-.Ltmp8, $4  }
0x13a: {  	v13 =	vld [tilespmem:s24+$0x40];
	[tilespmem:s13+$0xFFFFFFF0] =	vst v11;
	s13 =	smov.u32 s24  }
0x13b: {  	v18 =	vmul.f32 v12, v7;
	v14 =	vld [tilespmem:s24+$0x50]  }
0x13c: {  	v16 =	vmul.f32 v17, v7;
	v12 =	vld [tilespmem:s24+$0x60]  }
0x13d: {  	v11 =	vld [tilespmem:s29+$0xFFFFFFF0];
	[tilespmem:s24+$0x0] =	vst v18;
	v17 =	vmul.f32 v20, v7;
	s29 =	sadd.s32 $0x20, s29  }
0x13e: {  	[tilespmem:s13+$0x10] =	vst v16;
	v15 =	vmul.f32 v15, v7  }
0x13f: {  	[tilespmem:s13+$0x20] =	vst v17;
	v13 =	vmul.f32 v13, v7  }
0x140: {  	[tilespmem:s13+$0x30] =	vst v15;
	v14 =	vmul.f32 v14, v7  }
0x141: {  	[tilespmem:s13+$0x40] =	vst v13;
	v61 =	vmul.f32 v12, v7  }
0x142: {  	v8 =	vmul.f32 v8, v11;
	[tilespmem:s13+$0x50] =	vst v14  }
0x143: {  	v9 =	vmul.f32 v9, v11;
	[tilespmem:s13+$0x60] =	vst v61  }
0x144: {  	v62 =	vmul.f32 v10, v11;
	[tilespmem:s13+$0xFFFFFF80] =	vst v8  }
0x145: {  	v4 =	vmul.f32 v4, v11;
	[tilespmem:s13+$0xFFFFFF90] =	vst v9  }
0x146: {  	v2 =	vmul.f32 v2, v11;
	[tilespmem:s13+$0xFFFFFFA0] =	vst v62  }
0x147: {  	v3 =	vmul.f32 v3, v11;
	[tilespmem:s13+$0xFFFFFFB0] =	vst v4  }
.Ltmp9:
0x148: {  	v63 =	vmul.f32 v5, v11;
	[tilespmem:s13+$0xFFFFFFC0] =	vst v2;
	(pc) =	sbr.rel .LBB2_12-.Ltmp9, $4  }
0x149: {  	v2 =	vmul.f32 v6, v11;
	[tilespmem:s13+$0xFFFFFFD0] =	vst v3  }
0x14a: {  	[tilespmem:s13+$0xFFFFFFE0] =	vst v63  }
0x14b: {  	[tilespmem:s13+$0xFFFFFFF0] =	vst v2  }
0x14c: {  	[spmem:s2] =	stream.indirect.scatter.add.f32 [tilespmem:s20], [sflag:$0x6], $0x80, s14, s14, $0xb8;
	[tilespmem:$0x1CE80] =	vst v63  }
.LBB2_13:
0x14d: {  	s13 =	stileid.u32;
	[bflag:$0x0] =	sbarrier.arrive $0xFFFF  }
0x14e: {  	s24 =	sshrl.u32 s8, $0x3;
	s13 =	sshll.u32 s13, $0x6;
	s28 =	rddreg [dreg:$0xa]  }
0x14f: {  	[dreg:$0x16] =	wrdreg s24;
	s25 =	sor.u32 $0x1C07, s13  }
0x150: {  	[hbm:s28], [sflag:s25] =	dma.local [spmem:s24], $0x2700  }
0x151: {  	_ =	swait.ge [sflag:s12], $0x2700  }
0x152: {  	s13 =	rddreg [dreg:$0x13]  }
0x153: {  	[sflag:s12] =	ssyncset.done $0x0;
	s24 =	sshrl.u32 @!p0 s13, $0x3;
	s13 =	rddreg [dreg:$0xb]  }
0x154: {  	[sflag:s12] =	ssyncadd.s32 $0xFFFFD900;
	[dreg:$0x17] =	wrdreg s24  }
0x155: {  	[hbm:s13], [sflag:s25] =	dma.local @!p0 [spmem:s24], $0x100  }
0x156: {  	s13 =	simm.s32 @!p0 $0x7  }
0x157: {  	_ =	swait.ge @!p0 [sflag:s13], $0x100  }
0x158: {  	[sflag:s13] =	ssyncset.done @!p0 $0x0  }
0x159: {  	[sflag:s13] =	ssyncadd.s32 @!p0 $0xFFFFFF00  }
0x15a: {  	s29 =	sadd.s32 $0x0, s8;
	[bflag:$0x0] =	sbarrier.arrive $0xFFFF  }
0x15b: {  	[spmem:s29] =	stream.linear.scatter [tilespmem:s11], [sflag:$0x7], $0x400, $0x38;
	[tilespmem:$0x1CE80] =	vst v63  }
0x15c: {  	s13 =	simm.s32 $0x1000;
	_ =	swait.ge [sflag:s12], $0x400  }
.LBB2_14:
0x15d: {  	s24 =	sshra.s32 s13, $0x2;
	[sflag:s12] =	ssyncset.done $0x0;
	p2 =	sne.s32 s13, $0x4D000  }
.Ltmp10:
0x15e: {  	s24 =	sadd.s32 s24, s8;
	[sflag:s12] =	ssyncadd.s32 $0xFFFFFC00;
	(pc) =	sbr.rel @p2 .LBB2_14-.Ltmp10, $3  }
0x15f: {  	[spmem:s24] =	stream.linear.scatter [tilespmem:s11], [sflag:$0x7], $0x400, $0x38;
	[tilespmem:$0x1CE80] =	vst v63  }
0x160: {  	s13 =	sadd.s32 $0x1000, s13;
	_ =	sdelay $0x1  }
0x161: {  	_ =	swait.ge [sflag:s12], $0x400  }
0x162: {  	[sflag:s12] =	ssyncset.done $0x0  }
0x163: {  	s13 =	simm.s32 @!p0 $0x9200;
	s24 =	rddreg [dreg:$0x13];
	[sflag:s12] =	ssyncadd.s32 $0xFFFFFC00  }
0x164: {  	[spmem:s24] =	stream.linear.scatter @!p0 [tilespmem:s13], [sflag:$0x7], $0x400, $0x38;
	[tilespmem:$0x1CE80] =	vst v63  }
0x165: {  	s24 =	simm.s32 @!p0 $0x7  }
0x166: {  	_ =	swait.ge @!p0 [sflag:s24], $0x400  }
0x167: {  	[sflag:s24] =	ssyncset.done @!p0 $0x0  }
0x168: {  	s26 =	rddreg [dreg:$0x14];
	[sflag:s24] =	ssyncadd.s32 @!p0 $0xFFFFFC00  }
0x169: {  	[spmem:s26] =	stream.linear.scatter @!p0 [tilespmem:s13], [sflag:$0x7], $0x400, $0x38;
	[tilespmem:$0x1CE80] =	vst v63  }
0x16a: {  	_ =	swait.ge @!p0 [sflag:s24], $0x400  }
0x16b: {  	[sflag:s24] =	ssyncset.done @!p0 $0x0  }
0x16c: {  	[sflag:s24] =	ssyncadd.s32 @!p0 $0xFFFFFC00  }
0x16d: {  	[bflag:$0x0] =	sbarrier.arrive $0xFFFF  }
0x16e: {  	s24 =	rddreg [dreg:$0xc]  }
0x16f: {  	[tilespmem:s3], [sflag:$0x1] =	stream.linear.gather [hbm4b:s24+s3], $0x80, $0x38;
	[tilespmem:$0x1CE80] =	vst v63  }
0x170: {  	s28 =	simm.s32 $0x200;
	s26 =	rddreg [dreg:$0xf]  }
0x171: {  	[tilespmem:s28], [sflag:$0x1] =	stream.linear.gather [hbm4b:s26+s3], $0x800, $0x38;
	[tilespmem:$0x1CE80] =	vst v63  }
.Ltmp11:
0x172: {  	_ = 	snop;
	(pc) =	sbr.rel .LBB2_16-.Ltmp11, $4  }
0x173: {  	s13 =	simm.s32 @!p1 $0x0;
	s24 =	simm.s32 @!p1 $0x80;
	s26 =	rddreg [dreg:$0x10]  }
0x174: {  	[tilespmem:s24], [sflag:$0x2] =	stream.linear.gather @!p1 [hbm4b:s26+s13], $0x80, $0x38;
	[tilespmem:$0x1CE80] =	vst v63  }
0x175: {  	s29 =	simm.s32 $0x0;
	s24 =	simm.s32 @!p1 $0xA00;
	s26 =	rddreg [dreg:$0x11]  }
0x176: {  	[tilespmem:s24], [sflag:$0x2] =	stream.linear.gather @!p1 [hbm4b:s26+s13], $0x800, $0x38;
	[tilespmem:$0x1CE80] =	vst v63  }
.LBB2_24:
0x177: {  	s13 =	simm.s32 @!p2 $0x5;
	s24 =	sadd.s32 s28, s9  }
0x178: {  	_ =	swait.ge @!p2 [sflag:s13], $0x4000;
	p4 =	sge.u32 s24, s18  }
0x179: {  	[sflag:s13] =	ssyncset.done @!p2 $0x0;
	s26 =	sshll.u32 @!p4 s24, $0x4  }
0x17a: {  	[sflag:s13] =	ssyncadd.s32 @!p2 $0xFFFFC000;
	s13 =	sadd.s32 @!p4 s4, s26;
	s26 =	simm.s32 @!p4 $0x0  }
0x17b: {  	[tilespmem:s26], [sflag:$0x1] =	stream.linear.gather @!p4 [hbm4b:s13+s26], $0x80, $0x38;
	[tilespmem:$0x1CE80] =	vst v63  }
0x17c: {  	s13 =	sshll.u32 @!p4 s24, $0x8  }
0x17d: {  	s24 =	simm.s32 @!p4 $0x200;
	s13 =	sadd.s32 @!p4 s7, s13  }
0x17e: {  	[tilespmem:s24], [sflag:$0x1] =	stream.linear.gather @!p4 [hbm4b:s13+s26], $0x800, $0x38;
	[tilespmem:$0x1CE80] =	vst v63  }
0x17f: {  	s13 =	simm.s32 @!p3 $0x6  }
0x180: {  	s24 =	sadd.s32 s28, s10;
	_ =	swait.ge @!p3 [sflag:s13], $0x4000  }
0x181: {  	p2 =	sge.u32 s24, s18;
	[sflag:s13] =	ssyncset.done @!p3 $0x0  }
0x182: {  	[sflag:s13] =	ssyncadd.s32 @!p3 $0xFFFFC000;
	s13 =	sshll.u32 @!p2 s24, $0x4  }
0x183: {  	s26 =	simm.s32 @!p2 $0x0;
	s28 =	simm.s32 @!p2 $0x80;
	s13 =	sadd.s32 @!p2 s4, s13  }
0x184: {  	[tilespmem:s28], [sflag:$0x2] =	stream.linear.gather @!p2 [hbm4b:s13+s26], $0x80, $0x38;
	[tilespmem:$0x1CE80] =	vst v63  }
0x185: {  	s13 =	sshll.u32 @!p2 s24, $0x8  }
0x186: {  	s29 =	sadd.s32 $0x1, s29;
	s24 =	simm.s32 @!p2 $0xA00;
	s13 =	sadd.s32 @!p2 s7, s13  }
0x187: {  	[tilespmem:s24], [sflag:$0x2] =	stream.linear.gather @!p2 [hbm4b:s13+s26], $0x800, $0x38;
	[tilespmem:$0x1CE80] =	vst v63  }
0x188: {  	p2 =	sne.s32 s29, $0x14  }
.Ltmp12:
0x189: {  	_ = 	snop;
	(pc) =	sbr.rel @!p2 .LBB2_25-.Ltmp12, $1  }
0x18a: {  	_ =	sdelay $0x3  }
.LBB2_16:
0x18b: {  	s28 =	sshll.u32 s29, $0x5  }
0x18c: {  	s13 =	sadd.s32 s15, s28  }
0x18d: {  	p2 =	sge.u32 s13, s18  }
.Ltmp13:
0x18e: {  	_ = 	snop;
	(pc) =	sbr.rel @p2 .LBB2_20-.Ltmp13, $1  }
0x18f: {  	_ =	sdelay $0x3  }
0x190: {  	_ =	swait.ge [sflag:s21], $0x80  }
0x191: {  	[sflag:s21] =	ssyncset.done $0x0  }
0x192: {  	[sflag:s21] =	ssyncadd.s32 $0xFFFFFF80  }
0x193: {  	_ =	swait.ge [sflag:s21], $0x800  }
0x194: {  	[sflag:s21] =	ssyncset.done $0x0  }
0x195: {  	s13 =	simm.s32 $0x210;
	[sflag:s21] =	ssyncadd.s32 $0xFFFFF800  }
0x196: {  	v2 =	vld [tilespmem:s13+$0x0]  }
0x197: {  	v3 =	vld [tilespmem:s13+$0xFFFFFFF0];
	_ =	sdelay $0x2  }
0x198: {  	s24 =	simm.s32 $0x1280  }
0x199: {  	[tilespmem:s24+$0x70] =	vst v2  }
0x19a: {  	[tilespmem:s24+$0xFFFFFF80] =	vst v3  }
0x19b: {  	[tilespmem:s24+$0xFFFFFF90] =	vst v3  }
0x19c: {  	[tilespmem:s24+$0xFFFFFFA0] =	vst v3  }
0x19d: {  	[tilespmem:s24+$0xFFFFFFB0] =	vst v3  }
0x19e: {  	[tilespmem:s24+$0xFFFFFFC0] =	vst v3  }
0x19f: {  	[tilespmem:s24+$0xFFFFFFD0] =	vst v3  }
0x1a0: {  	[tilespmem:s24+$0xFFFFFFE0] =	vst v3  }
0x1a1: {  	[tilespmem:s24+$0xFFFFFFF0] =	vst v3  }
0x1a2: {  	[tilespmem:s24+$0x0] =	vst v2  }
0x1a3: {  	s26 =	simm.s32 $0x0;
	s13 =	simm.s32 $0x230;
	[tilespmem:s24+$0x10] =	vst v2  }
.LBB2_18:
0x1a4: {  	v3 =	vld [tilespmem:s13+$0x0];
	s26 =	sadd.s32 $0x2, s26;
	[tilespmem:s24+$0x20] =	vst v2  }
0x1a5: {  	v4 =	vld [tilespmem:s13+$0xFFFFFFF0];
	p3 =	slt.u32 s26, $0x7E;
	[tilespmem:s24+$0x30] =	vst v2  }
0x1a6: {  	[tilespmem:s24+$0x40] =	vst v2  }
0x1a7: {  	[tilespmem:s24+$0x50] =	vst v2  }
0x1a8: {  	[tilespmem:s24+$0x60] =	vst v2;
	s24 =	sadd.s32 $0x100, s24  }
0x1a9: {  	[tilespmem:s24+$0x70] =	vst v3;
	v2 =	vmov v3  }
0x1aa: {  	[tilespmem:s24+$0xFFFFFF80] =	vst v4  }
0x1ab: {  	[tilespmem:s24+$0xFFFFFF90] =	vst v4  }
0x1ac: {  	[tilespmem:s24+$0xFFFFFFA0] =	vst v4  }
0x1ad: {  	[tilespmem:s24+$0xFFFFFFB0] =	vst v4  }
0x1ae: {  	[tilespmem:s24+$0xFFFFFFC0] =	vst v4  }
.Ltmp14:
0x1af: {  	[tilespmem:s24+$0xFFFFFFD0] =	vst v4;
	(pc) =	sbr.rel @p3 .LBB2_18-.Ltmp14, $4  }
0x1b0: {  	[tilespmem:s24+$0xFFFFFFE0] =	vst v4  }
0x1b1: {  	[tilespmem:s24+$0xFFFFFFF0] =	vst v4  }
0x1b2: {  	[tilespmem:s24+$0x0] =	vst v2  }
0x1b3: {  	s13 =	sadd.s32 $0x20, s13;
	[tilespmem:s24+$0x10] =	vst v2  }
0x1b4: {  	[tilespmem:s24+$0x20] =	vst v2  }
0x1b5: {  	[tilespmem:s24+$0x30] =	vst v2  }
0x1b6: {  	[tilespmem:s24+$0x40] =	vst v2  }
0x1b7: {  	[tilespmem:s24+$0x50] =	vst v2  }
0x1b8: {  	[tilespmem:s24+$0x60] =	vst v2  }
0x1b9: {  	[spmem:s2] =	stream.indirect.scatter.add.f32 [tilespmem:s17], [sflag:$0x5], $0x80, s3, s14, $0xb8;
	[tilespmem:$0x1CE80] =	vst v63  }
.LBB2_20:
0x1ba: {  	s13 =	sadd.s32 s28, s22  }
0x1bb: {  	p3 =	sge.u32 s13, s18  }
.Ltmp15:
0x1bc: {  	_ = 	snop;
	(pc) =	sbr.rel @p3 .LBB2_24-.Ltmp15, $1  }
0x1bd: {  	_ =	sdelay $0x3  }
0x1be: {  	_ =	swait.ge [sflag:s23], $0x80  }
0x1bf: {  	[sflag:s23] =	ssyncset.done $0x0  }
0x1c0: {  	[sflag:s23] =	ssyncadd.s32 $0xFFFFFF80  }
0x1c1: {  	_ =	swait.ge [sflag:s23], $0x800  }
0x1c2: {  	[sflag:s23] =	ssyncset.done $0x0  }
0x1c3: {  	s13 =	simm.s32 $0xA10;
	[sflag:s23] =	ssyncadd.s32 $0xFFFFF800  }
0x1c4: {  	v2 =	vld [tilespmem:s13+$0x0]  }
0x1c5: {  	v3 =	vld [tilespmem:s13+$0xFFFFFFF0];
	_ =	sdelay $0x2  }
0x1c6: {  	s24 =	simm.s32 $0x5280  }
0x1c7: {  	[tilespmem:s24+$0x70] =	vst v2  }
0x1c8: {  	[tilespmem:s24+$0xFFFFFF80] =	vst v3  }
0x1c9: {  	[tilespmem:s24+$0xFFFFFF90] =	vst v3  }
0x1ca: {  	[tilespmem:s24+$0xFFFFFFA0] =	vst v3  }
0x1cb: {  	[tilespmem:s24+$0xFFFFFFB0] =	vst v3  }
0x1cc: {  	[tilespmem:s24+$0xFFFFFFC0] =	vst v3  }
0x1cd: {  	[tilespmem:s24+$0xFFFFFFD0] =	vst v3  }
0x1ce: {  	[tilespmem:s24+$0xFFFFFFE0] =	vst v3  }
0x1cf: {  	[tilespmem:s24+$0xFFFFFFF0] =	vst v3  }
0x1d0: {  	[tilespmem:s24+$0x0] =	vst v2  }
0x1d1: {  	s26 =	simm.s32 $0x0;
	s13 =	simm.s32 $0xA30;
	[tilespmem:s24+$0x10] =	vst v2  }
.LBB2_22:
0x1d2: {  	v3 =	vld [tilespmem:s13+$0x0];
	s26 =	sadd.s32 $0x2, s26;
	[tilespmem:s24+$0x20] =	vst v2  }
0x1d3: {  	v4 =	vld [tilespmem:s13+$0xFFFFFFF0];
	p4 =	slt.u32 s26, $0x7E;
	[tilespmem:s24+$0x30] =	vst v2  }
0x1d4: {  	[tilespmem:s24+$0x40] =	vst v2  }
0x1d5: {  	[tilespmem:s24+$0x50] =	vst v2  }
0x1d6: {  	[tilespmem:s24+$0x60] =	vst v2;
	s24 =	sadd.s32 $0x100, s24  }
0x1d7: {  	[tilespmem:s24+$0x70] =	vst v3;
	v2 =	vmov v3  }
0x1d8: {  	[tilespmem:s24+$0xFFFFFF80] =	vst v4  }
0x1d9: {  	[tilespmem:s24+$0xFFFFFF90] =	vst v4  }
0x1da: {  	[tilespmem:s24+$0xFFFFFFA0] =	vst v4  }
0x1db: {  	[tilespmem:s24+$0xFFFFFFB0] =	vst v4  }
0x1dc: {  	[tilespmem:s24+$0xFFFFFFC0] =	vst v4  }
.Ltmp16:
0x1dd: {  	[tilespmem:s24+$0xFFFFFFD0] =	vst v4;
	(pc) =	sbr.rel @p4 .LBB2_22-.Ltmp16, $4  }
0x1de: {  	[tilespmem:s24+$0xFFFFFFE0] =	vst v4  }
0x1df: {  	[tilespmem:s24+$0xFFFFFFF0] =	vst v4  }
0x1e0: {  	[tilespmem:s24+$0x0] =	vst v2  }
0x1e1: {  	s13 =	sadd.s32 $0x20, s13;
	[tilespmem:s24+$0x10] =	vst v2  }
0x1e2: {  	[tilespmem:s24+$0x20] =	vst v2  }
.Ltmp17:
0x1e3: {  	[tilespmem:s24+$0x30] =	vst v2;
	(pc) =	sbr.rel .LBB2_24-.Ltmp17, $4  }
0x1e4: {  	[tilespmem:s24+$0x40] =	vst v2  }
0x1e5: {  	[tilespmem:s24+$0x50] =	vst v2  }
0x1e6: {  	[tilespmem:s24+$0x60] =	vst v2  }
0x1e7: {  	[spmem:s2] =	stream.indirect.scatter.add.f32 [tilespmem:s20], [sflag:$0x6], $0x80, s14, s14, $0xb8;
	[tilespmem:$0x1CE80] =	vst v63  }
.LBB2_26:
0x1e8: {  	_ =	sfence.sel $0x180000  }
0x1e9: {  	[bflag:$0x0] =	sbarrier.arrive $0xFFFF  }
0x1ea: {  	_ =	strace $0x9000004A  }
0x1eb: {  	[bflag:$0x2] =	sbarrier.arrive $0xFFFF  }
0x1ec: {  	s0 =	rddreg [dreg:$0x3]  }
0x1ed: {  	s0 =	sadd.s32 @!p0 $0x100000, s0  }
0x1ee: {  	[sflag:s0] =	ssyncadd.tile.s32 @!p0 $0x1;
	_ =	shalt  }
.Lfunc_end2:
_tile_overlayer_lowered:
.L_overlay_start_2:
0x1ef: {  	(tag) =	ssettag $0x2  }
0x1f0: {  	s0 =	rddreg [dreg:$0x0];
	s2 =	stileid.u32  }
0x1f1: {  	s1 =	rddreg [dreg:$0x1];
	p0 =	sne.s32 s2, $0x0  }
0x1f2: {  	s3 =	rddreg [dreg:$0x2];
	[bflag:$0x3] =	sbarrier.arrive $0xFFFF;
	s2 =	simm.s32 @!p0 $0x1C07  }
0x1f3: {  	[timem:s3], [sflag:s2] =	dma.local @!p0 [hbm:s0], s1  }
0x1f4: {  	s0 =	simm.s32 @!p0 $0x7  }
0x1f5: {  	_ =	swait.ge @!p0 [sflag:s0], s1  }
0x1f6: {  	s1 =	ssub.s32 @!p0 $0x0, s1;
	[sflag:s0] =	ssyncset.done @!p0 $0x0  }
0x1f7: {  	[sflag:s0] =	ssyncadd.s32 @!p0 s1  }
0x1f8: {  	[bflag:$0x3] =	sbarrier.arrive $0xFFFF  }
0x1f9: {  	_ =	shalt  }

// kernel: kernel.7.cloned.1.call-start
scs
__scs_entry_jumppad:
0x0: {  	(pc) =	sbr.rel $0x88, $3  }
0x1: {  	(tag) =	ssettag $0x0;
	lr =	simm.s32 $0x1  }
0x2: {  	[smem:$0x3F9E] =	sst lr;
	_ =	strace $0xD0000000  }
0x3: {  	_ = 	snop  }
0x4: {  	_ = 	snop  }
0x5: {  	_ = 	snop  }
0x6: {  	_ = 	snop  }
0x7: {  	_ = 	snop  }
__scs_overlays_trampoline_lowered:
0x8: {  	[smem:$0x3FAD] =	sst s0  }
0x9: {  	[smem:$0x3FAE] =	sst s1  }
0xa: {  	[smem:$0x3FAF] =	sst s2  }
0xb: {  	[smem:$0x3FB0] =	sst s3  }
0xc: {  	[smem:$0x3FB1] =	sst s4  }
0xd: {  	[smem:$0x3FB2] =	sst s5  }
0xe: {  	[smem:$0x3FB3] =	sst s6  }
0xf: {  	[smem:$0x3FB4] =	sst s7  }
0x10: {  	[smem:$0x3FB5] =	sst s8  }
0x11: {  	[smem:$0x3FB6] =	sst s9;
	s0 =	simm.s32 @!p0 $0x0  }
0x12: {  	s1 =	sld [smem:$0x3F9C];
	s0 =	simm.s32 @p0 $0x1  }
0x13: {  	[smem:$0x3FB7] =	sst s0;
	s0 =	simm.s32 @!p1 $0x0  }
0x14: {  	s2 =	sld [smem:$0x3F9B];
	s0 =	simm.s32 @p1 $0x1  }
0x15: {  	[smem:$0x3FB8] =	sst s0;
	s0 =	simm.s32 @!p2 $0x0  }
0x16: {  	s3 =	sld [smem:$0x3FDB];
	s0 =	simm.s32 @p2 $0x1  }
0x17: {  	s4 =	simm.s32 $0x1BF5;
	[smem:$0x3FBA] =	sst s0  }
0x18: {  	s0 =	sld [smem:$0x3F9D];
	_ =	swait.ge [sflag:s4], $0x0  }
0x19: {  	s7 =	sld [smem:$0x3F9E]  }
0x1a: {  	s8 =	sadd.s32 $0xFFFFE003, lr  }
0x1b: {  	s9 =	sadd.s32 $0xFFFFFEF7, lr;
	s5 =	simm.s32 $0xFFFFFFFF;
	p2 =	slt.u32 s8, $0xFFFFF086  }
0x1c: {  	p1 =	slt.u32 s9, $0xF7A;
	s5 =	simm.s32 @!p2 $0x0  }
0x1d: {  	s5 =	simm.s32 @p1 $0x1;
	p0 =	seq.s32 s7, s2  }
0x1e: {  	s7 =	smul.u32 @!p0 $0xF7A, s2;
	p2 =	seq.s32 @!p0 s5, $0x0  }
0x1f: {  	s9 =	smul.u32 $0xF7A, s1;
	s8 =	simm.s32 @!p0 $0x1BF5;
	p2 =	por !p2, p0  }
0x20: {  	[sflag:s8] =	ssyncset.s32 @!p0 $0xFFFFF086;
	s6 =	sadd.s32 @!p0 s3, s7;
	s7 =	simm.s32 @!p0 $0x108  }
0x21: {  	s3 =	sadd.s32 s3, s9;
	s6 =	sadd.s32 @!p0 $0x88, s6;
	s7 =	simm.s32 @p2 $0x1082  }
0x22: {  	[simem:s7], [sflag:s8] =	dma.local @!p0 [hbm:s6], $0xF7A  }
0x23: {  	s9 =	sor.u32 $0xD0000000, s2;
	s6 =	simm.s32 $0x108;
	_ =	swait.ge @!p0 [sflag:s8], $0x0  }
0x24: {  	s3 =	sadd.s32 $0x88, s3;
	s6 =	simm.s32 @!p1 $0x1082;
	[sflag:s4] =	ssyncset.s32 $0xFFFFF086  }
0x25: {  	[simem:s6], [sflag:s4] =	dma.local [hbm:s3], $0xF7A  }
0x26: {  	[smem:$0x3F9E] =	sst s1;
	(tag) =	ssettag s2;
	_ =	strace s9  }
0x27: {  	s1 =	sld [smem:$0x3FAE]  }
0x28: {  	s2 =	sld [smem:$0x3FAF]  }
0x29: {  	s4 =	sld [smem:$0x3FB1]  }
0x2a: {  	p0 =	seq.s32 s5, $0x0;
	s5 =	sld [smem:$0x3FB2]  }
0x2b: {  	s6 =	sld [smem:$0x3FB3]  }
0x2c: {  	s7 =	sld [smem:$0x3FB4]  }
0x2d: {  	s3 =	simm.s32 $0x108;
	s8 =	sld [smem:$0x3FB5]  }
0x2e: {  	s3 =	simm.s32 @!p0 $0x1082;
	s9 =	sld [smem:$0x3FB6]  }
0x2f: {  	lr =	sadd.s32 s0, s3;
	s0 =	sld [smem:$0x3FAD]  }
0x30: {  	s3 =	sld [smem:$0x3FB0]  }
0x31: {  	[smem:$0x3FB9] =	sst s10  }
0x32: {  	s10 =	sld [smem:$0x3FB7];
	_ =	sdelay $0x3  }
0x33: {  	p0 =	seq.s32 s10, $0x1;
	s10 =	sld [smem:$0x3FB9];
	_ =	sdelay $0x3  }
0x34: {  	[smem:$0x3FB9] =	sst s10  }
0x35: {  	s10 =	sld [smem:$0x3FB8];
	_ =	sdelay $0x3  }
0x36: {  	p1 =	seq.s32 s10, $0x1;
	s10 =	sld [smem:$0x3FB9];
	_ =	sdelay $0x3  }
0x37: {  	[smem:$0x3FB9] =	sst s10  }
0x38: {  	s10 =	sld [smem:$0x3FBA]  }
0x39: {  	_ = 	snop;
	(pc) =	sbr.ind lr, $3  }
0x3a: {  	_ = 	snop  }
0x3b: {  	_ = 	snop  }
0x3c: {  	p2 =	seq.s32 s10, $0x1;
	s10 =	sld [smem:$0x3FB9]  }
0x3d: {  	_ =	shalt  }
0x3e: {  	_ =	shalt  }
0x3f: {  	_ =	shalt  }
0x40: {  	_ =	shalt  }
0x41: {  	_ =	shalt  }
0x42: {  	_ =	shalt  }
0x43: {  	_ =	shalt  }
0x44: {  	_ =	shalt  }
0x45: {  	_ =	shalt  }
0x46: {  	_ =	shalt  }
0x47: {  	_ =	shalt  }
0x48: {  	_ =	shalt  }
0x49: {  	_ =	shalt  }
0x4a: {  	_ =	shalt  }
0x4b: {  	_ =	shalt  }
0x4c: {  	_ =	shalt  }
0x4d: {  	_ =	shalt  }
0x4e: {  	_ =	shalt  }
0x4f: {  	_ =	shalt  }
0x50: {  	_ =	shalt  }
0x51: {  	_ =	shalt  }
0x52: {  	_ =	shalt  }
0x53: {  	_ =	shalt  }
0x54: {  	_ =	shalt  }
0x55: {  	_ =	shalt  }
0x56: {  	_ =	shalt  }
0x57: {  	_ =	shalt  }
0x58: {  	_ =	shalt  }
0x59: {  	_ =	shalt  }
0x5a: {  	_ =	shalt  }
0x5b: {  	_ =	shalt  }
0x5c: {  	_ =	shalt  }
0x5d: {  	_ =	shalt  }
0x5e: {  	_ =	shalt  }
0x5f: {  	_ =	shalt  }
0x60: {  	_ =	shalt  }
0x61: {  	_ =	shalt  }
0x62: {  	_ =	shalt  }
0x63: {  	_ =	shalt  }
0x64: {  	_ =	shalt  }
0x65: {  	_ =	shalt  }
0x66: {  	_ =	shalt  }
0x67: {  	_ =	shalt  }
0x68: {  	_ =	shalt  }
0x69: {  	_ =	shalt  }
0x6a: {  	_ =	shalt  }
0x6b: {  	_ =	shalt  }
0x6c: {  	_ =	shalt  }
0x6d: {  	_ =	shalt  }
0x6e: {  	_ =	shalt  }
0x6f: {  	_ =	shalt  }
0x70: {  	_ =	shalt  }
0x71: {  	_ =	shalt  }
0x72: {  	_ =	shalt  }
0x73: {  	_ =	shalt  }
0x74: {  	_ =	shalt  }
0x75: {  	_ =	shalt  }
0x76: {  	_ =	shalt  }
0x77: {  	_ =	shalt  }
0x78: {  	_ =	shalt  }
0x79: {  	_ =	shalt  }
0x7a: {  	_ =	shalt  }
0x7b: {  	_ =	shalt  }
0x7c: {  	_ =	shalt  }
0x7d: {  	_ =	shalt  }
0x7e: {  	_ =	shalt  }
0x7f: {  	_ =	shalt  }
0x80: {  	_ =	shalt  }
0x81: {  	_ =	shalt  }
0x82: {  	_ =	shalt  }
0x83: {  	_ =	shalt  }
0x84: {  	_ =	shalt  }
0x85: {  	_ =	shalt  }
0x86: {  	_ =	shalt  }
0x87: {  	_ =	shalt  }
.Lfunc_end0:
.L_simem_size_0:
called_computation_lowered:
.L_overlay_start_0:
0x88: {  	s2 =	sld [smem:$0x3FD9]  }
0x89: {  	s3 =	sld [smem:$0x3FFE];
	_ =	sdelay $0x1  }
0x8a: {  	s1 =	srdreg.scid  }
0x8b: {  	s0 =	sand.u32 $0x1, s1  }
0x8c: {  	s16 =	sshll.u32 s0, $0xA;
	s2 =	sadd.s32 s3, s2  }
0x8d: {  	s2 =	sadd.s32 s2, s16  }
0x8e: {  	[smem:$0x3FC5] =	sst s2  }
0x8f: {  	_ = 	snop  }
0x90: {  	(tm) =	ssettm $0x1  }
0x91: {  	s17 =	sld [smem:$0x3FFB];
	_ =	sdelay $0x3  }
0x92: {  	_ =	strace s17  }
0x93: {  	s2 =	sld [smem:$0x3FFC];
	_ =	sdelay $0x3  }
0x94: {  	_ =	strace s2  }
0x95: {  	s2 =	sld [smem:$0x3FFD];
	_ =	sdelay $0x3  }
0x96: {  	_ =	strace s2  }
0x97: {  	_ =	strace $0x8FFFFFFF  }
0x98: {  	s18 =	sld [smem:$0x3FDB];
	_ =	sdelay $0x1  }
0x99: {  	s19 =	simm.s32 $_scs_section_size  }
0x9a: {  	s4 =	simm.s32 $_size__tile_overlayer_lowered;
	s5 =	simm.s32 $_tile_overlayer_lowered  }
0x9b: {  	s22 =	simm.s32 $0x1BFF;
	s21 =	sshll.u32 s5, $0x1;
	s2 =	sadd.s32 s19, s18  }
0x9c: {  	s6 =	simm.s32 $0x0;
	s20 =	sshll.u32 s4, $0x1;
	s4 =	sadd.s32 s21, s2  }
0x9d: {  	[timem:s6], [sflag:s22] =	dma.local [hbm:s4], s20  }
0x9e: {  	_ =	swait.ge [sflag:s22], s20  }
0x9f: {  	s3 =	ssub.s32 $0x0, s20;
	[sflag:s22] =	ssyncset.done $0x0  }
0xa0: {  	[sflag:s22] =	ssyncadd.s32 s3;
	_ =	sdelay $0x1  }
0xa1: {  	s23 =	simm.s32 $0x1B8B  }
0xa2: {  	_ =	swait.ge [sflag:s23], $0x1  }
0xa3: {  	[sflag:s23] =	ssyncset.done $0x0  }
0xa4: {  	s25 =	simm.s32 $0x1B8E;
	s24 =	sld [smem:$0x3FFE];
	[sflag:s23] =	ssyncadd.s32 $0xFFFFFFFF  }
0xa5: {  	s26 =	simm.s32 $execute0_lowered;
	[smem:$0x3FD2] =	sst s25  }
0xa6: {  	s4 =	sshll.u32 s26, $0x1;
	_ =	strace $0x80000046;
	[dreg:$0x1] =	wrdreg $0xFFFFFFFF  }
0xa7: {  	s28 =	simm.s32 $_size_execute0_lowered;
	s2 =	sadd.s32 s2, s4;
	[dreg:$0x0] =	wrdreg $0x0  }
0xa8: {  	s4 =	sshll.u32 s28, $0x1;
	[dreg:$0x2] =	wrdreg s2  }
0xa9: {  	[dreg:$0x3] =	wrdreg s4  }
0xaa: {  	[dreg:$0x4] =	wrdreg $0xC0  }
0xab: {  	_ =	task [dreg:s6], $0x5FFFF  }
0xac: {  	[dreg:$0x1] =	wrdreg $0xFFFFFFFF  }
0xad: {  	[dreg:$0x0] =	wrdreg $0x60  }
0xae: {  	[dreg:$0x2] =	wrdreg s24  }
0xaf: {  	[dreg:$0x3] =	wrdreg $0x9  }
0xb0: {  	_ =	task.clear_ibuf [dreg:s6], $0x4FFFF;
	_ =	strace $0x90000046  }
0xb1: {  	s29 =	simm.s32 $0x9;
	_ =	strace $0x80000048  }
0xb2: {  	_ =	swait.ge [sflag:s29], $0x1  }
0xb3: {  	[sflag:s29] =	ssyncadd.s32 $0xFFFFFFFF  }
0xb4: {  	_ =	strace $0x90000048  }
0xb5: {  	_ =	sfence  }
0xb6: {  	s30 =	sld [smem:$0x0];
	_ =	sdelay $0x2  }
0xb7: {  	s31 =	sshll.u32 s1, $0xD;
	s1 =	sshrl.u32 s1, $0x2  }
0xb8: {  	s3 =	sand.u32 $0x4000, s31;
	s1 =	sadd.s32 s1, s30  }
0xb9: {  	s0 =	sor.u32 s3, s0;
	s1 =	sshll.u32 s1, $0x11  }
0xba: {  	s0 =	sor.u32 s1, s0  }
0xbb: {  	s0 =	sadd.s32 $0x8F2B, s0  }
0xbc: {  	[sflag:s0] =	ssyncadd.remote.s32 $0x1  }
0xbd: {  	_ =	sfence.sel $0xFFFF  }
0xbe: {  	[dreg:$0x0] =	wrdreg $0xFFFFFFFF;
	(pc) =	sbr.abs _section_cstart, $3  }
0xbf: {  	[dreg:$0x1] =	wrdreg $0xFFFFFFFF  }
0xc0: {  	_ =	task.clear_ibuf [dreg:s6], $0x2FFFF;
	_ =	strace $0x9FFFFFFF  }
0xc1: {  	(tm) =	ssettm $0x7FFFFFFF  }
tec
execute0_lowered:
.L_overlay_start_1:
0x0: {  	(tag) =	ssettag $0x1  }
0x1: {  	s4 =	rddreg [dreg:$0x0]  }
0x2: {  	s2 =	simm.s32 $0x0;
	s0 =	stileid.u32;
	s5 =	srdreg.scid  }
0x3: {  	s16 =	simm.s32 $0x80;
	s18 =	simm.s32 $0x1;
	s19 =	simm.s32 $0x200  }
0x4: {  	s20 =	simm.s32 $0x8200;
	s21 =	simm.s32 $0x3;
	s22 =	simm.s32 $0x5  }
0x5: {  	s23 =	simm.s32 $0x0;
	[smem:$0x7FF] =	sst s2;
	s3 =	sadd.s32 $0xB400, s4  }
0x6: {  	s9 =	sadd.s32 $0x6400, s4;
	s12 =	sand.u32 $0x1, s5;
	s28 =	sshll.u32 s0, $0x1  }
0x7: {  	s10 =	sadd.s32 $0x1400, s4;
	s29 =	sshll.u32 s0, $0xC;
	s31 =	sshll.u32 s0, $0x5  }
0x8: {  	_ =	strace $0x80000047;
	s6 =	ssub.s32 $0x2, s12;
	s11 =	sor.u32 s12, s28  }
0x9: {  	s14 =	sadd.s32 s29, s4;
	s15 =	sshll.u32 s12, $0x4;
	s12 =	sshll.u32 s12, $0xB  }
0xa: {  	s7 =	sshrl.u32 s6, $0x1;
	s8 =	sshll.u32 s11, $0x4;
	s11 =	sor.u32 $0x60, s11  }
0xb: {  	s13 =	ssub.s32 s6, s7;
	s30 =	sor.u32 $0x200, s8;
	s1 =	sadd.s32 s9, s8  }
0xc: {  	s5 =	sadd.s32 s10, s8;
	[dreg:$0x2] =	wrdreg s1;
	s7 =	sadd.s32 s10, s30  }
0xd: {  	s8 =	smax.u32 s13, $0x1;
	s10 =	sadd.s32 s31, s10;
	s13 =	sadd.s32 s31, s9  }
0xe: {  	s6 =	sadd.s32 s9, s30;
	s9 =	sadd.s32 s15, s10;
	s10 =	sadd.s32 s15, s13  }
0xf: {  	s13 =	sadd.s32 $0x2A3600, s14;
	s14 =	sadd.s32 $0x32600, s14;
	s15 =	simm.s32 $0x100  }
.LBB2_1:
0x10: {  	s0 =	rddreg [dreg:$0x2]  }
0x11: {  	[tilespmem:s2], [sflag:$0x1] =	stream.linear.gather [hbm4b:s0+s2], $0x80, $0x38;
	[tilespmem:$0x10200] =	vst v63  }
0x12: {  	_ = 	snop  }
0x13: {  	[tilespmem:s15], [sflag:$0x1] =	stream.linear.gather [hbm4b:s5+s2], $0x80, $0x38;
	[tilespmem:$0x10200] =	vst v63  }
0x14: {  	_ = 	snop  }
0x15: {  	[tilespmem:s16], [sflag:$0x2] =	stream.linear.gather [hbm4b:s6+s2], $0x80, $0x38;
	[tilespmem:$0x10200] =	vst v63  }
0x16: {  	s1 =	simm.s32 $0x180  }
0x17: {  	[tilespmem:s1], [sflag:$0x2] =	stream.linear.gather [hbm4b:s7+s2], $0x80, $0x38;
	[tilespmem:$0x10200] =	vst v63  }
0x18: {  	_ =	swait.ge [sflag:s18], $0x80  }
0x19: {  	[sflag:s18] =	ssyncset.done $0x0  }
0x1a: {  	[sflag:s18] =	ssyncadd.s32 $0xFFFFFF80  }
0x1b: {  	_ =	swait.ge [sflag:s18], $0x80  }
0x1c: {  	s24 =	sadd.s32 $0xFFFFFFC0, s11;
	[sflag:s18] =	ssyncset.done $0x0  }
0x1d: {  	p0 =	sgt.u32 s24, $0x4E1;
	[sflag:s18] =	ssyncadd.s32 $0xFFFFFF80  }
0x1e: {  	[tilespmem:s19], [sflag:$0x3] =	stream.indirect.gather [hbm4b:s3+s16], $0x80, s2, s16, $0xb8;
	[tilespmem:$0x10200] =	vst v63  }
0x1f: {  	s24 =	simm.s32 @!p0 $0x2  }
0x20: {  	[tilespmem:s20], [sflag:$0x3] =	stream.indirect.gather [hbm4b:s3+s16], $0x80, s15, s16, $0xb8;
	[tilespmem:$0x10200] =	vst v63  }
0x21: {  	_ =	swait.ge @!p0 [sflag:s24], $0x80  }
0x22: {  	[sflag:s24] =	ssyncset.done @!p0 $0x0  }
0x23: {  	[sflag:s24] =	ssyncadd.s32 @!p0 $0xFFFFFF80  }
0x24: {  	_ =	swait.ge @!p0 [sflag:s24], $0x80  }
0x25: {  	[sflag:s24] =	ssyncset.done @!p0 $0x0  }
0x26: {  	s25 =	simm.s32 @!p0 $0x80;
	s26 =	simm.s32 @!p0 $0x4200;
	[sflag:s24] =	ssyncadd.s32 @!p0 $0xFFFFFF80  }
0x27: {  	[tilespmem:s26], [sflag:$0x4] =	stream.indirect.gather @!p0 [hbm4b:s3+s25], $0x80, s25, s25, $0xb8;
	[tilespmem:$0x10200] =	vst v63  }
0x28: {  	s28 =	simm.s32 @!p0 $0xC200;
	s24 =	simm.s32 @!p0 $0x180  }
0x29: {  	[tilespmem:s28], [sflag:$0x4] =	stream.indirect.gather @!p0 [hbm4b:s3+s25], $0x80, s24, s25, $0xb8;
	[tilespmem:$0x10200] =	vst v63  }
0x2a: {  	_ =	swait.ge [sflag:s21], $0x4000  }
0x2b: {  	[sflag:s21] =	ssyncset.done $0x0  }
0x2c: {  	[sflag:s21] =	ssyncadd.s32 $0xFFFFC000  }
0x2d: {  	_ =	swait.ge [sflag:s21], $0x4000  }
0x2e: {  	[sflag:s21] =	ssyncset.done $0x0  }
0x2f: {  	s4 =	sadd.s32 s14, s12;
	[sflag:s21] =	ssyncadd.s32 $0xFFFFC000  }
0x30: {  	[hbm4b:s4+s2] =	stream.linear.scatter [tilespmem:s19], [sflag:$0x5], $0x4000, $0x38;
	[tilespmem:$0x10200] =	vst v63  }
0x31: {  	s17 =	sadd.s32 s13, s12;
	s25 =	simm.s32 @!p0 $0x4  }
0x32: {  	[hbm4b:s17+s2] =	stream.linear.scatter [tilespmem:s20], [sflag:$0x5], $0x4000, $0x38;
	[tilespmem:$0x10200] =	vst v63  }
0x33: {  	_ =	swait.ge @!p0 [sflag:s25], $0x4000  }
0x34: {  	[sflag:s25] =	ssyncset.done @!p0 $0x0  }
0x35: {  	[sflag:s25] =	ssyncadd.s32 @!p0 $0xFFFFC000  }
0x36: {  	_ =	swait.ge @!p0 [sflag:s25], $0x4000  }
0x37: {  	s29 =	sadd.s32 @!p0 s13, s12;
	s24 =	sadd.s32 @!p0 s14, s12;
	[sflag:s25] =	ssyncset.done @!p0 $0x0  }
0x38: {  	s30 =	simm.s32 @!p0 $0x0;
	s24 =	sadd.s32 @!p0 $0x10000, s24;
	[sflag:s25] =	ssyncadd.s32 @!p0 $0xFFFFC000  }
0x39: {  	[hbm4b:s24+s30] =	stream.linear.scatter @!p0 [tilespmem:s26], [sflag:$0x6], $0x4000, $0x38;
	[tilespmem:$0x10200] =	vst v63  }
0x3a: {  	s24 =	sadd.s32 @!p0 $0x10000, s29  }
0x3b: {  	[hbm4b:s24+s30] =	stream.linear.scatter @!p0 [tilespmem:s28], [sflag:$0x6], $0x4000, $0x38;
	[tilespmem:$0x10200] =	vst v63  }
0x3c: {  	_ =	swait.ge [sflag:s22], $0x4000  }
0x3d: {  	[sflag:s22] =	ssyncset.done $0x0  }
0x3e: {  	s26 =	sadd.s32 $0xFFFFFFE0, s11;
	[sflag:s22] =	ssyncadd.s32 $0xFFFFC000  }
0x3f: {  	p1 =	sgt.u32 s26, $0x4E1;
	_ =	swait.ge [sflag:s22], $0x4000  }
0x40: {  	s24 =	sadd.s32 @!p1 $0x0, s10;
	s25 =	sadd.s32 @!p1 $0x0, s9;
	[sflag:s22] =	ssyncset.done $0x0  }
0x41: {  	s26 =	simm.s32 @!p1 $0x0;
	s24 =	sadd.s32 @!p1 $0x400, s24;
	[sflag:s22] =	ssyncadd.s32 $0xFFFFC000  }
0x42: {  	[tilespmem:s26], [sflag:$0x1] =	stream.linear.gather @!p1 [hbm4b:s24+s26], $0x80, $0x38;
	[tilespmem:$0x10200] =	vst v63  }
0x43: {  	s28 =	simm.s32 @!p0 $0x6;
	s24 =	sadd.s32 @!p1 $0x400, s25;
	s25 =	simm.s32 @!p1 $0x100  }
0x44: {  	[tilespmem:s25], [sflag:$0x1] =	stream.linear.gather @!p1 [hbm4b:s24+s26], $0x80, $0x38;
	[tilespmem:$0x10200] =	vst v63  }
0x45: {  	_ =	swait.ge @!p0 [sflag:s28], $0x4000  }
0x46: {  	p2 =	sgt.u32 s11, $0x4E1;
	[sflag:s28] =	ssyncset.done @!p0 $0x0  }
0x47: {  	s31 =	simm.s32 @!p2 $0x180;
	[sflag:s28] =	ssyncadd.s32 @!p0 $0xFFFFC000  }
0x48: {  	s29 =	sadd.s32 @!p2 $0x0, s9;
	s30 =	simm.s32 @!p2 $0x0;
	_ =	swait.ge @!p0 [sflag:s28], $0x4000  }
0x49: {  	s24 =	sadd.s32 @!p2 $0x0, s10;
	s25 =	simm.s32 @!p2 $0x80;
	[sflag:s28] =	ssyncset.done @!p0 $0x0  }
0x4a: {  	s26 =	sadd.s32 $0x20000, s13;
	s24 =	sadd.s32 @!p2 $0x600, s24;
	[sflag:s28] =	ssyncadd.s32 @!p0 $0xFFFFC000  }
0x4b: {  	[tilespmem:s25], [sflag:$0x2] =	stream.linear.gather @!p2 [hbm4b:s24+s30], $0x80, $0x38;
	[tilespmem:$0x10200] =	vst v63  }
0x4c: {  	s28 =	smov.u32 s11;
	s24 =	simm.s32 $0x400;
	s25 =	sadd.s32 $0x20000, s14  }
.LBB2_2:
0x4d: {  	s0 =	sadd.s32 @!p2 $0x600, s29  }
0x4e: {  	s28 =	sadd.s32 $0x40, s28;
	s29 =	smov.u32 s24;
	s24 =	sadd.s32 $0x400, s24  }
0x4f: {  	[tilespmem:s31], [sflag:$0x2] =	stream.linear.gather @!p2 [hbm4b:s0+s30], $0x80, $0x38;
	[tilespmem:$0x10200] =	vst v63  }
0x50: {  	p0 =	sne.s32 s24, $0x5000;
	_ =	swait.ge [sflag:s18], $0x80  }
0x51: {  	[sflag:s18] =	ssyncset.done $0x0  }
0x52: {  	[sflag:s18] =	ssyncadd.s32 $0xFFFFFF80  }
0x53: {  	_ =	swait.ge [sflag:s18], $0x80  }
0x54: {  	[sflag:s18] =	ssyncset.done $0x0  }
0x55: {  	s0 =	sadd.s32 $0xFFFFFFC0, s28;
	[sflag:s18] =	ssyncadd.s32 $0xFFFFFF80  }
0x56: {  	[tilespmem:s19], [sflag:$0x3] =	stream.indirect.gather [hbm4b:s3+s16], $0x80, s2, s16, $0xb8;
	[tilespmem:$0x10200] =	vst v63  }
0x57: {  	p1 =	sgt.u32 s0, $0x4E1  }
0x58: {  	[tilespmem:s20], [sflag:$0x3] =	stream.indirect.gather [hbm4b:s3+s16], $0x80, s15, s16, $0xb8;
	[tilespmem:$0x10200] =	vst v63  }
0x59: {  	s0 =	simm.s32 @!p1 $0x2;
	s30 =	sadd.s32 @!p1 s25, s12;
	s31 =	sadd.s32 @!p1 s26, s12  }
0x5a: {  	s30 =	sadd.s32 @!p1 $0x10000, s30;
	s31 =	sadd.s32 @!p1 $0x10000, s31;
	_ =	swait.ge @!p1 [sflag:s0], $0x80  }
0x5b: {  	[sflag:s0] =	ssyncset.done @!p1 $0x0  }
0x5c: {  	[sflag:s0] =	ssyncadd.s32 @!p1 $0xFFFFFF80  }
0x5d: {  	_ =	swait.ge @!p1 [sflag:s0], $0x80  }
0x5e: {  	s1 =	simm.s32 @!p1 $0x80;
	s17 =	simm.s32 @!p1 $0x4200;
	[sflag:s0] =	ssyncset.done @!p1 $0x0  }
0x5f: {  	s4 =	simm.s32 @!p1 $0xC200;
	[sflag:s0] =	ssyncadd.s32 @!p1 $0xFFFFFF80;
	s0 =	simm.s32 @!p1 $0x180  }
0x60: {  	[tilespmem:s17], [sflag:$0x4] =	stream.indirect.gather @!p1 [hbm4b:s3+s1], $0x80, s1, s1, $0xb8;
	[tilespmem:$0x10200] =	vst v63  }
0x61: {  	_ = 	snop  }
0x62: {  	[tilespmem:s4], [sflag:$0x4] =	stream.indirect.gather @!p1 [hbm4b:s3+s1], $0x80, s0, s1, $0xb8;
	[tilespmem:$0x10200] =	vst v63  }
0x63: {  	_ =	swait.ge [sflag:s21], $0x4000  }
0x64: {  	[sflag:s21] =	ssyncset.done $0x0  }
0x65: {  	[sflag:s21] =	ssyncadd.s32 $0xFFFFC000  }
0x66: {  	_ =	swait.ge [sflag:s21], $0x4000  }
0x67: {  	s0 =	sadd.s32 s25, s12;
	[sflag:s21] =	ssyncset.done $0x0  }
0x68: {  	s1 =	sadd.s32 s26, s12;
	[sflag:s21] =	ssyncadd.s32 $0xFFFFC000  }
0x69: {  	[hbm4b:s0+s2] =	stream.linear.scatter [tilespmem:s19], [sflag:$0x5], $0x4000, $0x38;
	[tilespmem:$0x10200] =	vst v63  }
0x6a: {  	s0 =	simm.s32 @!p1 $0x4  }
0x6b: {  	[hbm4b:s1+s2] =	stream.linear.scatter [tilespmem:s20], [sflag:$0x5], $0x4000, $0x38;
	[tilespmem:$0x10200] =	vst v63  }
0x6c: {  	_ =	swait.ge @!p1 [sflag:s0], $0x4000  }
0x6d: {  	[sflag:s0] =	ssyncset.done @!p1 $0x0  }
0x6e: {  	[sflag:s0] =	ssyncadd.s32 @!p1 $0xFFFFC000  }
0x6f: {  	_ =	swait.ge @!p1 [sflag:s0], $0x4000  }
0x70: {  	s1 =	simm.s32 @!p1 $0x0;
	[sflag:s0] =	ssyncset.done @!p1 $0x0  }
0x71: {  	[sflag:s0] =	ssyncadd.s32 @!p1 $0xFFFFC000  }
0x72: {  	[hbm4b:s30+s1] =	stream.linear.scatter @!p1 [tilespmem:s17], [sflag:$0x6], $0x4000, $0x38;
	[tilespmem:$0x10200] =	vst v63  }
0x73: {  	_ = 	snop  }
0x74: {  	[hbm4b:s31+s1] =	stream.linear.scatter @!p1 [tilespmem:s4], [sflag:$0x6], $0x4000, $0x38;
	[tilespmem:$0x10200] =	vst v63  }
0x75: {  	_ =	swait.ge [sflag:s22], $0x4000  }
0x76: {  	s0 =	sadd.s32 $0xFFFFFFE0, s28;
	[sflag:s22] =	ssyncset.done $0x0  }
0x77: {  	p2 =	sgt.u32 s0, $0x4E1;
	[sflag:s22] =	ssyncadd.s32 $0xFFFFC000  }
0x78: {  	s0 =	sadd.s32 @!p2 s29, s10;
	s1 =	sadd.s32 @!p2 s29, s9;
	_ =	swait.ge [sflag:s22], $0x4000  }
0x79: {  	s0 =	sadd.s32 @!p2 $0x400, s0;
	s4 =	simm.s32 @!p2 $0x0;
	[sflag:s22] =	ssyncset.done $0x0  }
0x7a: {  	s17 =	simm.s32 @!p2 $0x100;
	s1 =	sadd.s32 @!p2 $0x400, s1;
	[sflag:s22] =	ssyncadd.s32 $0xFFFFC000  }
0x7b: {  	[tilespmem:s4], [sflag:$0x1] =	stream.linear.gather @!p2 [hbm4b:s0+s4], $0x80, $0x38;
	[tilespmem:$0x10200] =	vst v63  }
0x7c: {  	s0 =	simm.s32 @!p1 $0x6  }
0x7d: {  	[tilespmem:s17], [sflag:$0x1] =	stream.linear.gather @!p2 [hbm4b:s1+s4], $0x80, $0x38;
	[tilespmem:$0x10200] =	vst v63  }
0x7e: {  	_ =	swait.ge @!p1 [sflag:s0], $0x4000  }
0x7f: {  	s25 =	sadd.s32 $0x20000, s25;
	s26 =	sadd.s32 $0x20000, s26;
	[sflag:s0] =	ssyncset.done @!p1 $0x0  }
.Ltmp0:
0x80: {  	p2 =	sgt.u32 s28, $0x4E1;
	[sflag:s0] =	ssyncadd.s32 @!p1 $0xFFFFC000;
	(pc) =	sbr.rel @p0 .LBB2_2-.Ltmp0, $4  }
0x81: {  	s1 =	sadd.s32 @!p2 s29, s10;
	s4 =	simm.s32 @!p2 $0x80;
	_ =	swait.ge @!p1 [sflag:s0], $0x4000  }
0x82: {  	s30 =	simm.s32 @!p2 $0x0;
	s1 =	sadd.s32 @!p2 $0x600, s1;
	[sflag:s0] =	ssyncset.done @!p1 $0x0  }
0x83: {  	s29 =	sadd.s32 @!p2 s29, s9;
	s31 =	simm.s32 @!p2 $0x180;
	[sflag:s0] =	ssyncadd.s32 @!p1 $0xFFFFC000  }
0x84: {  	[tilespmem:s4], [sflag:$0x2] =	stream.linear.gather @!p2 [hbm4b:s1+s30], $0x80, $0x38;
	[tilespmem:$0x10200] =	vst v63  }
0x85: {  	s23 =	sadd.s32 $0x1, s23  }
0x86: {  	p0 =	sne.s32 s23, s8  }
.Ltmp1:
0x87: {  	_ = 	snop;
	(pc) =	sbr.rel @p0 .LBB2_1-.Ltmp1, $3  }
0x88: {  	_ =	sdelay $0x1  }
0x89: {  	s0 =	sadd.s32 @!p2 $0x600, s29  }
0x8a: {  	[tilespmem:s31], [sflag:$0x2] =	stream.linear.gather @!p2 [hbm4b:s0+s30], $0x80, $0x38;
	[tilespmem:$0x10200] =	vst v63  }
0x8b: {  	_ =	sfence.sel $0x180000  }
0x8c: {  	[bflag:$0x0] =	sbarrier.arrive $0xFFFF  }
0x8d: {  	_ =	strace $0x90000047  }
0x8e: {  	s0 =	stileid.u32;
	[bflag:$0x2] =	sbarrier.arrive $0xFFFF  }
0x8f: {  	p0 =	sne.s32 s0, $0x0;
	s0 =	rddreg [dreg:$0x1]  }
0x90: {  	s0 =	sadd.s32 @!p0 $0x100000, s0  }
0x91: {  	[sflag:s0] =	ssyncadd.tile.s32 @!p0 $0x1;
	_ =	shalt  }
.Lfunc_end2:
_tile_overlayer_lowered:
.L_overlay_start_2:
0x92: {  	(tag) =	ssettag $0x2  }
0x93: {  	s0 =	rddreg [dreg:$0x0];
	s2 =	stileid.u32  }
0x94: {  	s1 =	rddreg [dreg:$0x1];
	p0 =	sne.s32 s2, $0x0  }
0x95: {  	s3 =	rddreg [dreg:$0x2];
	[bflag:$0x3] =	sbarrier.arrive $0xFFFF;
	s2 =	simm.s32 @!p0 $0x1C07  }
0x96: {  	[timem:s3], [sflag:s2] =	dma.local @!p0 [hbm:s0], s1  }
0x97: {  	s0 =	simm.s32 @!p0 $0x7  }
0x98: {  	_ =	swait.ge @!p0 [sflag:s0], s1  }
0x99: {  	s1 =	ssub.s32 @!p0 $0x0, s1;
	[sflag:s0] =	ssyncset.done @!p0 $0x0  }
0x9a: {  	[sflag:s0] =	ssyncadd.s32 @!p0 s1  }
0x9b: {  	[bflag:$0x3] =	sbarrier.arrive $0xFFFF  }
0x9c: {  	_ =	shalt  }

</sc_bundles>
